<compile_context>
chip_gen: v7x
topology: tpu7x:2x2x1
jax: 0.10.2.dev20260603
libtpu: 0.0.44.dev20260713+nightly
codegen_flags: <defaults>
</compile_context>

<pallas_src>
import functools

import jax
import jax.numpy as jnp
from jax import lax
from jax.experimental import pallas as pl
from jax.experimental.pallas import tpu as pltpu
from jax.experimental.pallas import tpu_sc as plsc

N = 10000
NP = 10240
E = 320000
D = 128
NC = 2
NS = 16
NW = NC * NS
IW = 128
KPT = 80
SCH = 64
NSUB = KPT * IW // SCH
EP = NW * KPT * IW
RPT = NP // NS
BT = 1024
NG = NP // BT


def _sc_mesh():
    return plsc.VectorSubcoreMesh(core_axis_name="c", subcore_axis_name="s")



def _copy_idx_row(idx_all, c, buf):

    def cp(j, _):
        buf[pl.ds(j * 16, 16)] = idx_all[c, pl.ds(j * 16, 16)]
        return 0

    lax.fori_loop(0, IW // 16, cp, 0)


def _copy_idx_sub(idx_all, u, buf):
    row = u // 2
    half = u % 2

    def cp(j, _):
        buf[pl.ds(j * 16, 16)] = idx_all[row, pl.ds(half * SCH + j * 16, 16)]
        return 0

    lax.fori_loop(0, SCH // 16, cp, 0)


def _sc_degrees(src2d, dst2d):

    @functools.partial(
        pl.kernel,
        out_type=jax.ShapeDtypeStruct((NC, 2, NP), jnp.float32),
        mesh=_sc_mesh(),
        scratch_types=[
            pltpu.VMEM((KPT, IW), jnp.int32),
            pltpu.VMEM((KPT, IW), jnp.int32),
            pltpu.VMEM((IW,), jnp.int32),
            pltpu.VMEM((IW,), jnp.int32),
            pltpu.VMEM((IW,), jnp.int32),
            pltpu.VMEM((IW,), jnp.int32),
            pltpu.VMEM((IW,), jnp.float32),
            pltpu.VMEM((RPT,), jnp.float32),
            pltpu.VMEM_SHARED((NP,), jnp.float32),
            pltpu.VMEM_SHARED((NP,), jnp.float32),
            pltpu.SemaphoreType.DMA,
            pltpu.SemaphoreType.DMA,
        ],
    )
    def deg_kernel(src_hbm, dst_hbm, out_hbm, sidx, didx, sa, da, sb, db,
                   ones_v, zero_v, acc_s, acc_d, sem_s, sem_d):
        cid = lax.axis_index("c")
        sid = lax.axis_index("s")
        w = cid * NS + sid

        def fill_ones(i, _):
            ones_v[pl.ds(i * 16, 16)] = jnp.ones((16,), jnp.float32)
            return 0

        lax.fori_loop(0, IW // 16, fill_ones, 0)

        def fill_zero(i, _):
            zero_v[pl.ds(i * 16, 16)] = jnp.zeros((16,), jnp.float32)
            return 0

        lax.fori_loop(0, RPT // 16, fill_zero, 0)

        pltpu.sync_copy(zero_v, acc_s.at[pl.ds(sid * RPT, RPT)])
        pltpu.sync_copy(zero_v, acc_d.at[pl.ds(sid * RPT, RPT)])
        pltpu.sync_copy(src_hbm.at[pl.ds(w * KPT, KPT)], sidx)
        pltpu.sync_copy(dst_hbm.at[pl.ds(w * KPT, KPT)], didx)
        plsc.subcore_barrier()

        _copy_idx_row(sidx, 0, sa)
        _copy_idx_row(didx, 0, da)

        def step(c2, _):
            c = 2 * c2
            cs = pltpu.async_copy(ones_v, acc_s.at[sa], sem_s, add=True)
            cd = pltpu.async_copy(ones_v, acc_d.at[da], sem_d, add=True)
            _copy_idx_row(sidx, c + 1, sb)
            _copy_idx_row(didx, c + 1, db)
            cs.wait()
            cd.wait()
            cs = pltpu.async_copy(ones_v, acc_s.at[sb], sem_s, add=True)
            cd = pltpu.async_copy(ones_v, acc_d.at[db], sem_d, add=True)

            @pl.when(c + 2 < KPT)
            def _():
                _copy_idx_row(sidx, c + 2, sa)
                _copy_idx_row(didx, c + 2, da)

            cs.wait()
            cd.wait()
            return 0

        lax.fori_loop(0, KPT // 2, step, 0)
        plsc.subcore_barrier()

        r0 = sid * RPT
        pltpu.sync_copy(acc_s.at[pl.ds(r0, RPT)], out_hbm.at[cid, 0, pl.ds(r0, RPT)])
        pltpu.sync_copy(acc_d.at[pl.ds(r0, RPT)], out_hbm.at[cid, 1, pl.ds(r0, RPT)])

    return deg_kernel(src2d, dst2d)


CH = 80
ECT = E // NW
KCH = ECT // CH


def _sc_scatter(hw, srcf, dstf):

    @functools.partial(
        pl.kernel,
        out_type=jax.ShapeDtypeStruct((NC, NP, D), jnp.float32),
        mesh=_sc_mesh(),
        scratch_types=[
            pltpu.VMEM((CH,), jnp.int32),
            pltpu.VMEM((CH,), jnp.int32),
            pltpu.VMEM((CH,), jnp.int32),
            pltpu.VMEM((CH,), jnp.int32),
            pltpu.VMEM((CH, D), jnp.float32),
            pltpu.VMEM((CH, D), jnp.float32),
            pltpu.VMEM_SHARED((NP, D), jnp.float32),
            pltpu.SemaphoreType.DMA,
            pltpu.SemaphoreType.DMA,
            pltpu.SemaphoreType.DMA,
            pltpu.SemaphoreType.DMA,
        ],
    )
    def msg_kernel(hw_hbm, src_hbm, dst_hbm, out_hbm, si_a, di_a, si_b, di_b,
                   rows_a, rows_b, acc, sem_ga, sem_gb, sem_ia, sem_ib):
        cid = lax.axis_index("c")
        sid = lax.axis_index("s")
        w = cid * NS + sid
        base = w * ECT

        def zrow(i, _):
            def zcol(j, _):
                rows_a[i, pl.ds(j * 16, 16)] = jnp.zeros((16,), jnp.float32)
                return 0

            return lax.fori_loop(0, D // 16, zcol, 0)

        lax.fori_loop(0, CH, zrow, 0)

        def zcopy(k, _):
            pltpu.sync_copy(rows_a, acc.at[pl.ds(sid * RPT + k * CH, CH)])
            return 0

        lax.fori_loop(0, RPT // CH, zcopy, 0)
        plsc.subcore_barrier()

        def fire_idx(c, si, di, sem):
            off = base + c * CH
            pltpu.async_copy(src_hbm.at[pl.ds(off, CH)], si, sem)
            pltpu.async_copy(dst_hbm.at[pl.ds(off, CH)], di, sem)

        def wait_idx(si, di, sem):
            pltpu.make_async_copy(src_hbm.at[pl.ds(0, CH)], si, sem).wait()
            pltpu.make_async_copy(dst_hbm.at[pl.ds(0, CH)], di, sem).wait()

        def wait_gather(rows, sem):
            pltpu.make_async_copy(hw_hbm.at[pl.ds(0, CH)], rows, sem).wait()

        fire_idx(0, si_a, di_a, sem_ia)
        fire_idx(1, si_b, di_b, sem_ib)
        wait_idx(si_a, di_a, sem_ia)
        pltpu.async_copy(hw_hbm.at[si_a], rows_a, sem_ga)

        def step(c2, _):
            c = 2 * c2
            wait_idx(si_b, di_b, sem_ib)
            wait_gather(rows_a, sem_ga)
            pltpu.async_copy(hw_hbm.at[si_b], rows_b, sem_gb)
            pltpu.sync_copy(rows_a, acc.at[di_a], add=True)
            fire_idx(c + 2, si_a, di_a, sem_ia)
            wait_idx(si_a, di_a, sem_ia)
            wait_gather(rows_b, sem_gb)
            pltpu.async_copy(hw_hbm.at[si_a], rows_a, sem_ga)
            pltpu.sync_copy(rows_b, acc.at[di_b], add=True)

            @pl.when(c + 3 < KCH)
            def _():
                fire_idx(c + 3, si_b, di_b, sem_ib)

            return 0

        lax.fori_loop(0, KCH // 2, step, 0)
        wait_gather(rows_a, sem_ga)
        pltpu.sync_copy(rows_a, acc.at[di_a], add=True)
        plsc.subcore_barrier()

        r0 = sid * RPT
        pltpu.sync_copy(acc.at[pl.ds(r0, RPT)], out_hbm.at[cid, pl.ds(r0, RPT)])

    return msg_kernel(hw, srcf, dstf)



def _norm(degp):
    d = degp[0] + degp[1]
    return jnp.where(d > 0, 1.0 / jnp.sqrt(jnp.maximum(d, 1.0)), 0.0)


def _tc_first(xp, degoutp, W1):
    def body(x_ref, dop_ref, w_ref, o_ref):
        ns = _norm(dop_ref[...])
        o_ref[...] = jnp.dot(x_ref[...] * ns, w_ref[...],
                             preferred_element_type=jnp.float32)

    return pl.pallas_call(
        body,
        grid=(NG,),
        in_specs=[
            pl.BlockSpec((BT, D), lambda i: (i, 0)),
            pl.BlockSpec((NC, BT, 1), lambda i: (0, i, 0)),
            pl.BlockSpec((D, D), lambda i: (0, 0)),
        ],
        out_specs=pl.BlockSpec((BT, D), lambda i: (i, 0)),
        out_shape=jax.ShapeDtypeStruct((NP, D), jnp.float32),
    )(xp, degoutp, W1)


def _tc_mid(aggp, deginp, degoutp, b, W):
    def body(a_ref, dip_ref, dop_ref, b_ref, w_ref, o_ref):
        a = a_ref[0] + a_ref[1]
        nd = _norm(dip_ref[...])
        h = jnp.maximum(a * nd + b_ref[...][None, :], 0.0)
        ns = _norm(dop_ref[...])
        o_ref[...] = jnp.dot(h * ns, w_ref[...],
                             preferred_element_type=jnp.float32)

    return pl.pallas_call(
        body,
        grid=(NG,),
        in_specs=[
            pl.BlockSpec((NC, BT, D), lambda i: (0, i, 0)),
            pl.BlockSpec((NC, BT, 1), lambda i: (0, i, 0)),
            pl.BlockSpec((NC, BT, 1), lambda i: (0, i, 0)),
            pl.BlockSpec((D,), lambda i: (0,)),
            pl.BlockSpec((D, D), lambda i: (0, 0)),
        ],
        out_specs=pl.BlockSpec((BT, D), lambda i: (i, 0)),
        out_shape=jax.ShapeDtypeStruct((NP, D), jnp.float32),
    )(aggp, deginp, degoutp, b, W)


def _tc_final(aggp, deginp, b3, Wl, bl):
    def body(a_ref, dip_ref, b_ref, wl_ref, bl_ref, o_ref):
        i = pl.program_id(0)
        a = a_ref[0] + a_ref[1]
        nd = _norm(dip_ref[...])
        h = jnp.maximum(a * nd + b_ref[...][None, :], 0.0)
        rid = lax.broadcasted_iota(jnp.int32, (BT, 1), 0) + i * BT
        h = jnp.where(rid < N, h, 0.0)
        wl = wl_ref[...][:, 0]
        p = jnp.sum(h * wl[None, :])

        @pl.when(i == 0)
        def _init():
            o_ref[...] = jnp.zeros_like(o_ref)

        o_ref[...] += p

        @pl.when(i == NG - 1)
        def _fin():
            o_ref[...] = o_ref[...] / float(N) + bl_ref[...][None, :]

    return pl.pallas_call(
        body,
        grid=(NG,),
        in_specs=[
            pl.BlockSpec((NC, BT, D), lambda i: (0, i, 0)),
            pl.BlockSpec((NC, BT, 1), lambda i: (0, i, 0)),
            pl.BlockSpec((D,), lambda i: (0,)),
            pl.BlockSpec((D, 1), lambda i: (0, 0)),
            pl.BlockSpec((1,), lambda i: (0,)),
        ],
        out_specs=pl.BlockSpec((1, 1), lambda i: (0, 0)),
        out_shape=jax.ShapeDtypeStruct((1, 1), jnp.float32),
    )(aggp, deginp, b3, Wl, bl)



def kernel(x, edge_index, W1, b1, W2, b2, W3, b3, Wl, bl):
    pad = N + (jnp.arange(EP - E, dtype=edge_index.dtype) % (NP - N))
    src = jnp.concatenate([edge_index[0], pad]).reshape(NW * KPT, IW)
    dst = jnp.concatenate([edge_index[1], pad]).reshape(NW * KPT, IW)
    xp = jnp.pad(x, ((0, NP - N), (0, 0)))

    degp = _sc_degrees(src, dst)
    srcf = edge_index[0]
    dstf = edge_index[1]
    degsrc = degp[:, 0, :].reshape(NC, NP, 1)
    degdst = degp[:, 1, :].reshape(NC, NP, 1)

    hw1 = _tc_first(xp, degsrc, W1)
    agg1 = _sc_scatter(hw1, srcf, dstf)
    hw2 = _tc_mid(agg1, degdst, degsrc, b1, W2)
    agg2 = _sc_scatter(hw2, srcf, dstf)
    hw3 = _tc_mid(agg2, degdst, degsrc, b2, W3)
    agg3 = _sc_scatter(hw3, srcf, dstf)
    return _tc_final(agg3, degdst, b3, Wl, bl)

# --- scband reference (transcript-rebuilt; emitter-appended) ---
"""Pipeline reference for scband-regressor-64828236365942 (READ-ONLY COPY).

The authoritative reference and input builder live on the scoring server;
editing this copy changes nothing except your own understanding.
"""

import jax, jax.numpy as jnp
import numpy as np

N_NODES = 10000
N_EDGES = 320000
IN_DIM = 128
HIDDEN = 128
OUT_DIM = 1


def _glorot(key, shape):
    scale = np.sqrt(2.0 / (shape[0] + shape[1]))
    return jax.random.normal(key, shape, dtype=jnp.float32) * scale


def setup_inputs(seed: int = 0) -> dict:
    key = jax.random.key(seed)
    ks = jax.random.split(key, 10)
    x = jax.random.normal(ks[0], (N_NODES, IN_DIM), dtype=jnp.float32)
    edge_index = jax.random.randint(ks[1], (2, N_EDGES), 0, N_NODES)
    W1 = _glorot(ks[2], (IN_DIM, HIDDEN))
    b1 = jnp.zeros((HIDDEN,), dtype=jnp.float32)
    W2 = _glorot(ks[3], (HIDDEN, HIDDEN))
    b2 = jnp.zeros((HIDDEN,), dtype=jnp.float32)
    W3 = _glorot(ks[4], (HIDDEN, HIDDEN))
    b3 = jnp.zeros((HIDDEN,), dtype=jnp.float32)
    Wl = _glorot(ks[5], (HIDDEN, OUT_DIM))
    bl = jnp.zeros((OUT_DIM,), dtype=jnp.float32)
    return {"x": x, "edge_index": edge_index, "W1": W1, "b1": b1,
            "W2": W2, "b2": b2, "W3": W3, "b3": b3, "Wl": Wl, "bl": bl}


def _graph_conv(h, src, dst, W, b):
    # DGL GraphConv with norm='both': D_out^{-1/2} -> W -> copy_u/sum -> D_in^{-1/2} -> bias -> relu
    ones = jnp.ones((src.shape[0],), dtype=h.dtype)
    deg_out = jax.ops.segment_sum(ones, src, num_segments=N_NODES)
    deg_in = jax.ops.segment_sum(ones, dst, num_segments=N_NODES)
    norm_src = jnp.where(deg_out > 0, 1.0 / jnp.sqrt(jnp.maximum(deg_out, 1.0)), 0.0)
    norm_dst = jnp.where(deg_in > 0, 1.0 / jnp.sqrt(jnp.maximum(deg_in, 1.0)), 0.0)
    h = h * norm_src[:, None]
    h = h @ W
    msg = jnp.take(h, src, axis=0)
    agg = jax.ops.segment_sum(msg, dst, num_segments=N_NODES)
    agg = agg * norm_dst[:, None]
    return jax.nn.relu(agg + b)


def reference(x, edge_index, W1, b1, W2, b2, W3, b3, Wl, bl):
    src = edge_index[0]
    dst = edge_index[1]
    h = _graph_conv(x, src, dst, W1, b1)
    # dropout is identity in eval mode
    h = _graph_conv(h, src, dst, W2, b2)
    h = _graph_conv(h, src, dst, W3, b3)
    # AvgPooling over the single graph -> [1, HIDDEN]
    pooled = jnp.mean(h, axis=0, keepdims=True)
    out = pooled @ Wl + bl
    return out

if __name__ == "__main__":
    import jax
    _d = setup_inputs()
    print(jax.jit(kernel)(*tuple(_d.values())))

</pallas_src>

<mosaic_0001>
#map = affine_map<(d0, d1) -> (0, 0)>
#map1 = affine_map<(d0, d1) -> (0)>
#map2 = affine_map<(d0, d1) -> (0, 0, 0)>
module attributes {stable_mosaic.version = 14 : i64} {
  func.func @msg_kernel(%arg0: i32, %arg1: i32, %arg2: memref<10240x128xf32, #tpu.memory_space<hbm>>, %arg3: memref<320000xi32, #tpu.memory_space<hbm>>, %arg4: memref<320000xi32, #tpu.memory_space<hbm>>, %arg5: memref<2x10240x128xf32, #tpu.memory_space<hbm>>, %arg6: memref<80xi32, #tpu.memory_space<vmem>>, %arg7: memref<80xi32, #tpu.memory_space<vmem>>, %arg8: memref<80xi32, #tpu.memory_space<vmem>>, %arg9: memref<80xi32, #tpu.memory_space<vmem>>, %arg10: memref<80x128xf32, #tpu.memory_space<vmem>>, %arg11: memref<80x128xf32, #tpu.memory_space<vmem>>, %arg12: memref<10240x128xf32, #tpu.memory_space<vmem_shared>>, %arg13: memref<!tpu.dma_semaphore, #tpu.memory_space<semaphore_mem>>, %arg14: memref<!tpu.dma_semaphore, #tpu.memory_space<semaphore_mem>>, %arg15: memref<!tpu.dma_semaphore, #tpu.memory_space<semaphore_mem>>, %arg16: memref<!tpu.dma_semaphore, #tpu.memory_space<semaphore_mem>>) attributes {dimension_semantics = [#tpu.dimension_semantics<core_parallel>, #tpu.dimension_semantics<subcore_parallel>], iteration_bounds = array<i64: 2, 16>, scalar_prefetch = 0 : i64, scratch_operands = 11 : i64, tpu.core_type = #tpu.core_type<sc_vector_subcore>, window_params = [{transform_indices = #map}, {transform_indices = #map1}, {transform_indices = #map1}, {transform_indices = #map2}]} {
    %mul3A = arith.constant 16 : i32
    %mul3A_0 = arith.muli %arg0, %mul3A : i32
    %add3A = arith.addi %mul3A_0, %arg1 : i32
    %mul3A_1 = arith.constant 10000 : i32
    %mul3A_2 = arith.muli %add3A, %mul3A_1 : i32
    %scan3A = arith.constant 0 : i32
    %scan3A_3 = arith.constant 0 : i32
    %scan3A_4 = arith.constant 80 : i32
    %scan3A_5 = arith.addi %scan3A_3, %scan3A_4 : i32
    %scan3A_6 = arith.constant 1 : i32
    %scan3A_7 = scf.for %scan3A_53 = %scan3A_3 to %scan3A_5 step %scan3A_6 iter_args(%scan3A_54 = %scan3A) -> (i32)  : i32 {
      %scan3A_55 = arith.constant 0 : i32
      %scan3A_56 = arith.constant 0 : i32
      %scan3A_57 = arith.constant 8 : i32
      %scan3A_58 = arith.addi %scan3A_56, %scan3A_57 : i32
      %scan3A_59 = arith.constant 1 : i32
      %scan3A_60 = scf.for %scan3A_62 = %scan3A_56 to %scan3A_58 step %scan3A_59 iter_args(%scan3A_63 = %scan3A_55) -> (i32)  : i32 {
        %broadcast_in_dim3A = arith.constant 0.000000e+00 : f32
        %broadcast_in_dim3A_64 = vector.broadcast %broadcast_in_dim3A : f32 to vector<16xf32>
        %mul3A_65 = arith.constant 16 : i32
        %mul3A_66 = arith.muli %scan3A_62, %mul3A_65 : i32
        %swap3A = arith.index_cast %scan3A_53 : i32 to index
        %swap3A_67 = arith.index_cast %mul3A_66 : i32 to index
        %swap3A_68 = tpu.vector_load %arg10[%swap3A, %swap3A_67] {strides = array<i32>} : memref<80x128xf32, #tpu.memory_space<vmem>>, vector<1x16xf32>,
        %swap3A_69 = vector.shape_cast %swap3A_68 : vector<1x16xf32> to vector<16xf32>
        %swap3A_70 = vector.shape_cast %broadcast_in_dim3A_64 : vector<16xf32> to vector<1x16xf32>
        tpu.vector_store %arg10[%swap3A, %swap3A_67], %swap3A_70 {strides = array<i32>} : memref<80x128xf32, #tpu.memory_space<vmem>>, vector<1x16xf32>,
        %scan3A_71 = arith.constant 0 : i32
        scf.yield %scan3A_71 : i32
      }
      %scan3A_61 = arith.constant 8 : i32
      scf.yield %scan3A_60 : i32
    }
    %scan3A_8 = arith.constant 80 : i32
    %scan3A_9 = arith.constant 0 : i32
    %scan3A_10 = arith.constant 0 : i32
    %scan3A_11 = arith.constant 8 : i32
    %scan3A_12 = arith.addi %scan3A_10, %scan3A_11 : i32
    %scan3A_13 = arith.constant 1 : i32
    %scan3A_14 = scf.for %scan3A_53 = %scan3A_10 to %scan3A_12 step %scan3A_13 iter_args(%scan3A_54 = %scan3A_9) -> (i32)  : i32 {
      %mul3A_55 = arith.constant 640 : i32
      %mul3A_56 = arith.muli %arg1, %mul3A_55 : i32
      %mul3A_57 = arith.constant 80 : i32
      %mul3A_58 = arith.muli %scan3A_53, %mul3A_57 : i32
      %add3A_59 = arith.addi %mul3A_56, %mul3A_58 : i32
      "tpu.region"() ({
        %run_scoped3A = tpu.sem_alloc : memref<!tpu.dma_semaphore, #tpu.memory_space<semaphore_mem>>
        %dma_start3A_61 = arith.constant 0 : i32
        %dma_start3A_62 = tpu.memref_slice %arg12[%add3A_59, %dma_start3A_61] : memref<10240x128xf32, #tpu.memory_space<vmem_shared>> -> memref<80x128xf32, #tpu.memory_space<vmem_shared>>
        %dma_start3A_63 = arith.constant 0 : i32
        %dma_start3A_64 = tpu.memref_slice %arg12[%add3A_59, %dma_start3A_63] : memref<10240x128xf32, #tpu.memory_space<vmem_shared>> -> memref<80x128xf32, #tpu.memory_space<vmem_shared>>
        tpu.enqueue_dma source(%arg10 : memref<80x128xf32, #tpu.memory_space<vmem>>) target(%dma_start3A_64 : memref<80x128xf32, #tpu.memory_space<vmem_shared>>) target_semaphore(%run_scoped3A : memref<!tpu.dma_semaphore, #tpu.memory_space<semaphore_mem>>)
        %dma_wait3A_65 = arith.constant 0 : i32
        %dma_wait3A_66 = tpu.memref_slice %arg12[%add3A_59, %dma_wait3A_65] : memref<10240x128xf32, #tpu.memory_space<vmem_shared>> -> memref<80x128xf32, #tpu.memory_space<vmem_shared>>
        %dma_wait3A_67 = arith.constant 0 : i32
        %dma_wait3A_68 = tpu.memref_slice %arg12[%add3A_59, %dma_wait3A_67] : memref<10240x128xf32, #tpu.memory_space<vmem_shared>> -> memref<80x128xf32, #tpu.memory_space<vmem_shared>>
        tpu.wait_dma2 semaphore(%run_scoped3A : memref<!tpu.dma_semaphore, #tpu.memory_space<semaphore_mem>>) src(%arg10 : memref<80x128xf32, #tpu.memory_space<vmem>>) dst(%dma_wait3A_68 : memref<80x128xf32, #tpu.memory_space<vmem_shared>>)
        tpu.yield
      }) : () -> ()
      %scan3A_60 = arith.constant 0 : i32
      scf.yield %scan3A_60 : i32
    }
    %scan3A_15 = arith.constant 8 : i32
    %barrier3A = arith.constant 0 : index
    tpu.barrier barrier_id(%barrier3A)
    %add3A_16 = arith.constant 0 : i32
    %add3A_17 = arith.addi %mul3A_2, %add3A_16 : i32
    %dma_start3A = tpu.memref_slice %arg3[%add3A_17] : memref<320000xi32, #tpu.memory_space<hbm>> -> memref<80xi32, #tpu.memory_space<hbm>>
    %dma_start3A_18 = tpu.memref_slice %arg3[%add3A_17] : memref<320000xi32, #tpu.memory_space<hbm>> -> memref<80xi32, #tpu.memory_space<hbm>>
    tpu.enqueue_dma source(%dma_start3A_18 : memref<80xi32, #tpu.memory_space<hbm>>) target(%arg6 : memref<80xi32, #tpu.memory_space<vmem>>) target_semaphore(%arg15 : memref<!tpu.dma_semaphore, #tpu.memory_space<semaphore_mem>>)
    %dma_start3A_19 = tpu.memref_slice %arg4[%add3A_17] : memref<320000xi32, #tpu.memory_space<hbm>> -> memref<80xi32, #tpu.memory_space<hbm>>
    %dma_start3A_20 = tpu.memref_slice %arg4[%add3A_17] : memref<320000xi32, #tpu.memory_space<hbm>> -> memref<80xi32, #tpu.memory_space<hbm>>
    tpu.enqueue_dma source(%dma_start3A_20 : memref<80xi32, #tpu.memory_space<hbm>>) target(%arg7 : memref<80xi32, #tpu.memory_space<vmem>>) target_semaphore(%arg15 : memref<!tpu.dma_semaphore, #tpu.memory_space<semaphore_mem>>)
    %add3A_21 = arith.constant 80 : i32
    %add3A_22 = arith.addi %mul3A_2, %add3A_21 : i32
    %dma_start3A_23 = tpu.memref_slice %arg3[%add3A_22] : memref<320000xi32, #tpu.memory_space<hbm>> -> memref<80xi32, #tpu.memory_space<hbm>>
    %dma_start3A_24 = tpu.memref_slice %arg3[%add3A_22] : memref<320000xi32, #tpu.memory_space<hbm>> -> memref<80xi32, #tpu.memory_space<hbm>>
    tpu.enqueue_dma source(%dma_start3A_24 : memref<80xi32, #tpu.memory_space<hbm>>) target(%arg8 : memref<80xi32, #tpu.memory_space<vmem>>) target_semaphore(%arg16 : memref<!tpu.dma_semaphore, #tpu.memory_space<semaphore_mem>>)
    %dma_start3A_25 = tpu.memref_slice %arg4[%add3A_22] : memref<320000xi32, #tpu.memory_space<hbm>> -> memref<80xi32, #tpu.memory_space<hbm>>
    %dma_start3A_26 = tpu.memref_slice %arg4[%add3A_22] : memref<320000xi32, #tpu.memory_space<hbm>> -> memref<80xi32, #tpu.memory_space<hbm>>
    tpu.enqueue_dma source(%dma_start3A_26 : memref<80xi32, #tpu.memory_space<hbm>>) target(%arg9 : memref<80xi32, #tpu.memory_space<vmem>>) target_semaphore(%arg16 : memref<!tpu.dma_semaphore, #tpu.memory_space<semaphore_mem>>)
    %dma_wait3A = arith.constant 0 : i32
    %dma_wait3A_27 = tpu.memref_slice %arg3[%dma_wait3A] : memref<320000xi32, #tpu.memory_space<hbm>> -> memref<80xi32, #tpu.memory_space<hbm>>
    %dma_wait3A_28 = arith.constant 0 : i32
    %dma_wait3A_29 = tpu.memref_slice %arg3[%dma_wait3A_28] : memref<320000xi32, #tpu.memory_space<hbm>> -> memref<80xi32, #tpu.memory_space<hbm>>
    tpu.wait_dma2 semaphore(%arg15 : memref<!tpu.dma_semaphore, #tpu.memory_space<semaphore_mem>>) src(%dma_wait3A_29 : memref<80xi32, #tpu.memory_space<hbm>>) dst(%arg6 : memref<80xi32, #tpu.memory_space<vmem>>)
    %dma_wait3A_30 = arith.constant 0 : i32
    %dma_wait3A_31 = tpu.memref_slice %arg4[%dma_wait3A_30] : memref<320000xi32, #tpu.memory_space<hbm>> -> memref<80xi32, #tpu.memory_space<hbm>>
    %dma_wait3A_32 = arith.constant 0 : i32
    %dma_wait3A_33 = tpu.memref_slice %arg4[%dma_wait3A_32] : memref<320000xi32, #tpu.memory_space<hbm>> -> memref<80xi32, #tpu.memory_space<hbm>>
    tpu.wait_dma2 semaphore(%arg15 : memref<!tpu.dma_semaphore, #tpu.memory_space<semaphore_mem>>) src(%dma_wait3A_33 : memref<80xi32, #tpu.memory_space<hbm>>) dst(%arg7 : memref<80xi32, #tpu.memory_space<vmem>>)
    %dma_start3A_34 = arith.constant 0 : i32
    %dma_start3A_35 = arith.constant 0 : i32
    %dma_start3A_36 = tpu.memref_slice %arg2[%dma_start3A_34, %dma_start3A_35] : memref<10240x128xf32, #tpu.memory_space<hbm>> -> memref<10240x128xf32, #tpu.memory_space<hbm>>
    tpu.enqueue_indirect_dma source(%dma_start3A_36 : memref<10240x128xf32, #tpu.memory_space<hbm>>) target(%arg10 : memref<80x128xf32, #tpu.memory_space<vmem>>) offsets(%arg6 : memref<80xi32, #tpu.memory_space<vmem>>) semaphore(%arg13 : memref<!tpu.dma_semaphore, #tpu.memory_space<semaphore_mem>>)
    %scan3A_37 = arith.constant 0 : i32
    %scan3A_38 = arith.constant 0 : i32
    %scan3A_39 = arith.constant 62 : i32
    %scan3A_40 = arith.addi %scan3A_38, %scan3A_39 : i32
    %scan3A_41 = arith.constant 1 : i32
    %scan3A_42 = scf.for %scan3A_53 = %scan3A_38 to %scan3A_40 step %scan3A_41 iter_args(%scan3A_54 = %scan3A_37) -> (i32)  : i32 {
      %mul3A_55 = arith.constant 2 : i32
      %mul3A_56 = arith.muli %mul3A_55, %scan3A_53 : i32
      %dma_wait3A_57 = arith.constant 0 : i32
      %dma_wait3A_58 = tpu.memref_slice %arg3[%dma_wait3A_57] : memref<320000xi32, #tpu.memory_space<hbm>> -> memref<80xi32, #tpu.memory_space<hbm>>
      %dma_wait3A_59 = arith.constant 0 : i32
      %dma_wait3A_60 = tpu.memref_slice %arg3[%dma_wait3A_59] : memref<320000xi32, #tpu.memory_space<hbm>> -> memref<80xi32, #tpu.memory_space<hbm>>
      tpu.wait_dma2 semaphore(%arg16 : memref<!tpu.dma_semaphore, #tpu.memory_space<semaphore_mem>>) src(%dma_wait3A_60 : memref<80xi32, #tpu.memory_space<hbm>>) dst(%arg8 : memref<80xi32, #tpu.memory_space<vmem>>)
      %dma_wait3A_61 = arith.constant 0 : i32
      %dma_wait3A_62 = tpu.memref_slice %arg4[%dma_wait3A_61] : memref<320000xi32, #tpu.memory_space<hbm>> -> memref<80xi32, #tpu.memory_space<hbm>>
      %dma_wait3A_63 = arith.constant 0 : i32
      %dma_wait3A_64 = tpu.memref_slice %arg4[%dma_wait3A_63] : memref<320000xi32, #tpu.memory_space<hbm>> -> memref<80xi32, #tpu.memory_space<hbm>>
      tpu.wait_dma2 semaphore(%arg16 : memref<!tpu.dma_semaphore, #tpu.memory_space<semaphore_mem>>) src(%dma_wait3A_64 : memref<80xi32, #tpu.memory_space<hbm>>) dst(%arg9 : memref<80xi32, #tpu.memory_space<vmem>>)
      %dma_wait3A_65 = arith.constant 0 : i32
      %dma_wait3A_66 = arith.constant 0 : i32
      %dma_wait3A_67 = tpu.memref_slice %arg2[%dma_wait3A_65, %dma_wait3A_66] : memref<10240x128xf32, #tpu.memory_space<hbm>> -> memref<80x128xf32, #tpu.memory_space<hbm>>
      %dma_wait3A_68 = arith.constant 0 : i32
      %dma_wait3A_69 = arith.constant 0 : i32
      %dma_wait3A_70 = tpu.memref_slice %arg2[%dma_wait3A_68, %dma_wait3A_69] : memref<10240x128xf32, #tpu.memory_space<hbm>> -> memref<80x128xf32, #tpu.memory_space<hbm>>
      tpu.wait_dma2 semaphore(%arg13 : memref<!tpu.dma_semaphore, #tpu.memory_space<semaphore_mem>>) src(%dma_wait3A_70 : memref<80x128xf32, #tpu.memory_space<hbm>>) dst(%arg10 : memref<80x128xf32, #tpu.memory_space<vmem>>)
      %dma_start3A_71 = arith.constant 0 : i32
      %dma_start3A_72 = arith.constant 0 : i32
      %dma_start3A_73 = tpu.memref_slice %arg2[%dma_start3A_71, %dma_start3A_72] : memref<10240x128xf32, #tpu.memory_space<hbm>> -> memref<10240x128xf32, #tpu.memory_space<hbm>>
      tpu.enqueue_indirect_dma source(%dma_start3A_73 : memref<10240x128xf32, #tpu.memory_space<hbm>>) target(%arg11 : memref<80x128xf32, #tpu.memory_space<vmem>>) offsets(%arg8 : memref<80xi32, #tpu.memory_space<vmem>>) semaphore(%arg14 : memref<!tpu.dma_semaphore, #tpu.memory_space<semaphore_mem>>)
      "tpu.region"() ({
        %run_scoped3A = tpu.sem_alloc : memref<!tpu.dma_semaphore, #tpu.memory_space<semaphore_mem>>
        %dma_start3A_105 = arith.constant 0 : i32
        %dma_start3A_106 = arith.constant 0 : i32
        %dma_start3A_107 = tpu.memref_slice %arg12[%dma_start3A_105, %dma_start3A_106] : memref<10240x128xf32, #tpu.memory_space<vmem_shared>> -> memref<10240x128xf32, #tpu.memory_space<vmem_shared>>
        tpu.enqueue_indirect_dma source(%arg10 : memref<80x128xf32, #tpu.memory_space<vmem>>) target(%dma_start3A_107 : memref<10240x128xf32, #tpu.memory_space<vmem_shared>>) offsets(%arg7 : memref<80xi32, #tpu.memory_space<vmem>>) semaphore(%run_scoped3A : memref<!tpu.dma_semaphore, #tpu.memory_space<semaphore_mem>>) {add = true}
        %dma_wait3A_108 = arith.constant 0 : i32
        %dma_wait3A_109 = arith.constant 0 : i32
        %dma_wait3A_110 = tpu.memref_slice %arg12[%dma_wait3A_108, %dma_wait3A_109] : memref<10240x128xf32, #tpu.memory_space<vmem_shared>> -> memref<10240x128xf32, #tpu.memory_space<vmem_shared>>
        tpu.wait_indirect_dma semaphore(%run_scoped3A : memref<!tpu.dma_semaphore, #tpu.memory_space<semaphore_mem>>) src(%arg10 : memref<80x128xf32, #tpu.memory_space<vmem>>) dst(%dma_wait3A_110 : memref<10240x128xf32, #tpu.memory_space<vmem_shared>>)
        tpu.yield
      }) : () -> ()
      %add3A_74 = arith.constant 2 : i32
      %add3A_75 = arith.addi %mul3A_56, %add3A_74 : i32
      %mul3A_76 = arith.constant 80 : i32
      %mul3A_77 = arith.muli %add3A_75, %mul3A_76 : i32
      %add3A_78 = arith.addi %mul3A_2, %mul3A_77 : i32
      %dma_start3A_79 = tpu.memref_slice %arg3[%add3A_78] : memref<320000xi32, #tpu.memory_space<hbm>> -> memref<80xi32, #tpu.memory_space<hbm>>
      %dma_start3A_80 = tpu.memref_slice %arg3[%add3A_78] : memref<320000xi32, #tpu.memory_space<hbm>> -> memref<80xi32, #tpu.memory_space<hbm>>
      tpu.enqueue_dma source(%dma_start3A_80 : memref<80xi32, #tpu.memory_space<hbm>>) target(%arg6 : memref<80xi32, #tpu.memory_space<vmem>>) target_semaphore(%arg15 : memref<!tpu.dma_semaphore, #tpu.memory_space<semaphore_mem>>)
      %dma_start3A_81 = tpu.memref_slice %arg4[%add3A_78] : memref<320000xi32, #tpu.memory_space<hbm>> -> memref<80xi32, #tpu.memory_space<hbm>>
      %dma_start3A_82 = tpu.memref_slice %arg4[%add3A_78] : memref<320000xi32, #tpu.memory_space<hbm>> -> memref<80xi32, #tpu.memory_space<hbm>>
      tpu.enqueue_dma source(%dma_start3A_82 : memref<80xi32, #tpu.memory_space<hbm>>) target(%arg7 : memref<80xi32, #tpu.memory_space<vmem>>) target_semaphore(%arg15 : memref<!tpu.dma_semaphore, #tpu.memory_space<semaphore_mem>>)
      %dma_wait3A_83 = arith.constant 0 : i32
      %dma_wait3A_84 = tpu.memref_slice %arg3[%dma_wait3A_83] : memref<320000xi32, #tpu.memory_space<hbm>> -> memref<80xi32, #tpu.memory_space<hbm>>
      %dma_wait3A_85 = arith.constant 0 : i32
      %dma_wait3A_86 = tpu.memref_slice %arg3[%dma_wait3A_85] : memref<320000xi32, #tpu.memory_space<hbm>> -> memref<80xi32, #tpu.memory_space<hbm>>
      tpu.wait_dma2 semaphore(%arg15 : memref<!tpu.dma_semaphore, #tpu.memory_space<semaphore_mem>>) src(%dma_wait3A_86 : memref<80xi32, #tpu.memory_space<hbm>>) dst(%arg6 : memref<80xi32, #tpu.memory_space<vmem>>)
      %dma_wait3A_87 = arith.constant 0 : i32
      %dma_wait3A_88 = tpu.memref_slice %arg4[%dma_wait3A_87] : memref<320000xi32, #tpu.memory_space<hbm>> -> memref<80xi32, #tpu.memory_space<hbm>>
      %dma_wait3A_89 = arith.constant 0 : i32
      %dma_wait3A_90 = tpu.memref_slice %arg4[%dma_wait3A_89] : memref<320000xi32, #tpu.memory_space<hbm>> -> memref<80xi32, #tpu.memory_space<hbm>>
      tpu.wait_dma2 semaphore(%arg15 : memref<!tpu.dma_semaphore, #tpu.memory_space<semaphore_mem>>) src(%dma_wait3A_90 : memref<80xi32, #tpu.memory_space<hbm>>) dst(%arg7 : memref<80xi32, #tpu.memory_space<vmem>>)
      %dma_wait3A_91 = arith.constant 0 : i32
      %dma_wait3A_92 = arith.constant 0 : i32
      %dma_wait3A_93 = tpu.memref_slice %arg2[%dma_wait3A_91, %dma_wait3A_92] : memref<10240x128xf32, #tpu.memory_space<hbm>> -> memref<80x128xf32, #tpu.memory_space<hbm>>
      %dma_wait3A_94 = arith.constant 0 : i32
      %dma_wait3A_95 = arith.constant 0 : i32
      %dma_wait3A_96 = tpu.memref_slice %arg2[%dma_wait3A_94, %dma_wait3A_95] : memref<10240x128xf32, #tpu.memory_space<hbm>> -> memref<80x128xf32, #tpu.memory_space<hbm>>
      tpu.wait_dma2 semaphore(%arg14 : memref<!tpu.dma_semaphore, #tpu.memory_space<semaphore_mem>>) src(%dma_wait3A_96 : memref<80x128xf32, #tpu.memory_space<hbm>>) dst(%arg11 : memref<80x128xf32, #tpu.memory_space<vmem>>)
      %dma_start3A_97 = arith.constant 0 : i32
      %dma_start3A_98 = arith.constant 0 : i32
      %dma_start3A_99 = tpu.memref_slice %arg2[%dma_start3A_97, %dma_start3A_98] : memref<10240x128xf32, #tpu.memory_space<hbm>> -> memref<10240x128xf32, #tpu.memory_space<hbm>>
      tpu.enqueue_indirect_dma source(%dma_start3A_99 : memref<10240x128xf32, #tpu.memory_space<hbm>>) target(%arg10 : memref<80x128xf32, #tpu.memory_space<vmem>>) offsets(%arg6 : memref<80xi32, #tpu.memory_space<vmem>>) semaphore(%arg13 : memref<!tpu.dma_semaphore, #tpu.memory_space<semaphore_mem>>)
      "tpu.region"() ({
        %run_scoped3A = tpu.sem_alloc : memref<!tpu.dma_semaphore, #tpu.memory_space<semaphore_mem>>
        %dma_start3A_105 = arith.constant 0 : i32
        %dma_start3A_106 = arith.constant 0 : i32
        %dma_start3A_107 = tpu.memref_slice %arg12[%dma_start3A_105, %dma_start3A_106] : memref<10240x128xf32, #tpu.memory_space<vmem_shared>> -> memref<10240x128xf32, #tpu.memory_space<vmem_shared>>
        tpu.enqueue_indirect_dma source(%arg11 : memref<80x128xf32, #tpu.memory_space<vmem>>) target(%dma_start3A_107 : memref<10240x128xf32, #tpu.memory_space<vmem_shared>>) offsets(%arg9 : memref<80xi32, #tpu.memory_space<vmem>>) semaphore(%run_scoped3A : memref<!tpu.dma_semaphore, #tpu.memory_space<semaphore_mem>>) {add = true}
        %dma_wait3A_108 = arith.constant 0 : i32
        %dma_wait3A_109 = arith.constant 0 : i32
        %dma_wait3A_110 = tpu.memref_slice %arg12[%dma_wait3A_108, %dma_wait3A_109] : memref<10240x128xf32, #tpu.memory_space<vmem_shared>> -> memref<10240x128xf32, #tpu.memory_space<vmem_shared>>
        tpu.wait_indirect_dma semaphore(%run_scoped3A : memref<!tpu.dma_semaphore, #tpu.memory_space<semaphore_mem>>) src(%arg11 : memref<80x128xf32, #tpu.memory_space<vmem>>) dst(%dma_wait3A_110 : memref<10240x128xf32, #tpu.memory_space<vmem_shared>>)
        tpu.yield
      }) : () -> ()
      %add3A_100 = arith.constant 3 : i32
      %add3A_101 = arith.addi %mul3A_56, %add3A_100 : i32
      %lt3A = arith.constant 125 : i32
      %lt3A_102 = arith.cmpi slt, %add3A_101, %lt3A : i32
      %convert_element_type3A = arith.extui %lt3A_102 : i1 to i32
      %cond3A = arith.constant 0 : i32
      %cond3A_103 = arith.cmpi ne, %convert_element_type3A, %cond3A : i32
      scf.if %cond3A_103 {
        %add3A_105 = arith.constant 3 : i32
        %add3A_106 = arith.addi %mul3A_56, %add3A_105 : i32
        %mul3A_107 = arith.constant 80 : i32
        %mul3A_108 = arith.muli %add3A_106, %mul3A_107 : i32
        %add3A_109 = arith.addi %mul3A_2, %mul3A_108 : i32
        %dma_start3A_110 = tpu.memref_slice %arg3[%add3A_109] : memref<320000xi32, #tpu.memory_space<hbm>> -> memref<80xi32, #tpu.memory_space<hbm>>
        %dma_start3A_111 = tpu.memref_slice %arg3[%add3A_109] : memref<320000xi32, #tpu.memory_space<hbm>> -> memref<80xi32, #tpu.memory_space<hbm>>
        tpu.enqueue_dma source(%dma_start3A_111 : memref<80xi32, #tpu.memory_space<hbm>>) target(%arg8 : memref<80xi32, #tpu.memory_space<vmem>>) target_semaphore(%arg16 : memref<!tpu.dma_semaphore, #tpu.memory_space<semaphore_mem>>)
        %dma_start3A_112 = tpu.memref_slice %arg4[%add3A_109] : memref<320000xi32, #tpu.memory_space<hbm>> -> memref<80xi32, #tpu.memory_space<hbm>>
        %dma_start3A_113 = tpu.memref_slice %arg4[%add3A_109] : memref<320000xi32, #tpu.memory_space<hbm>> -> memref<80xi32, #tpu.memory_space<hbm>>
        tpu.enqueue_dma source(%dma_start3A_113 : memref<80xi32, #tpu.memory_space<hbm>>) target(%arg9 : memref<80xi32, #tpu.memory_space<vmem>>) target_semaphore(%arg16 : memref<!tpu.dma_semaphore, #tpu.memory_space<semaphore_mem>>)
      } else {
      }
      %scan3A_104 = arith.constant 0 : i32
      scf.yield %scan3A_104 : i32
    }
    %scan3A_43 = arith.constant 62 : i32
    %dma_wait3A_44 = arith.constant 0 : i32
    %dma_wait3A_45 = arith.constant 0 : i32
    %dma_wait3A_46 = tpu.memref_slice %arg2[%dma_wait3A_44, %dma_wait3A_45] : memref<10240x128xf32, #tpu.memory_space<hbm>> -> memref<80x128xf32, #tpu.memory_space<hbm>>
    %dma_wait3A_47 = arith.constant 0 : i32
    %dma_wait3A_48 = arith.constant 0 : i32
    %dma_wait3A_49 = tpu.memref_slice %arg2[%dma_wait3A_47, %dma_wait3A_48] : memref<10240x128xf32, #tpu.memory_space<hbm>> -> memref<80x128xf32, #tpu.memory_space<hbm>>
    tpu.wait_dma2 semaphore(%arg13 : memref<!tpu.dma_semaphore, #tpu.memory_space<semaphore_mem>>) src(%dma_wait3A_49 : memref<80x128xf32, #tpu.memory_space<hbm>>) dst(%arg10 : memref<80x128xf32, #tpu.memory_space<vmem>>)
    "tpu.region"() ({
      %run_scoped3A = tpu.sem_alloc : memref<!tpu.dma_semaphore, #tpu.memory_space<semaphore_mem>>
      %dma_start3A_53 = arith.constant 0 : i32
      %dma_start3A_54 = arith.constant 0 : i32
      %dma_start3A_55 = tpu.memref_slice %arg12[%dma_start3A_53, %dma_start3A_54] : memref<10240x128xf32, #tpu.memory_space<vmem_shared>> -> memref<10240x128xf32, #tpu.memory_space<vmem_shared>>
      tpu.enqueue_indirect_dma source(%arg10 : memref<80x128xf32, #tpu.memory_space<vmem>>) target(%dma_start3A_55 : memref<10240x128xf32, #tpu.memory_space<vmem_shared>>) offsets(%arg7 : memref<80xi32, #tpu.memory_space<vmem>>) semaphore(%run_scoped3A : memref<!tpu.dma_semaphore, #tpu.memory_space<semaphore_mem>>) {add = true}
      %dma_wait3A_56 = arith.constant 0 : i32
      %dma_wait3A_57 = arith.constant 0 : i32
      %dma_wait3A_58 = tpu.memref_slice %arg12[%dma_wait3A_56, %dma_wait3A_57] : memref<10240x128xf32, #tpu.memory_space<vmem_shared>> -> memref<10240x128xf32, #tpu.memory_space<vmem_shared>>
      tpu.wait_indirect_dma semaphore(%run_scoped3A : memref<!tpu.dma_semaphore, #tpu.memory_space<semaphore_mem>>) src(%arg10 : memref<80x128xf32, #tpu.memory_space<vmem>>) dst(%dma_wait3A_58 : memref<10240x128xf32, #tpu.memory_space<vmem_shared>>)
      tpu.yield
    }) : () -> ()
    %barrier3A_50 = arith.constant 0 : index
    tpu.barrier barrier_id(%barrier3A_50)
    %mul3A_51 = arith.constant 640 : i32
    %mul3A_52 = arith.muli %arg1, %mul3A_51 : i32
    "tpu.region"() ({
      %run_scoped3A = tpu.sem_alloc : memref<!tpu.dma_semaphore, #tpu.memory_space<semaphore_mem>>
      %dma_start3A_53 = arith.constant 0 : i32
      %dma_start3A_54 = tpu.memref_slice %arg5[%arg0, %mul3A_52, %dma_start3A_53] : memref<2x10240x128xf32, #tpu.memory_space<hbm>> -> memref<1x640x128xf32, #tpu.memory_space<hbm>>
      %dma_start3A_55 = tpu.memref_squeeze %dma_start3A_54 : memref<1x640x128xf32, #tpu.memory_space<hbm>> -> memref<640x128xf32, #tpu.memory_space<hbm>>
      %dma_start3A_56 = arith.constant 0 : i32
      %dma_start3A_57 = tpu.memref_slice %arg12[%mul3A_52, %dma_start3A_56] : memref<10240x128xf32, #tpu.memory_space<vmem_shared>> -> memref<640x128xf32, #tpu.memory_space<vmem_shared>>
      tpu.enqueue_dma source(%dma_start3A_57 : memref<640x128xf32, #tpu.memory_space<vmem_shared>>) target(%dma_start3A_55 : memref<640x128xf32, #tpu.memory_space<hbm>>) target_semaphore(%run_scoped3A : memref<!tpu.dma_semaphore, #tpu.memory_space<semaphore_mem>>)
      %dma_wait3A_58 = arith.constant 0 : i32
      %dma_wait3A_59 = tpu.memref_slice %arg5[%arg0, %mul3A_52, %dma_wait3A_58] : memref<2x10240x128xf32, #tpu.memory_space<hbm>> -> memref<1x640x128xf32, #tpu.memory_space<hbm>>
      %dma_wait3A_60 = tpu.memref_squeeze %dma_wait3A_59 : memref<1x640x128xf32, #tpu.memory_space<hbm>> -> memref<640x128xf32, #tpu.memory_space<hbm>>
      %dma_wait3A_61 = arith.constant 0 : i32
      %dma_wait3A_62 = tpu.memref_slice %arg12[%mul3A_52, %dma_wait3A_61] : memref<10240x128xf32, #tpu.memory_space<vmem_shared>> -> memref<640x128xf32, #tpu.memory_space<vmem_shared>>
      tpu.wait_dma2 semaphore(%run_scoped3A : memref<!tpu.dma_semaphore, #tpu.memory_space<semaphore_mem>>) src(%dma_wait3A_62 : memref<640x128xf32, #tpu.memory_space<vmem_shared>>) dst(%dma_wait3A_60 : memref<640x128xf32, #tpu.memory_space<hbm>>)
      tpu.yield
    }) : () -> ()
    return
  }
}

#map = affine_map<(d0, d1) -> (0, 0)>
#map1 = affine_map<(d0, d1) -> (0, 0, 0)>
module attributes {stable_mosaic.version = 14 : i64} {
  func.func @deg_kernel(%arg0: i32, %arg1: i32, %arg2: memref<2560x128xi32, #tpu.memory_space<hbm>>, %arg3: memref<2560x128xi32, #tpu.memory_space<hbm>>, %arg4: memref<2x2x10240xf32, #tpu.memory_space<hbm>>, %arg5: memref<80x128xi32, #tpu.memory_space<vmem>>, %arg6: memref<80x128xi32, #tpu.memory_space<vmem>>, %arg7: memref<128xi32, #tpu.memory_space<vmem>>, %arg8: memref<128xi32, #tpu.memory_space<vmem>>, %arg9: memref<128xi32, #tpu.memory_space<vmem>>, %arg10: memref<128xi32, #tpu.memory_space<vmem>>, %arg11: memref<128xf32, #tpu.memory_space<vmem>>, %arg12: memref<640xf32, #tpu.memory_space<vmem>>, %arg13: memref<10240xf32, #tpu.memory_space<vmem_shared>>, %arg14: memref<10240xf32, #tpu.memory_space<vmem_shared>>, %arg15: memref<!tpu.dma_semaphore, #tpu.memory_space<semaphore_mem>>, %arg16: memref<!tpu.dma_semaphore, #tpu.memory_space<semaphore_mem>>) attributes {dimension_semantics = [#tpu.dimension_semantics<core_parallel>, #tpu.dimension_semantics<subcore_parallel>], iteration_bounds = array<i64: 2, 16>, scalar_prefetch = 0 : i64, scratch_operands = 12 : i64, tpu.core_type = #tpu.core_type<sc_vector_subcore>, window_params = [{transform_indices = #map}, {transform_indices = #map}, {transform_indices = #map1}]} {
    %mul3A = arith.constant 16 : i32
    %mul3A_0 = arith.muli %arg0, %mul3A : i32
    %add3A = arith.addi %mul3A_0, %arg1 : i32
    %scan3A = arith.constant 0 : i32
    %scan3A_1 = arith.constant 0 : i32
    %scan3A_2 = arith.constant 8 : i32
    %scan3A_3 = arith.addi %scan3A_1, %scan3A_2 : i32
    %scan3A_4 = arith.constant 1 : i32
    %scan3A_5 = scf.for %scan3A_47 = %scan3A_1 to %scan3A_3 step %scan3A_4 iter_args(%scan3A_48 = %scan3A) -> (i32)  : i32 {
      %broadcast_in_dim3A = arith.constant 1.000000e+00 : f32
      %broadcast_in_dim3A_49 = vector.broadcast %broadcast_in_dim3A : f32 to vector<16xf32>
      %mul3A_50 = arith.constant 16 : i32
      %mul3A_51 = arith.muli %scan3A_47, %mul3A_50 : i32
      %swap3A = arith.index_cast %mul3A_51 : i32 to index
      %swap3A_52 = tpu.vector_load %arg11[%swap3A] {strides = array<i32>} : memref<128xf32, #tpu.memory_space<vmem>>, vector<16xf32>,
      %swap3A_53 = vector.shape_cast %swap3A_52 : vector<16xf32> to vector<16xf32>
      %swap3A_54 = vector.shape_cast %broadcast_in_dim3A_49 : vector<16xf32> to vector<16xf32>
      tpu.vector_store %arg11[%swap3A], %swap3A_54 {strides = array<i32>} : memref<128xf32, #tpu.memory_space<vmem>>, vector<16xf32>,
      %scan3A_55 = arith.constant 0 : i32
      scf.yield %scan3A_55 : i32
    }
    %scan3A_6 = arith.constant 8 : i32
    %scan3A_7 = arith.constant 0 : i32
    %scan3A_8 = arith.constant 0 : i32
    %scan3A_9 = arith.constant 40 : i32
    %scan3A_10 = arith.addi %scan3A_8, %scan3A_9 : i32
    %scan3A_11 = arith.constant 1 : i32
    %scan3A_12 = scf.for %scan3A_47 = %scan3A_8 to %scan3A_10 step %scan3A_11 iter_args(%scan3A_48 = %scan3A_7) -> (i32)  : i32 {
      %broadcast_in_dim3A = arith.constant 0.000000e+00 : f32
      %broadcast_in_dim3A_49 = vector.broadcast %broadcast_in_dim3A : f32 to vector<16xf32>
      %mul3A_50 = arith.constant 16 : i32
      %mul3A_51 = arith.muli %scan3A_47, %mul3A_50 : i32
      %swap3A = arith.index_cast %mul3A_51 : i32 to index
      %swap3A_52 = tpu.vector_load %arg12[%swap3A] {strides = array<i32>} : memref<640xf32, #tpu.memory_space<vmem>>, vector<16xf32>,
      %swap3A_53 = vector.shape_cast %swap3A_52 : vector<16xf32> to vector<16xf32>
      %swap3A_54 = vector.shape_cast %broadcast_in_dim3A_49 : vector<16xf32> to vector<16xf32>
      tpu.vector_store %arg12[%swap3A], %swap3A_54 {strides = array<i32>} : memref<640xf32, #tpu.memory_space<vmem>>, vector<16xf32>,
      %scan3A_55 = arith.constant 0 : i32
      scf.yield %scan3A_55 : i32
    }
    %scan3A_13 = arith.constant 40 : i32
    %mul3A_14 = arith.constant 640 : i32
    %mul3A_15 = arith.muli %arg1, %mul3A_14 : i32
    "tpu.region"() ({
      %run_scoped3A_47 = tpu.sem_alloc : memref<!tpu.dma_semaphore, #tpu.memory_space<semaphore_mem>>
      %dma_start3A = tpu.memref_slice %arg13[%mul3A_15] : memref<10240xf32, #tpu.memory_space<vmem_shared>> -> memref<640xf32, #tpu.memory_space<vmem_shared>>
      %dma_start3A_48 = tpu.memref_slice %arg13[%mul3A_15] : memref<10240xf32, #tpu.memory_space<vmem_shared>> -> memref<640xf32, #tpu.memory_space<vmem_shared>>
      tpu.enqueue_dma source(%arg12 : memref<640xf32, #tpu.memory_space<vmem>>) target(%dma_start3A_48 : memref<640xf32, #tpu.memory_space<vmem_shared>>) target_semaphore(%run_scoped3A_47 : memref<!tpu.dma_semaphore, #tpu.memory_space<semaphore_mem>>)
      %dma_wait3A = tpu.memref_slice %arg13[%mul3A_15] : memref<10240xf32, #tpu.memory_space<vmem_shared>> -> memref<640xf32, #tpu.memory_space<vmem_shared>>
      %dma_wait3A_49 = tpu.memref_slice %arg13[%mul3A_15] : memref<10240xf32, #tpu.memory_space<vmem_shared>> -> memref<640xf32, #tpu.memory_space<vmem_shared>>
      tpu.wait_dma2 semaphore(%run_scoped3A_47 : memref<!tpu.dma_semaphore, #tpu.memory_space<semaphore_mem>>) src(%arg12 : memref<640xf32, #tpu.memory_space<vmem>>) dst(%dma_wait3A_49 : memref<640xf32, #tpu.memory_space<vmem_shared>>)
      tpu.yield
    }) : () -> ()
    %mul3A_16 = arith.constant 640 : i32
    %mul3A_17 = arith.muli %arg1, %mul3A_16 : i32
    "tpu.region"() ({
      %run_scoped3A_47 = tpu.sem_alloc : memref<!tpu.dma_semaphore, #tpu.memory_space<semaphore_mem>>
      %dma_start3A = tpu.memref_slice %arg14[%mul3A_17] : memref<10240xf32, #tpu.memory_space<vmem_shared>> -> memref<640xf32, #tpu.memory_space<vmem_shared>>
      %dma_start3A_48 = tpu.memref_slice %arg14[%mul3A_17] : memref<10240xf32, #tpu.memory_space<vmem_shared>> -> memref<640xf32, #tpu.memory_space<vmem_shared>>
      tpu.enqueue_dma source(%arg12 : memref<640xf32, #tpu.memory_space<vmem>>) target(%dma_start3A_48 : memref<640xf32, #tpu.memory_space<vmem_shared>>) target_semaphore(%run_scoped3A_47 : memref<!tpu.dma_semaphore, #tpu.memory_space<semaphore_mem>>)
      %dma_wait3A = tpu.memref_slice %arg14[%mul3A_17] : memref<10240xf32, #tpu.memory_space<vmem_shared>> -> memref<640xf32, #tpu.memory_space<vmem_shared>>
      %dma_wait3A_49 = tpu.memref_slice %arg14[%mul3A_17] : memref<10240xf32, #tpu.memory_space<vmem_shared>> -> memref<640xf32, #tpu.memory_space<vmem_shared>>
      tpu.wait_dma2 semaphore(%run_scoped3A_47 : memref<!tpu.dma_semaphore, #tpu.memory_space<semaphore_mem>>) src(%arg12 : memref<640xf32, #tpu.memory_space<vmem>>) dst(%dma_wait3A_49 : memref<640xf32, #tpu.memory_space<vmem_shared>>)
      tpu.yield
    }) : () -> ()
    %mul3A_18 = arith.constant 80 : i32
    %mul3A_19 = arith.muli %add3A, %mul3A_18 : i32
    "tpu.region"() ({
      %run_scoped3A_47 = tpu.sem_alloc : memref<!tpu.dma_semaphore, #tpu.memory_space<semaphore_mem>>
      %dma_start3A = arith.constant 0 : i32
      %dma_start3A_48 = tpu.memref_slice %arg2[%mul3A_19, %dma_start3A] : memref<2560x128xi32, #tpu.memory_space<hbm>> -> memref<80x128xi32, #tpu.memory_space<hbm>>
      %dma_start3A_49 = arith.constant 0 : i32
      %dma_start3A_50 = tpu.memref_slice %arg2[%mul3A_19, %dma_start3A_49] : memref<2560x128xi32, #tpu.memory_space<hbm>> -> memref<80x128xi32, #tpu.memory_space<hbm>>
      tpu.enqueue_dma source(%dma_start3A_50 : memref<80x128xi32, #tpu.memory_space<hbm>>) target(%arg5 : memref<80x128xi32, #tpu.memory_space<vmem>>) target_semaphore(%run_scoped3A_47 : memref<!tpu.dma_semaphore, #tpu.memory_space<semaphore_mem>>)
      %dma_wait3A = arith.constant 0 : i32
      %dma_wait3A_51 = tpu.memref_slice %arg2[%mul3A_19, %dma_wait3A] : memref<2560x128xi32, #tpu.memory_space<hbm>> -> memref<80x128xi32, #tpu.memory_space<hbm>>
      %dma_wait3A_52 = arith.constant 0 : i32
      %dma_wait3A_53 = tpu.memref_slice %arg2[%mul3A_19, %dma_wait3A_52] : memref<2560x128xi32, #tpu.memory_space<hbm>> -> memref<80x128xi32, #tpu.memory_space<hbm>>
      tpu.wait_dma2 semaphore(%run_scoped3A_47 : memref<!tpu.dma_semaphore, #tpu.memory_space<semaphore_mem>>) src(%dma_wait3A_53 : memref<80x128xi32, #tpu.memory_space<hbm>>) dst(%arg5 : memref<80x128xi32, #tpu.memory_space<vmem>>)
      tpu.yield
    }) : () -> ()
    %mul3A_20 = arith.constant 80 : i32
    %mul3A_21 = arith.muli %add3A, %mul3A_20 : i32
    "tpu.region"() ({
      %run_scoped3A_47 = tpu.sem_alloc : memref<!tpu.dma_semaphore, #tpu.memory_space<semaphore_mem>>
      %dma_start3A = arith.constant 0 : i32
      %dma_start3A_48 = tpu.memref_slice %arg3[%mul3A_21, %dma_start3A] : memref<2560x128xi32, #tpu.memory_space<hbm>> -> memref<80x128xi32, #tpu.memory_space<hbm>>
      %dma_start3A_49 = arith.constant 0 : i32
      %dma_start3A_50 = tpu.memref_slice %arg3[%mul3A_21, %dma_start3A_49] : memref<2560x128xi32, #tpu.memory_space<hbm>> -> memref<80x128xi32, #tpu.memory_space<hbm>>
      tpu.enqueue_dma source(%dma_start3A_50 : memref<80x128xi32, #tpu.memory_space<hbm>>) target(%arg6 : memref<80x128xi32, #tpu.memory_space<vmem>>) target_semaphore(%run_scoped3A_47 : memref<!tpu.dma_semaphore, #tpu.memory_space<semaphore_mem>>)
      %dma_wait3A = arith.constant 0 : i32
      %dma_wait3A_51 = tpu.memref_slice %arg3[%mul3A_21, %dma_wait3A] : memref<2560x128xi32, #tpu.memory_space<hbm>> -> memref<80x128xi32, #tpu.memory_space<hbm>>
      %dma_wait3A_52 = arith.constant 0 : i32
      %dma_wait3A_53 = tpu.memref_slice %arg3[%mul3A_21, %dma_wait3A_52] : memref<2560x128xi32, #tpu.memory_space<hbm>> -> memref<80x128xi32, #tpu.memory_space<hbm>>
      tpu.wait_dma2 semaphore(%run_scoped3A_47 : memref<!tpu.dma_semaphore, #tpu.memory_space<semaphore_mem>>) src(%dma_wait3A_53 : memref<80x128xi32, #tpu.memory_space<hbm>>) dst(%arg6 : memref<80x128xi32, #tpu.memory_space<vmem>>)
      tpu.yield
    }) : () -> ()
    %barrier3A = arith.constant 0 : index
    tpu.barrier barrier_id(%barrier3A)
    %scan3A_22 = arith.constant 0 : i32
    %scan3A_23 = arith.constant 0 : i32
    %scan3A_24 = arith.constant 8 : i32
    %scan3A_25 = arith.addi %scan3A_23, %scan3A_24 : i32
    %scan3A_26 = arith.constant 1 : i32
    %scan3A_27 = scf.for %scan3A_47 = %scan3A_23 to %scan3A_25 step %scan3A_26 iter_args(%scan3A_48 = %scan3A_22) -> (i32)  : i32 {
      %mul3A_49 = arith.constant 16 : i32
      %mul3A_50 = arith.muli %scan3A_47, %mul3A_49 : i32
      %get3A = arith.constant 0 : i32
      %get3A_51 = arith.index_cast %get3A : i32 to index
      %get3A_52 = arith.index_cast %mul3A_50 : i32 to index
      %get3A_53 = tpu.vector_load %arg5[%get3A_51, %get3A_52] {strides = array<i32>} : memref<80x128xi32, #tpu.memory_space<vmem>>, vector<1x16xi32>,
      %get3A_54 = vector.shape_cast %get3A_53 : vector<1x16xi32> to vector<16xi32>
      %mul3A_55 = arith.constant 16 : i32
      %mul3A_56 = arith.muli %scan3A_47, %mul3A_55 : i32
      %swap3A = arith.index_cast %mul3A_56 : i32 to index
      %swap3A_57 = tpu.vector_load %arg7[%swap3A] {strides = array<i32>} : memref<128xi32, #tpu.memory_space<vmem>>, vector<16xi32>,
      %swap3A_58 = vector.shape_cast %swap3A_57 : vector<16xi32> to vector<16xi32>
      %swap3A_59 = vector.shape_cast %get3A_54 : vector<16xi32> to vector<16xi32>
      tpu.vector_store %arg7[%swap3A], %swap3A_59 {strides = array<i32>} : memref<128xi32, #tpu.memory_space<vmem>>, vector<16xi32>,
      %scan3A_60 = arith.constant 0 : i32
      scf.yield %scan3A_60 : i32
    }
    %scan3A_28 = arith.constant 8 : i32
    %scan3A_29 = arith.constant 0 : i32
    %scan3A_30 = arith.constant 0 : i32
    %scan3A_31 = arith.constant 8 : i32
    %scan3A_32 = arith.addi %scan3A_30, %scan3A_31 : i32
    %scan3A_33 = arith.constant 1 : i32
    %scan3A_34 = scf.for %scan3A_47 = %scan3A_30 to %scan3A_32 step %scan3A_33 iter_args(%scan3A_48 = %scan3A_29) -> (i32)  : i32 {
      %mul3A_49 = arith.constant 16 : i32
      %mul3A_50 = arith.muli %scan3A_47, %mul3A_49 : i32
      %get3A = arith.constant 0 : i32
      %get3A_51 = arith.index_cast %get3A : i32 to index
      %get3A_52 = arith.index_cast %mul3A_50 : i32 to index
      %get3A_53 = tpu.vector_load %arg6[%get3A_51, %get3A_52] {strides = array<i32>} : memref<80x128xi32, #tpu.memory_space<vmem>>, vector<1x16xi32>,
      %get3A_54 = vector.shape_cast %get3A_53 : vector<1x16xi32> to vector<16xi32>
      %mul3A_55 = arith.constant 16 : i32
      %mul3A_56 = arith.muli %scan3A_47, %mul3A_55 : i32
      %swap3A = arith.index_cast %mul3A_56 : i32 to index
      %swap3A_57 = tpu.vector_load %arg8[%swap3A] {strides = array<i32>} : memref<128xi32, #tpu.memory_space<vmem>>, vector<16xi32>,
      %swap3A_58 = vector.shape_cast %swap3A_57 : vector<16xi32> to vector<16xi32>
      %swap3A_59 = vector.shape_cast %get3A_54 : vector<16xi32> to vector<16xi32>
      tpu.vector_store %arg8[%swap3A], %swap3A_59 {strides = array<i32>} : memref<128xi32, #tpu.memory_space<vmem>>, vector<16xi32>,
      %scan3A_60 = arith.constant 0 : i32
      scf.yield %scan3A_60 : i32
    }
    %scan3A_35 = arith.constant 8 : i32
    %scan3A_36 = arith.constant 0 : i32
    %scan3A_37 = arith.constant 0 : i32
    %scan3A_38 = arith.constant 40 : i32
    %scan3A_39 = arith.addi %scan3A_37, %scan3A_38 : i32
    %scan3A_40 = arith.constant 1 : i32
    %scan3A_41 = scf.for %scan3A_47 = %scan3A_37 to %scan3A_39 step %scan3A_40 iter_args(%scan3A_48 = %scan3A_36) -> (i32)  : i32 {
      %mul3A_49 = arith.constant 2 : i32
      %mul3A_50 = arith.muli %mul3A_49, %scan3A_47 : i32
      %dma_start3A = arith.constant 0 : i32
      %dma_start3A_51 = tpu.memref_slice %arg13[%dma_start3A] : memref<10240xf32, #tpu.memory_space<vmem_shared>> -> memref<10240xf32, #tpu.memory_space<vmem_shared>>
      tpu.enqueue_indirect_dma source(%arg11 : memref<128xf32, #tpu.memory_space<vmem>>) target(%dma_start3A_51 : memref<10240xf32, #tpu.memory_space<vmem_shared>>) offsets(%arg7 : memref<128xi32, #tpu.memory_space<vmem>>) semaphore(%arg15 : memref<!tpu.dma_semaphore, #tpu.memory_space<semaphore_mem>>) {add = true}
      %dma_start3A_52 = arith.constant 0 : i32
      %dma_start3A_53 = tpu.memref_slice %arg14[%dma_start3A_52] : memref<10240xf32, #tpu.memory_space<vmem_shared>> -> memref<10240xf32, #tpu.memory_space<vmem_shared>>
      tpu.enqueue_indirect_dma source(%arg11 : memref<128xf32, #tpu.memory_space<vmem>>) target(%dma_start3A_53 : memref<10240xf32, #tpu.memory_space<vmem_shared>>) offsets(%arg8 : memref<128xi32, #tpu.memory_space<vmem>>) semaphore(%arg16 : memref<!tpu.dma_semaphore, #tpu.memory_space<semaphore_mem>>) {add = true}
      %add3A_54 = arith.constant 1 : i32
      %add3A_55 = arith.addi %mul3A_50, %add3A_54 : i32
      %scan3A_56 = arith.constant 0 : i32
      %scan3A_57 = arith.constant 0 : i32
      %scan3A_58 = arith.constant 8 : i32
      %scan3A_59 = arith.addi %scan3A_57, %scan3A_58 : i32
      %scan3A_60 = arith.constant 1 : i32
      %scan3A_61 = scf.for %scan3A_88 = %scan3A_57 to %scan3A_59 step %scan3A_60 iter_args(%scan3A_89 = %scan3A_56) -> (i32)  : i32 {
        %mul3A_90 = arith.constant 16 : i32
        %mul3A_91 = arith.muli %scan3A_88, %mul3A_90 : i32
        %get3A = arith.index_cast %add3A_55 : i32 to index
        %get3A_92 = arith.index_cast %mul3A_91 : i32 to index
        %get3A_93 = tpu.vector_load %arg5[%get3A, %get3A_92] {strides = array<i32>} : memref<80x128xi32, #tpu.memory_space<vmem>>, vector<1x16xi32>,
        %get3A_94 = vector.shape_cast %get3A_93 : vector<1x16xi32> to vector<16xi32>
        %mul3A_95 = arith.constant 16 : i32
        %mul3A_96 = arith.muli %scan3A_88, %mul3A_95 : i32
        %swap3A = arith.index_cast %mul3A_96 : i32 to index
        %swap3A_97 = tpu.vector_load %arg9[%swap3A] {strides = array<i32>} : memref<128xi32, #tpu.memory_space<vmem>>, vector<16xi32>,
        %swap3A_98 = vector.shape_cast %swap3A_97 : vector<16xi32> to vector<16xi32>
        %swap3A_99 = vector.shape_cast %get3A_94 : vector<16xi32> to vector<16xi32>
        tpu.vector_store %arg9[%swap3A], %swap3A_99 {strides = array<i32>} : memref<128xi32, #tpu.memory_space<vmem>>, vector<16xi32>,
        %scan3A_100 = arith.constant 0 : i32
        scf.yield %scan3A_100 : i32
      }
      %scan3A_62 = arith.constant 8 : i32
      %add3A_63 = arith.constant 1 : i32
      %add3A_64 = arith.addi %mul3A_50, %add3A_63 : i32
      %scan3A_65 = arith.constant 0 : i32
      %scan3A_66 = arith.constant 0 : i32
      %scan3A_67 = arith.constant 8 : i32
      %scan3A_68 = arith.addi %scan3A_66, %scan3A_67 : i32
      %scan3A_69 = arith.constant 1 : i32
      %scan3A_70 = scf.for %scan3A_88 = %scan3A_66 to %scan3A_68 step %scan3A_69 iter_args(%scan3A_89 = %scan3A_65) -> (i32)  : i32 {
        %mul3A_90 = arith.constant 16 : i32
        %mul3A_91 = arith.muli %scan3A_88, %mul3A_90 : i32
        %get3A = arith.index_cast %add3A_64 : i32 to index
        %get3A_92 = arith.index_cast %mul3A_91 : i32 to index
        %get3A_93 = tpu.vector_load %arg6[%get3A, %get3A_92] {strides = array<i32>} : memref<80x128xi32, #tpu.memory_space<vmem>>, vector<1x16xi32>,
        %get3A_94 = vector.shape_cast %get3A_93 : vector<1x16xi32> to vector<16xi32>
        %mul3A_95 = arith.constant 16 : i32
        %mul3A_96 = arith.muli %scan3A_88, %mul3A_95 : i32
        %swap3A = arith.index_cast %mul3A_96 : i32 to index
        %swap3A_97 = tpu.vector_load %arg10[%swap3A] {strides = array<i32>} : memref<128xi32, #tpu.memory_space<vmem>>, vector<16xi32>,
        %swap3A_98 = vector.shape_cast %swap3A_97 : vector<16xi32> to vector<16xi32>
        %swap3A_99 = vector.shape_cast %get3A_94 : vector<16xi32> to vector<16xi32>
        tpu.vector_store %arg10[%swap3A], %swap3A_99 {strides = array<i32>} : memref<128xi32, #tpu.memory_space<vmem>>, vector<16xi32>,
        %scan3A_100 = arith.constant 0 : i32
        scf.yield %scan3A_100 : i32
      }
      %scan3A_71 = arith.constant 8 : i32
      %dma_wait3A = arith.constant 0 : i32
      %dma_wait3A_72 = tpu.memref_slice %arg13[%dma_wait3A] : memref<10240xf32, #tpu.memory_space<vmem_shared>> -> memref<10240xf32, #tpu.memory_space<vmem_shared>>
      tpu.wait_indirect_dma semaphore(%arg15 : memref<!tpu.dma_semaphore, #tpu.memory_space<semaphore_mem>>) src(%arg11 : memref<128xf32, #tpu.memory_space<vmem>>) dst(%dma_wait3A_72 : memref<10240xf32, #tpu.memory_space<vmem_shared>>)
      %dma_wait3A_73 = arith.constant 0 : i32
      %dma_wait3A_74 = tpu.memref_slice %arg14[%dma_wait3A_73] : memref<10240xf32, #tpu.memory_space<vmem_shared>> -> memref<10240xf32, #tpu.memory_space<vmem_shared>>
      tpu.wait_indirect_dma semaphore(%arg16 : memref<!tpu.dma_semaphore, #tpu.memory_space<semaphore_mem>>) src(%arg11 : memref<128xf32, #tpu.memory_space<vmem>>) dst(%dma_wait3A_74 : memref<10240xf32, #tpu.memory_space<vmem_shared>>)
      %dma_start3A_75 = arith.constant 0 : i32
      %dma_start3A_76 = tpu.memref_slice %arg13[%dma_start3A_75] : memref<10240xf32, #tpu.memory_space<vmem_shared>> -> memref<10240xf32, #tpu.memory_space<vmem_shared>>
      tpu.enqueue_indirect_dma source(%arg11 : memref<128xf32, #tpu.memory_space<vmem>>) target(%dma_start3A_76 : memref<10240xf32, #tpu.memory_space<vmem_shared>>) offsets(%arg9 : memref<128xi32, #tpu.memory_space<vmem>>) semaphore(%arg15 : memref<!tpu.dma_semaphore, #tpu.memory_space<semaphore_mem>>) {add = true}
      %dma_start3A_77 = arith.constant 0 : i32
      %dma_start3A_78 = tpu.memref_slice %arg14[%dma_start3A_77] : memref<10240xf32, #tpu.memory_space<vmem_shared>> -> memref<10240xf32, #tpu.memory_space<vmem_shared>>
      tpu.enqueue_indirect_dma source(%arg11 : memref<128xf32, #tpu.memory_space<vmem>>) target(%dma_start3A_78 : memref<10240xf32, #tpu.memory_space<vmem_shared>>) offsets(%arg10 : memref<128xi32, #tpu.memory_space<vmem>>) semaphore(%arg16 : memref<!tpu.dma_semaphore, #tpu.memory_space<semaphore_mem>>) {add = true}
      %add3A_79 = arith.constant 2 : i32
      %add3A_80 = arith.addi %mul3A_50, %add3A_79 : i32
      %lt3A = arith.constant 80 : i32
      %lt3A_81 = arith.cmpi slt, %add3A_80, %lt3A : i32
      %convert_element_type3A = arith.extui %lt3A_81 : i1 to i32
      %cond3A = arith.constant 0 : i32
      %cond3A_82 = arith.cmpi ne, %convert_element_type3A, %cond3A : i32
      scf.if %cond3A_82 {
        %add3A_88 = arith.constant 2 : i32
        %add3A_89 = arith.addi %mul3A_50, %add3A_88 : i32
        %scan3A_90 = arith.constant 0 : i32
        %scan3A_91 = arith.constant 0 : i32
        %scan3A_92 = arith.constant 8 : i32
        %scan3A_93 = arith.addi %scan3A_91, %scan3A_92 : i32
        %scan3A_94 = arith.constant 1 : i32
        %scan3A_95 = scf.for %scan3A_106 = %scan3A_91 to %scan3A_93 step %scan3A_94 iter_args(%scan3A_107 = %scan3A_90) -> (i32)  : i32 {
          %mul3A_108 = arith.constant 16 : i32
          %mul3A_109 = arith.muli %scan3A_106, %mul3A_108 : i32
          %get3A = arith.index_cast %add3A_89 : i32 to index
          %get3A_110 = arith.index_cast %mul3A_109 : i32 to index
          %get3A_111 = tpu.vector_load %arg5[%get3A, %get3A_110] {strides = array<i32>} : memref<80x128xi32, #tpu.memory_space<vmem>>, vector<1x16xi32>,
          %get3A_112 = vector.shape_cast %get3A_111 : vector<1x16xi32> to vector<16xi32>
          %mul3A_113 = arith.constant 16 : i32
          %mul3A_114 = arith.muli %scan3A_106, %mul3A_113 : i32
          %swap3A = arith.index_cast %mul3A_114 : i32 to index
          %swap3A_115 = tpu.vector_load %arg7[%swap3A] {strides = array<i32>} : memref<128xi32, #tpu.memory_space<vmem>>, vector<16xi32>,
          %swap3A_116 = vector.shape_cast %swap3A_115 : vector<16xi32> to vector<16xi32>
          %swap3A_117 = vector.shape_cast %get3A_112 : vector<16xi32> to vector<16xi32>
          tpu.vector_store %arg7[%swap3A], %swap3A_117 {strides = array<i32>} : memref<128xi32, #tpu.memory_space<vmem>>, vector<16xi32>,
          %scan3A_118 = arith.constant 0 : i32
          scf.yield %scan3A_118 : i32
        }
        %scan3A_96 = arith.constant 8 : i32
        %add3A_97 = arith.constant 2 : i32
        %add3A_98 = arith.addi %mul3A_50, %add3A_97 : i32
        %scan3A_99 = arith.constant 0 : i32
        %scan3A_100 = arith.constant 0 : i32
        %scan3A_101 = arith.constant 8 : i32
        %scan3A_102 = arith.addi %scan3A_100, %scan3A_101 : i32
        %scan3A_103 = arith.constant 1 : i32
        %scan3A_104 = scf.for %scan3A_106 = %scan3A_100 to %scan3A_102 step %scan3A_103 iter_args(%scan3A_107 = %scan3A_99) -> (i32)  : i32 {
          %mul3A_108 = arith.constant 16 : i32
          %mul3A_109 = arith.muli %scan3A_106, %mul3A_108 : i32
          %get3A = arith.index_cast %add3A_98 : i32 to index
          %get3A_110 = arith.index_cast %mul3A_109 : i32 to index
          %get3A_111 = tpu.vector_load %arg6[%get3A, %get3A_110] {strides = array<i32>} : memref<80x128xi32, #tpu.memory_space<vmem>>, vector<1x16xi32>,
          %get3A_112 = vector.shape_cast %get3A_111 : vector<1x16xi32> to vector<16xi32>
          %mul3A_113 = arith.constant 16 : i32
          %mul3A_114 = arith.muli %scan3A_106, %mul3A_113 : i32
          %swap3A = arith.index_cast %mul3A_114 : i32 to index
          %swap3A_115 = tpu.vector_load %arg8[%swap3A] {strides = array<i32>} : memref<128xi32, #tpu.memory_space<vmem>>, vector<16xi32>,
          %swap3A_116 = vector.shape_cast %swap3A_115 : vector<16xi32> to vector<16xi32>
          %swap3A_117 = vector.shape_cast %get3A_112 : vector<16xi32> to vector<16xi32>
          tpu.vector_store %arg8[%swap3A], %swap3A_117 {strides = array<i32>} : memref<128xi32, #tpu.memory_space<vmem>>, vector<16xi32>,
          %scan3A_118 = arith.constant 0 : i32
          scf.yield %scan3A_118 : i32
        }
        %scan3A_105 = arith.constant 8 : i32
      } else {
      }
      %dma_wait3A_83 = arith.constant 0 : i32
      %dma_wait3A_84 = tpu.memref_slice %arg13[%dma_wait3A_83] : memref<10240xf32, #tpu.memory_space<vmem_shared>> -> memref<10240xf32, #tpu.memory_space<vmem_shared>>
      tpu.wait_indirect_dma semaphore(%arg15 : memref<!tpu.dma_semaphore, #tpu.memory_space<semaphore_mem>>) src(%arg11 : memref<128xf32, #tpu.memory_space<vmem>>) dst(%dma_wait3A_84 : memref<10240xf32, #tpu.memory_space<vmem_shared>>)
      %dma_wait3A_85 = arith.constant 0 : i32
      %dma_wait3A_86 = tpu.memref_slice %arg14[%dma_wait3A_85] : memref<10240xf32, #tpu.memory_space<vmem_shared>> -> memref<10240xf32, #tpu.memory_space<vmem_shared>>
      tpu.wait_indirect_dma semaphore(%arg16 : memref<!tpu.dma_semaphore, #tpu.memory_space<semaphore_mem>>) src(%arg11 : memref<128xf32, #tpu.memory_space<vmem>>) dst(%dma_wait3A_86 : memref<10240xf32, #tpu.memory_space<vmem_shared>>)
      %scan3A_87 = arith.constant 0 : i32
      scf.yield %scan3A_87 : i32
    }
    %scan3A_42 = arith.constant 40 : i32
    %barrier3A_43 = arith.constant 0 : index
    tpu.barrier barrier_id(%barrier3A_43)
    %mul3A_44 = arith.constant 640 : i32
    %mul3A_45 = arith.muli %arg1, %mul3A_44 : i32
    %run_scoped3A = arith.constant 0 : i32
    "tpu.region"() ({
      %run_scoped3A_47 = tpu.sem_alloc : memref<!tpu.dma_semaphore, #tpu.memory_space<semaphore_mem>>
      %dma_start3A = tpu.memref_slice %arg4[%arg0, %run_scoped3A, %mul3A_45] : memref<2x2x10240xf32, #tpu.memory_space<hbm>> -> memref<1x1x640xf32, #tpu.memory_space<hbm>>
      %dma_start3A_48 = tpu.memref_squeeze %dma_start3A : memref<1x1x640xf32, #tpu.memory_space<hbm>> -> memref<640xf32, #tpu.memory_space<hbm>>
      %dma_start3A_49 = tpu.memref_slice %arg13[%mul3A_45] : memref<10240xf32, #tpu.memory_space<vmem_shared>> -> memref<640xf32, #tpu.memory_space<vmem_shared>>
      tpu.enqueue_dma source(%dma_start3A_49 : memref<640xf32, #tpu.memory_space<vmem_shared>>) target(%dma_start3A_48 : memref<640xf32, #tpu.memory_space<hbm>>) target_semaphore(%run_scoped3A_47 : memref<!tpu.dma_semaphore, #tpu.memory_space<semaphore_mem>>)
      %dma_wait3A = tpu.memref_slice %arg4[%arg0, %run_scoped3A, %mul3A_45] : memref<2x2x10240xf32, #tpu.memory_space<hbm>> -> memref<1x1x640xf32, #tpu.memory_space<hbm>>
      %dma_wait3A_50 = tpu.memref_squeeze %dma_wait3A : memref<1x1x640xf32, #tpu.memory_space<hbm>> -> memref<640xf32, #tpu.memory_space<hbm>>
      %dma_wait3A_51 = tpu.memref_slice %arg13[%mul3A_45] : memref<10240xf32, #tpu.memory_space<vmem_shared>> -> memref<640xf32, #tpu.memory_space<vmem_shared>>
      tpu.wait_dma2 semaphore(%run_scoped3A_47 : memref<!tpu.dma_semaphore, #tpu.memory_space<semaphore_mem>>) src(%dma_wait3A_51 : memref<640xf32, #tpu.memory_space<vmem_shared>>) dst(%dma_wait3A_50 : memref<640xf32, #tpu.memory_space<hbm>>)
      tpu.yield
    }) : () -> ()
    %run_scoped3A_46 = arith.constant 1 : i32
    "tpu.region"() ({
      %run_scoped3A_47 = tpu.sem_alloc : memref<!tpu.dma_semaphore, #tpu.memory_space<semaphore_mem>>
      %dma_start3A = tpu.memref_slice %arg4[%arg0, %run_scoped3A_46, %mul3A_45] : memref<2x2x10240xf32, #tpu.memory_space<hbm>> -> memref<1x1x640xf32, #tpu.memory_space<hbm>>
      %dma_start3A_48 = tpu.memref_squeeze %dma_start3A : memref<1x1x640xf32, #tpu.memory_space<hbm>> -> memref<640xf32, #tpu.memory_space<hbm>>
      %dma_start3A_49 = tpu.memref_slice %arg14[%mul3A_45] : memref<10240xf32, #tpu.memory_space<vmem_shared>> -> memref<640xf32, #tpu.memory_space<vmem_shared>>
      tpu.enqueue_dma source(%dma_start3A_49 : memref<640xf32, #tpu.memory_space<vmem_shared>>) target(%dma_start3A_48 : memref<640xf32, #tpu.memory_space<hbm>>) target_semaphore(%run_scoped3A_47 : memref<!tpu.dma_semaphore, #tpu.memory_space<semaphore_mem>>)
      %dma_wait3A = tpu.memref_slice %arg4[%arg0, %run_scoped3A_46, %mul3A_45] : memref<2x2x10240xf32, #tpu.memory_space<hbm>> -> memref<1x1x640xf32, #tpu.memory_space<hbm>>
      %dma_wait3A_50 = tpu.memref_squeeze %dma_wait3A : memref<1x1x640xf32, #tpu.memory_space<hbm>> -> memref<640xf32, #tpu.memory_space<hbm>>
      %dma_wait3A_51 = tpu.memref_slice %arg14[%mul3A_45] : memref<10240xf32, #tpu.memory_space<vmem_shared>> -> memref<640xf32, #tpu.memory_space<vmem_shared>>
      tpu.wait_dma2 semaphore(%run_scoped3A_47 : memref<!tpu.dma_semaphore, #tpu.memory_space<semaphore_mem>>) src(%dma_wait3A_51 : memref<640xf32, #tpu.memory_space<vmem_shared>>) dst(%dma_wait3A_50 : memref<640xf32, #tpu.memory_space<hbm>>)
      tpu.yield
    }) : () -> ()
    return
  }
}

#map = affine_map<(d0, d1) -> (0, 0)>
#map1 = affine_map<(d0, d1) -> (0)>
#map2 = affine_map<(d0, d1) -> (0, 0, 0)>
module attributes {stable_mosaic.version = 14 : i64} {
  func.func @msg_kernel(%arg0: i32, %arg1: i32, %arg2: memref<10240x128xf32, #tpu.memory_space<hbm>>, %arg3: memref<320000xi32, #tpu.memory_space<hbm>>, %arg4: memref<320000xi32, #tpu.memory_space<hbm>>, %arg5: memref<2x10240x128xf32, #tpu.memory_space<hbm>>, %arg6: memref<80xi32, #tpu.memory_space<vmem>>, %arg7: memref<80xi32, #tpu.memory_space<vmem>>, %arg8: memref<80xi32, #tpu.memory_space<vmem>>, %arg9: memref<80xi32, #tpu.memory_space<vmem>>, %arg10: memref<80x128xf32, #tpu.memory_space<vmem>>, %arg11: memref<80x128xf32, #tpu.memory_space<vmem>>, %arg12: memref<10240x128xf32, #tpu.memory_space<vmem_shared>>, %arg13: memref<!tpu.dma_semaphore, #tpu.memory_space<semaphore_mem>>, %arg14: memref<!tpu.dma_semaphore, #tpu.memory_space<semaphore_mem>>, %arg15: memref<!tpu.dma_semaphore, #tpu.memory_space<semaphore_mem>>, %arg16: memref<!tpu.dma_semaphore, #tpu.memory_space<semaphore_mem>>) attributes {dimension_semantics = [#tpu.dimension_semantics<core_parallel>, #tpu.dimension_semantics<subcore_parallel>], iteration_bounds = array<i64: 2, 16>, scalar_prefetch = 0 : i64, scratch_operands = 11 : i64, tpu.core_type = #tpu.core_type<sc_vector_subcore>, window_params = [{transform_indices = #map}, {transform_indices = #map1}, {transform_indices = #map1}, {transform_indices = #map2}]} {
    %mul3A = arith.constant 16 : i32
    %mul3A_0 = arith.muli %arg0, %mul3A : i32
    %add3A = arith.addi %mul3A_0, %arg1 : i32
    %mul3A_1 = arith.constant 10000 : i32
    %mul3A_2 = arith.muli %add3A, %mul3A_1 : i32
    %scan3A = arith.constant 0 : i32
    %scan3A_3 = arith.constant 0 : i32
    %scan3A_4 = arith.constant 80 : i32
    %scan3A_5 = arith.addi %scan3A_3, %scan3A_4 : i32
    %scan3A_6 = arith.constant 1 : i32
    %scan3A_7 = scf.for %scan3A_53 = %scan3A_3 to %scan3A_5 step %scan3A_6 iter_args(%scan3A_54 = %scan3A) -> (i32)  : i32 {
      %scan3A_55 = arith.constant 0 : i32
      %scan3A_56 = arith.constant 0 : i32
      %scan3A_57 = arith.constant 8 : i32
      %scan3A_58 = arith.addi %scan3A_56, %scan3A_57 : i32
      %scan3A_59 = arith.constant 1 : i32
      %scan3A_60 = scf.for %scan3A_62 = %scan3A_56 to %scan3A_58 step %scan3A_59 iter_args(%scan3A_63 = %scan3A_55) -> (i32)  : i32 {
        %broadcast_in_dim3A = arith.constant 0.000000e+00 : f32
        %broadcast_in_dim3A_64 = vector.broadcast %broadcast_in_dim3A : f32 to vector<16xf32>
        %mul3A_65 = arith.constant 16 : i32
        %mul3A_66 = arith.muli %scan3A_62, %mul3A_65 : i32
        %swap3A = arith.index_cast %scan3A_53 : i32 to index
        %swap3A_67 = arith.index_cast %mul3A_66 : i32 to index
        %swap3A_68 = tpu.vector_load %arg10[%swap3A, %swap3A_67] {strides = array<i32>} : memref<80x128xf32, #tpu.memory_space<vmem>>, vector<1x16xf32>,
        %swap3A_69 = vector.shape_cast %swap3A_68 : vector<1x16xf32> to vector<16xf32>
        %swap3A_70 = vector.shape_cast %broadcast_in_dim3A_64 : vector<16xf32> to vector<1x16xf32>
        tpu.vector_store %arg10[%swap3A, %swap3A_67], %swap3A_70 {strides = array<i32>} : memref<80x128xf32, #tpu.memory_space<vmem>>, vector<1x16xf32>,
        %scan3A_71 = arith.constant 0 : i32
        scf.yield %scan3A_71 : i32
      }
      %scan3A_61 = arith.constant 8 : i32
      scf.yield %scan3A_60 : i32
    }
    %scan3A_8 = arith.constant 80 : i32
    %scan3A_9 = arith.constant 0 : i32
    %scan3A_10 = arith.constant 0 : i32
    %scan3A_11 = arith.constant 8 : i32
    %scan3A_12 = arith.addi %scan3A_10, %scan3A_11 : i32
    %scan3A_13 = arith.constant 1 : i32
    %scan3A_14 = scf.for %scan3A_53 = %scan3A_10 to %scan3A_12 step %scan3A_13 iter_args(%scan3A_54 = %scan3A_9) -> (i32)  : i32 {
      %mul3A_55 = arith.constant 640 : i32
      %mul3A_56 = arith.muli %arg1, %mul3A_55 : i32
      %mul3A_57 = arith.constant 80 : i32
      %mul3A_58 = arith.muli %scan3A_53, %mul3A_57 : i32
      %add3A_59 = arith.addi %mul3A_56, %mul3A_58 : i32
      "tpu.region"() ({
        %run_scoped3A = tpu.sem_alloc : memref<!tpu.dma_semaphore, #tpu.memory_space<semaphore_mem>>
        %dma_start3A_61 = arith.constant 0 : i32
        %dma_start3A_62 = tpu.memref_slice %arg12[%add3A_59, %dma_start3A_61] : memref<10240x128xf32, #tpu.memory_space<vmem_shared>> -> memref<80x128xf32, #tpu.memory_space<vmem_shared>>
        %dma_start3A_63 = arith.constant 0 : i32
        %dma_start3A_64 = tpu.memref_slice %arg12[%add3A_59, %dma_start3A_63] : memref<10240x128xf32, #tpu.memory_space<vmem_shared>> -> memref<80x128xf32, #tpu.memory_space<vmem_shared>>
        tpu.enqueue_dma source(%arg10 : memref<80x128xf32, #tpu.memory_space<vmem>>) target(%dma_start3A_64 : memref<80x128xf32, #tpu.memory_space<vmem_shared>>) target_semaphore(%run_scoped3A : memref<!tpu.dma_semaphore, #tpu.memory_space<semaphore_mem>>)
        %dma_wait3A_65 = arith.constant 0 : i32
        %dma_wait3A_66 = tpu.memref_slice %arg12[%add3A_59, %dma_wait3A_65] : memref<10240x128xf32, #tpu.memory_space<vmem_shared>> -> memref<80x128xf32, #tpu.memory_space<vmem_shared>>
        %dma_wait3A_67 = arith.constant 0 : i32
        %dma_wait3A_68 = tpu.memref_slice %arg12[%add3A_59, %dma_wait3A_67] : memref<10240x128xf32, #tpu.memory_space<vmem_shared>> -> memref<80x128xf32, #tpu.memory_space<vmem_shared>>
        tpu.wait_dma2 semaphore(%run_scoped3A : memref<!tpu.dma_semaphore, #tpu.memory_space<semaphore_mem>>) src(%arg10 : memref<80x128xf32, #tpu.memory_space<vmem>>) dst(%dma_wait3A_68 : memref<80x128xf32, #tpu.memory_space<vmem_shared>>)
        tpu.yield
      }) : () -> ()
      %scan3A_60 = arith.constant 0 : i32
      scf.yield %scan3A_60 : i32
    }
    %scan3A_15 = arith.constant 8 : i32
    %barrier3A = arith.constant 0 : index
    tpu.barrier barrier_id(%barrier3A)
    %add3A_16 = arith.constant 0 : i32
    %add3A_17 = arith.addi %mul3A_2, %add3A_16 : i32
    %dma_start3A = tpu.memref_slice %arg3[%add3A_17] : memref<320000xi32, #tpu.memory_space<hbm>> -> memref<80xi32, #tpu.memory_space<hbm>>
    %dma_start3A_18 = tpu.memref_slice %arg3[%add3A_17] : memref<320000xi32, #tpu.memory_space<hbm>> -> memref<80xi32, #tpu.memory_space<hbm>>
    tpu.enqueue_dma source(%dma_start3A_18 : memref<80xi32, #tpu.memory_space<hbm>>) target(%arg6 : memref<80xi32, #tpu.memory_space<vmem>>) target_semaphore(%arg15 : memref<!tpu.dma_semaphore, #tpu.memory_space<semaphore_mem>>)
    %dma_start3A_19 = tpu.memref_slice %arg4[%add3A_17] : memref<320000xi32, #tpu.memory_space<hbm>> -> memref<80xi32, #tpu.memory_space<hbm>>
    %dma_start3A_20 = tpu.memref_slice %arg4[%add3A_17] : memref<320000xi32, #tpu.memory_space<hbm>> -> memref<80xi32, #tpu.memory_space<hbm>>
    tpu.enqueue_dma source(%dma_start3A_20 : memref<80xi32, #tpu.memory_space<hbm>>) target(%arg7 : memref<80xi32, #tpu.memory_space<vmem>>) target_semaphore(%arg15 : memref<!tpu.dma_semaphore, #tpu.memory_space<semaphore_mem>>)
    %add3A_21 = arith.constant 80 : i32
    %add3A_22 = arith.addi %mul3A_2, %add3A_21 : i32
    %dma_start3A_23 = tpu.memref_slice %arg3[%add3A_22] : memref<320000xi32, #tpu.memory_space<hbm>> -> memref<80xi32, #tpu.memory_space<hbm>>
    %dma_start3A_24 = tpu.memref_slice %arg3[%add3A_22] : memref<320000xi32, #tpu.memory_space<hbm>> -> memref<80xi32, #tpu.memory_space<hbm>>
    tpu.enqueue_dma source(%dma_start3A_24 : memref<80xi32, #tpu.memory_space<hbm>>) target(%arg8 : memref<80xi32, #tpu.memory_space<vmem>>) target_semaphore(%arg16 : memref<!tpu.dma_semaphore, #tpu.memory_space<semaphore_mem>>)
    %dma_start3A_25 = tpu.memref_slice %arg4[%add3A_22] : memref<320000xi32, #tpu.memory_space<hbm>> -> memref<80xi32, #tpu.memory_space<hbm>>
    %dma_start3A_26 = tpu.memref_slice %arg4[%add3A_22] : memref<320000xi32, #tpu.memory_space<hbm>> -> memref<80xi32, #tpu.memory_space<hbm>>
    tpu.enqueue_dma source(%dma_start3A_26 : memref<80xi32, #tpu.memory_space<hbm>>) target(%arg9 : memref<80xi32, #tpu.memory_space<vmem>>) target_semaphore(%arg16 : memref<!tpu.dma_semaphore, #tpu.memory_space<semaphore_mem>>)
    %dma_wait3A = arith.constant 0 : i32
    %dma_wait3A_27 = tpu.memref_slice %arg3[%dma_wait3A] : memref<320000xi32, #tpu.memory_space<hbm>> -> memref<80xi32, #tpu.memory_space<hbm>>
    %dma_wait3A_28 = arith.constant 0 : i32
    %dma_wait3A_29 = tpu.memref_slice %arg3[%dma_wait3A_28] : memref<320000xi32, #tpu.memory_space<hbm>> -> memref<80xi32, #tpu.memory_space<hbm>>
    tpu.wait_dma2 semaphore(%arg15 : memref<!tpu.dma_semaphore, #tpu.memory_space<semaphore_mem>>) src(%dma_wait3A_29 : memref<80xi32, #tpu.memory_space<hbm>>) dst(%arg6 : memref<80xi32, #tpu.memory_space<vmem>>)
    %dma_wait3A_30 = arith.constant 0 : i32
    %dma_wait3A_31 = tpu.memref_slice %arg4[%dma_wait3A_30] : memref<320000xi32, #tpu.memory_space<hbm>> -> memref<80xi32, #tpu.memory_space<hbm>>
    %dma_wait3A_32 = arith.constant 0 : i32
    %dma_wait3A_33 = tpu.memref_slice %arg4[%dma_wait3A_32] : memref<320000xi32, #tpu.memory_space<hbm>> -> memref<80xi32, #tpu.memory_space<hbm>>
    tpu.wait_dma2 semaphore(%arg15 : memref<!tpu.dma_semaphore, #tpu.memory_space<semaphore_mem>>) src(%dma_wait3A_33 : memref<80xi32, #tpu.memory_space<hbm>>) dst(%arg7 : memref<80xi32, #tpu.memory_space<vmem>>)
    %dma_start3A_34 = arith.constant 0 : i32
    %dma_start3A_35 = arith.constant 0 : i32
    %dma_start3A_36 = tpu.memref_slice %arg2[%dma_start3A_34, %dma_start3A_35] : memref<10240x128xf32, #tpu.memory_space<hbm>> -> memref<10240x128xf32, #tpu.memory_space<hbm>>
    tpu.enqueue_indirect_dma source(%dma_start3A_36 : memref<10240x128xf32, #tpu.memory_space<hbm>>) target(%arg10 : memref<80x128xf32, #tpu.memory_space<vmem>>) offsets(%arg6 : memref<80xi32, #tpu.memory_space<vmem>>) semaphore(%arg13 : memref<!tpu.dma_semaphore, #tpu.memory_space<semaphore_mem>>)
    %scan3A_37 = arith.constant 0 : i32
    %scan3A_38 = arith.constant 0 : i32
    %scan3A_39 = arith.constant 62 : i32
    %scan3A_40 = arith.addi %scan3A_38, %scan3A_39 : i32
    %scan3A_41 = arith.constant 1 : i32
    %scan3A_42 = scf.for %scan3A_53 = %scan3A_38 to %scan3A_40 step %scan3A_41 iter_args(%scan3A_54 = %scan3A_37) -> (i32)  : i32 {
      %mul3A_55 = arith.constant 2 : i32
      %mul3A_56 = arith.muli %mul3A_55, %scan3A_53 : i32
      %dma_wait3A_57 = arith.constant 0 : i32
      %dma_wait3A_58 = tpu.memref_slice %arg3[%dma_wait3A_57] : memref<320000xi32, #tpu.memory_space<hbm>> -> memref<80xi32, #tpu.memory_space<hbm>>
      %dma_wait3A_59 = arith.constant 0 : i32
      %dma_wait3A_60 = tpu.memref_slice %arg3[%dma_wait3A_59] : memref<320000xi32, #tpu.memory_space<hbm>> -> memref<80xi32, #tpu.memory_space<hbm>>
      tpu.wait_dma2 semaphore(%arg16 : memref<!tpu.dma_semaphore, #tpu.memory_space<semaphore_mem>>) src(%dma_wait3A_60 : memref<80xi32, #tpu.memory_space<hbm>>) dst(%arg8 : memref<80xi32, #tpu.memory_space<vmem>>)
      %dma_wait3A_61 = arith.constant 0 : i32
      %dma_wait3A_62 = tpu.memref_slice %arg4[%dma_wait3A_61] : memref<320000xi32, #tpu.memory_space<hbm>> -> memref<80xi32, #tpu.memory_space<hbm>>
      %dma_wait3A_63 = arith.constant 0 : i32
      %dma_wait3A_64 = tpu.memref_slice %arg4[%dma_wait3A_63] : memref<320000xi32, #tpu.memory_space<hbm>> -> memref<80xi32, #tpu.memory_space<hbm>>
      tpu.wait_dma2 semaphore(%arg16 : memref<!tpu.dma_semaphore, #tpu.memory_space<semaphore_mem>>) src(%dma_wait3A_64 : memref<80xi32, #tpu.memory_space<hbm>>) dst(%arg9 : memref<80xi32, #tpu.memory_space<vmem>>)
      %dma_wait3A_65 = arith.constant 0 : i32
      %dma_wait3A_66 = arith.constant 0 : i32
      %dma_wait3A_67 = tpu.memref_slice %arg2[%dma_wait3A_65, %dma_wait3A_66] : memref<10240x128xf32, #tpu.memory_space<hbm>> -> memref<80x128xf32, #tpu.memory_space<hbm>>
      %dma_wait3A_68 = arith.constant 0 : i32
      %dma_wait3A_69 = arith.constant 0 : i32
      %dma_wait3A_70 = tpu.memref_slice %arg2[%dma_wait3A_68, %dma_wait3A_69] : memref<10240x128xf32, #tpu.memory_space<hbm>> -> memref<80x128xf32, #tpu.memory_space<hbm>>
      tpu.wait_dma2 semaphore(%arg13 : memref<!tpu.dma_semaphore, #tpu.memory_space<semaphore_mem>>) src(%dma_wait3A_70 : memref<80x128xf32, #tpu.memory_space<hbm>>) dst(%arg10 : memref<80x128xf32, #tpu.memory_space<vmem>>)
      %dma_start3A_71 = arith.constant 0 : i32
      %dma_start3A_72 = arith.constant 0 : i32
      %dma_start3A_73 = tpu.memref_slice %arg2[%dma_start3A_71, %dma_start3A_72] : memref<10240x128xf32, #tpu.memory_space<hbm>> -> memref<10240x128xf32, #tpu.memory_space<hbm>>
      tpu.enqueue_indirect_dma source(%dma_start3A_73 : memref<10240x128xf32, #tpu.memory_space<hbm>>) target(%arg11 : memref<80x128xf32, #tpu.memory_space<vmem>>) offsets(%arg8 : memref<80xi32, #tpu.memory_space<vmem>>) semaphore(%arg14 : memref<!tpu.dma_semaphore, #tpu.memory_space<semaphore_mem>>)
      "tpu.region"() ({
        %run_scoped3A = tpu.sem_alloc : memref<!tpu.dma_semaphore, #tpu.memory_space<semaphore_mem>>
        %dma_start3A_105 = arith.constant 0 : i32
        %dma_start3A_106 = arith.constant 0 : i32
        %dma_start3A_107 = tpu.memref_slice %arg12[%dma_start3A_105, %dma_start3A_106] : memref<10240x128xf32, #tpu.memory_space<vmem_shared>> -> memref<10240x128xf32, #tpu.memory_space<vmem_shared>>
        tpu.enqueue_indirect_dma source(%arg10 : memref<80x128xf32, #tpu.memory_space<vmem>>) target(%dma_start3A_107 : memref<10240x128xf32, #tpu.memory_space<vmem_shared>>) offsets(%arg7 : memref<80xi32, #tpu.memory_space<vmem>>) semaphore(%run_scoped3A : memref<!tpu.dma_semaphore, #tpu.memory_space<semaphore_mem>>) {add = true}
        %dma_wait3A_108 = arith.constant 0 : i32
        %dma_wait3A_109 = arith.constant 0 : i32
        %dma_wait3A_110 = tpu.memref_slice %arg12[%dma_wait3A_108, %dma_wait3A_109] : memref<10240x128xf32, #tpu.memory_space<vmem_shared>> -> memref<10240x128xf32, #tpu.memory_space<vmem_shared>>
        tpu.wait_indirect_dma semaphore(%run_scoped3A : memref<!tpu.dma_semaphore, #tpu.memory_space<semaphore_mem>>) src(%arg10 : memref<80x128xf32, #tpu.memory_space<vmem>>) dst(%dma_wait3A_110 : memref<10240x128xf32, #tpu.memory_space<vmem_shared>>)
        tpu.yield
      }) : () -> ()
      %add3A_74 = arith.constant 2 : i32
      %add3A_75 = arith.addi %mul3A_56, %add3A_74 : i32
      %mul3A_76 = arith.constant 80 : i32
      %mul3A_77 = arith.muli %add3A_75, %mul3A_76 : i32
      %add3A_78 = arith.addi %mul3A_2, %mul3A_77 : i32
      %dma_start3A_79 = tpu.memref_slice %arg3[%add3A_78] : memref<320000xi32, #tpu.memory_space<hbm>> -> memref<80xi32, #tpu.memory_space<hbm>>
      %dma_start3A_80 = tpu.memref_slice %arg3[%add3A_78] : memref<320000xi32, #tpu.memory_space<hbm>> -> memref<80xi32, #tpu.memory_space<hbm>>
      tpu.enqueue_dma source(%dma_start3A_80 : memref<80xi32, #tpu.memory_space<hbm>>) target(%arg6 : memref<80xi32, #tpu.memory_space<vmem>>) target_semaphore(%arg15 : memref<!tpu.dma_semaphore, #tpu.memory_space<semaphore_mem>>)
      %dma_start3A_81 = tpu.memref_slice %arg4[%add3A_78] : memref<320000xi32, #tpu.memory_space<hbm>> -> memref<80xi32, #tpu.memory_space<hbm>>
      %dma_start3A_82 = tpu.memref_slice %arg4[%add3A_78] : memref<320000xi32, #tpu.memory_space<hbm>> -> memref<80xi32, #tpu.memory_space<hbm>>
      tpu.enqueue_dma source(%dma_start3A_82 : memref<80xi32, #tpu.memory_space<hbm>>) target(%arg7 : memref<80xi32, #tpu.memory_space<vmem>>) target_semaphore(%arg15 : memref<!tpu.dma_semaphore, #tpu.memory_space<semaphore_mem>>)
      %dma_wait3A_83 = arith.constant 0 : i32
      %dma_wait3A_84 = tpu.memref_slice %arg3[%dma_wait3A_83] : memref<320000xi32, #tpu.memory_space<hbm>> -> memref<80xi32, #tpu.memory_space<hbm>>
      %dma_wait3A_85 = arith.constant 0 : i32
      %dma_wait3A_86 = tpu.memref_slice %arg3[%dma_wait3A_85] : memref<320000xi32, #tpu.memory_space<hbm>> -> memref<80xi32, #tpu.memory_space<hbm>>
      tpu.wait_dma2 semaphore(%arg15 : memref<!tpu.dma_semaphore, #tpu.memory_space<semaphore_mem>>) src(%dma_wait3A_86 : memref<80xi32, #tpu.memory_space<hbm>>) dst(%arg6 : memref<80xi32, #tpu.memory_space<vmem>>)
      %dma_wait3A_87 = arith.constant 0 : i32
      %dma_wait3A_88 = tpu.memref_slice %arg4[%dma_wait3A_87] : memref<320000xi32, #tpu.memory_space<hbm>> -> memref<80xi32, #tpu.memory_space<hbm>>
      %dma_wait3A_89 = arith.constant 0 : i32
      %dma_wait3A_90 = tpu.memref_slice %arg4[%dma_wait3A_89] : memref<320000xi32, #tpu.memory_space<hbm>> -> memref<80xi32, #tpu.memory_space<hbm>>
      tpu.wait_dma2 semaphore(%arg15 : memref<!tpu.dma_semaphore, #tpu.memory_space<semaphore_mem>>) src(%dma_wait3A_90 : memref<80xi32, #tpu.memory_space<hbm>>) dst(%arg7 : memref<80xi32, #tpu.memory_space<vmem>>)
      %dma_wait3A_91 = arith.constant 0 : i32
      %dma_wait3A_92 = arith.constant 0 : i32
      %dma_wait3A_93 = tpu.memref_slice %arg2[%dma_wait3A_91, %dma_wait3A_92] : memref<10240x128xf32, #tpu.memory_space<hbm>> -> memref<80x128xf32, #tpu.memory_space<hbm>>
      %dma_wait3A_94 = arith.constant 0 : i32
      %dma_wait3A_95 = arith.constant 0 : i32
      %dma_wait3A_96 = tpu.memref_slice %arg2[%dma_wait3A_94, %dma_wait3A_95] : memref<10240x128xf32, #tpu.memory_space<hbm>> -> memref<80x128xf32, #tpu.memory_space<hbm>>
      tpu.wait_dma2 semaphore(%arg14 : memref<!tpu.dma_semaphore, #tpu.memory_space<semaphore_mem>>) src(%dma_wait3A_96 : memref<80x128xf32, #tpu.memory_space<hbm>>) dst(%arg11 : memref<80x128xf32, #tpu.memory_space<vmem>>)
      %dma_start3A_97 = arith.constant 0 : i32
      %dma_start3A_98 = arith.constant 0 : i32
      %dma_start3A_99 = tpu.memref_slice %arg2[%dma_start3A_97, %dma_start3A_98] : memref<10240x128xf32, #tpu.memory_space<hbm>> -> memref<10240x128xf32, #tpu.memory_space<hbm>>
      tpu.enqueue_indirect_dma source(%dma_start3A_99 : memref<10240x128xf32, #tpu.memory_space<hbm>>) target(%arg10 : memref<80x128xf32, #tpu.memory_space<vmem>>) offsets(%arg6 : memref<80xi32, #tpu.memory_space<vmem>>) semaphore(%arg13 : memref<!tpu.dma_semaphore, #tpu.memory_space<semaphore_mem>>)
      "tpu.region"() ({
        %run_scoped3A = tpu.sem_alloc : memref<!tpu.dma_semaphore, #tpu.memory_space<semaphore_mem>>
        %dma_start3A_105 = arith.constant 0 : i32
        %dma_start3A_106 = arith.constant 0 : i32
        %dma_start3A_107 = tpu.memref_slice %arg12[%dma_start3A_105, %dma_start3A_106] : memref<10240x128xf32, #tpu.memory_space<vmem_shared>> -> memref<10240x128xf32, #tpu.memory_space<vmem_shared>>
        tpu.enqueue_indirect_dma source(%arg11 : memref<80x128xf32, #tpu.memory_space<vmem>>) target(%dma_start3A_107 : memref<10240x128xf32, #tpu.memory_space<vmem_shared>>) offsets(%arg9 : memref<80xi32, #tpu.memory_space<vmem>>) semaphore(%run_scoped3A : memref<!tpu.dma_semaphore, #tpu.memory_space<semaphore_mem>>) {add = true}
        %dma_wait3A_108 = arith.constant 0 : i32
        %dma_wait3A_109 = arith.constant 0 : i32
        %dma_wait3A_110 = tpu.memref_slice %arg12[%dma_wait3A_108, %dma_wait3A_109] : memref<10240x128xf32, #tpu.memory_space<vmem_shared>> -> memref<10240x128xf32, #tpu.memory_space<vmem_shared>>
        tpu.wait_indirect_dma semaphore(%run_scoped3A : memref<!tpu.dma_semaphore, #tpu.memory_space<semaphore_mem>>) src(%arg11 : memref<80x128xf32, #tpu.memory_space<vmem>>) dst(%dma_wait3A_110 : memref<10240x128xf32, #tpu.memory_space<vmem_shared>>)
        tpu.yield
      }) : () -> ()
      %add3A_100 = arith.constant 3 : i32
      %add3A_101 = arith.addi %mul3A_56, %add3A_100 : i32
      %lt3A = arith.constant 125 : i32
      %lt3A_102 = arith.cmpi slt, %add3A_101, %lt3A : i32
      %convert_element_type3A = arith.extui %lt3A_102 : i1 to i32
      %cond3A = arith.constant 0 : i32
      %cond3A_103 = arith.cmpi ne, %convert_element_type3A, %cond3A : i32
      scf.if %cond3A_103 {
        %add3A_105 = arith.constant 3 : i32
        %add3A_106 = arith.addi %mul3A_56, %add3A_105 : i32
        %mul3A_107 = arith.constant 80 : i32
        %mul3A_108 = arith.muli %add3A_106, %mul3A_107 : i32
        %add3A_109 = arith.addi %mul3A_2, %mul3A_108 : i32
        %dma_start3A_110 = tpu.memref_slice %arg3[%add3A_109] : memref<320000xi32, #tpu.memory_space<hbm>> -> memref<80xi32, #tpu.memory_space<hbm>>
        %dma_start3A_111 = tpu.memref_slice %arg3[%add3A_109] : memref<320000xi32, #tpu.memory_space<hbm>> -> memref<80xi32, #tpu.memory_space<hbm>>
        tpu.enqueue_dma source(%dma_start3A_111 : memref<80xi32, #tpu.memory_space<hbm>>) target(%arg8 : memref<80xi32, #tpu.memory_space<vmem>>) target_semaphore(%arg16 : memref<!tpu.dma_semaphore, #tpu.memory_space<semaphore_mem>>)
        %dma_start3A_112 = tpu.memref_slice %arg4[%add3A_109] : memref<320000xi32, #tpu.memory_space<hbm>> -> memref<80xi32, #tpu.memory_space<hbm>>
        %dma_start3A_113 = tpu.memref_slice %arg4[%add3A_109] : memref<320000xi32, #tpu.memory_space<hbm>> -> memref<80xi32, #tpu.memory_space<hbm>>
        tpu.enqueue_dma source(%dma_start3A_113 : memref<80xi32, #tpu.memory_space<hbm>>) target(%arg9 : memref<80xi32, #tpu.memory_space<vmem>>) target_semaphore(%arg16 : memref<!tpu.dma_semaphore, #tpu.memory_space<semaphore_mem>>)
      } else {
      }
      %scan3A_104 = arith.constant 0 : i32
      scf.yield %scan3A_104 : i32
    }
    %scan3A_43 = arith.constant 62 : i32
    %dma_wait3A_44 = arith.constant 0 : i32
    %dma_wait3A_45 = arith.constant 0 : i32
    %dma_wait3A_46 = tpu.memref_slice %arg2[%dma_wait3A_44, %dma_wait3A_45] : memref<10240x128xf32, #tpu.memory_space<hbm>> -> memref<80x128xf32, #tpu.memory_space<hbm>>
    %dma_wait3A_47 = arith.constant 0 : i32
    %dma_wait3A_48 = arith.constant 0 : i32
    %dma_wait3A_49 = tpu.memref_slice %arg2[%dma_wait3A_47, %dma_wait3A_48] : memref<10240x128xf32, #tpu.memory_space<hbm>> -> memref<80x128xf32, #tpu.memory_space<hbm>>
    tpu.wait_dma2 semaphore(%arg13 : memref<!tpu.dma_semaphore, #tpu.memory_space<semaphore_mem>>) src(%dma_wait3A_49 : memref<80x128xf32, #tpu.memory_space<hbm>>) dst(%arg10 : memref<80x128xf32, #tpu.memory_space<vmem>>)
    "tpu.region"() ({
      %run_scoped3A = tpu.sem_alloc : memref<!tpu.dma_semaphore, #tpu.memory_space<semaphore_mem>>
      %dma_start3A_53 = arith.constant 0 : i32
      %dma_start3A_54 = arith.constant 0 : i32
      %dma_start3A_55 = tpu.memref_slice %arg12[%dma_start3A_53, %dma_start3A_54] : memref<10240x128xf32, #tpu.memory_space<vmem_shared>> -> memref<10240x128xf32, #tpu.memory_space<vmem_shared>>
      tpu.enqueue_indirect_dma source(%arg10 : memref<80x128xf32, #tpu.memory_space<vmem>>) target(%dma_start3A_55 : memref<10240x128xf32, #tpu.memory_space<vmem_shared>>) offsets(%arg7 : memref<80xi32, #tpu.memory_space<vmem>>) semaphore(%run_scoped3A : memref<!tpu.dma_semaphore, #tpu.memory_space<semaphore_mem>>) {add = true}
      %dma_wait3A_56 = arith.constant 0 : i32
      %dma_wait3A_57 = arith.constant 0 : i32
      %dma_wait3A_58 = tpu.memref_slice %arg12[%dma_wait3A_56, %dma_wait3A_57] : memref<10240x128xf32, #tpu.memory_space<vmem_shared>> -> memref<10240x128xf32, #tpu.memory_space<vmem_shared>>
      tpu.wait_indirect_dma semaphore(%run_scoped3A : memref<!tpu.dma_semaphore, #tpu.memory_space<semaphore_mem>>) src(%arg10 : memref<80x128xf32, #tpu.memory_space<vmem>>) dst(%dma_wait3A_58 : memref<10240x128xf32, #tpu.memory_space<vmem_shared>>)
      tpu.yield
    }) : () -> ()
    %barrier3A_50 = arith.constant 0 : index
    tpu.barrier barrier_id(%barrier3A_50)
    %mul3A_51 = arith.constant 640 : i32
    %mul3A_52 = arith.muli %arg1, %mul3A_51 : i32
    "tpu.region"() ({
      %run_scoped3A = tpu.sem_alloc : memref<!tpu.dma_semaphore, #tpu.memory_space<semaphore_mem>>
      %dma_start3A_53 = arith.constant 0 : i32
      %dma_start3A_54 = tpu.memref_slice %arg5[%arg0, %mul3A_52, %dma_start3A_53] : memref<2x10240x128xf32, #tpu.memory_space<hbm>> -> memref<1x640x128xf32, #tpu.memory_space<hbm>>
      %dma_start3A_55 = tpu.memref_squeeze %dma_start3A_54 : memref<1x640x128xf32, #tpu.memory_space<hbm>> -> memref<640x128xf32, #tpu.memory_space<hbm>>
      %dma_start3A_56 = arith.constant 0 : i32
      %dma_start3A_57 = tpu.memref_slice %arg12[%mul3A_52, %dma_start3A_56] : memref<10240x128xf32, #tpu.memory_space<vmem_shared>> -> memref<640x128xf32, #tpu.memory_space<vmem_shared>>
      tpu.enqueue_dma source(%dma_start3A_57 : memref<640x128xf32, #tpu.memory_space<vmem_shared>>) target(%dma_start3A_55 : memref<640x128xf32, #tpu.memory_space<hbm>>) target_semaphore(%run_scoped3A : memref<!tpu.dma_semaphore, #tpu.memory_space<semaphore_mem>>)
      %dma_wait3A_58 = arith.constant 0 : i32
      %dma_wait3A_59 = tpu.memref_slice %arg5[%arg0, %mul3A_52, %dma_wait3A_58] : memref<2x10240x128xf32, #tpu.memory_space<hbm>> -> memref<1x640x128xf32, #tpu.memory_space<hbm>>
      %dma_wait3A_60 = tpu.memref_squeeze %dma_wait3A_59 : memref<1x640x128xf32, #tpu.memory_space<hbm>> -> memref<640x128xf32, #tpu.memory_space<hbm>>
      %dma_wait3A_61 = arith.constant 0 : i32
      %dma_wait3A_62 = tpu.memref_slice %arg12[%mul3A_52, %dma_wait3A_61] : memref<10240x128xf32, #tpu.memory_space<vmem_shared>> -> memref<640x128xf32, #tpu.memory_space<vmem_shared>>
      tpu.wait_dma2 semaphore(%run_scoped3A : memref<!tpu.dma_semaphore, #tpu.memory_space<semaphore_mem>>) src(%dma_wait3A_62 : memref<640x128xf32, #tpu.memory_space<vmem_shared>>) dst(%dma_wait3A_60 : memref<640x128xf32, #tpu.memory_space<hbm>>)
      tpu.yield
    }) : () -> ()
    return
  }
}

#map = affine_map<(d0, d1) -> (0, 0)>
#map1 = affine_map<(d0, d1) -> (0)>
#map2 = affine_map<(d0, d1) -> (0, 0, 0)>
module attributes {stable_mosaic.version = 14 : i64} {
  func.func @msg_kernel(%arg0: i32, %arg1: i32, %arg2: memref<10240x128xf32, #tpu.memory_space<hbm>>, %arg3: memref<320000xi32, #tpu.memory_space<hbm>>, %arg4: memref<320000xi32, #tpu.memory_space<hbm>>, %arg5: memref<2x10240x128xf32, #tpu.memory_space<hbm>>, %arg6: memref<80xi32, #tpu.memory_space<vmem>>, %arg7: memref<80xi32, #tpu.memory_space<vmem>>, %arg8: memref<80xi32, #tpu.memory_space<vmem>>, %arg9: memref<80xi32, #tpu.memory_space<vmem>>, %arg10: memref<80x128xf32, #tpu.memory_space<vmem>>, %arg11: memref<80x128xf32, #tpu.memory_space<vmem>>, %arg12: memref<10240x128xf32, #tpu.memory_space<vmem_shared>>, %arg13: memref<!tpu.dma_semaphore, #tpu.memory_space<semaphore_mem>>, %arg14: memref<!tpu.dma_semaphore, #tpu.memory_space<semaphore_mem>>, %arg15: memref<!tpu.dma_semaphore, #tpu.memory_space<semaphore_mem>>, %arg16: memref<!tpu.dma_semaphore, #tpu.memory_space<semaphore_mem>>) attributes {dimension_semantics = [#tpu.dimension_semantics<core_parallel>, #tpu.dimension_semantics<subcore_parallel>], iteration_bounds = array<i64: 2, 16>, scalar_prefetch = 0 : i64, scratch_operands = 11 : i64, tpu.core_type = #tpu.core_type<sc_vector_subcore>, window_params = [{transform_indices = #map}, {transform_indices = #map1}, {transform_indices = #map1}, {transform_indices = #map2}]} {
    %mul3A = arith.constant 16 : i32
    %mul3A_0 = arith.muli %arg0, %mul3A : i32
    %add3A = arith.addi %mul3A_0, %arg1 : i32
    %mul3A_1 = arith.constant 10000 : i32
    %mul3A_2 = arith.muli %add3A, %mul3A_1 : i32
    %scan3A = arith.constant 0 : i32
    %scan3A_3 = arith.constant 0 : i32
    %scan3A_4 = arith.constant 80 : i32
    %scan3A_5 = arith.addi %scan3A_3, %scan3A_4 : i32
    %scan3A_6 = arith.constant 1 : i32
    %scan3A_7 = scf.for %scan3A_53 = %scan3A_3 to %scan3A_5 step %scan3A_6 iter_args(%scan3A_54 = %scan3A) -> (i32)  : i32 {
      %scan3A_55 = arith.constant 0 : i32
      %scan3A_56 = arith.constant 0 : i32
      %scan3A_57 = arith.constant 8 : i32
      %scan3A_58 = arith.addi %scan3A_56, %scan3A_57 : i32
      %scan3A_59 = arith.constant 1 : i32
      %scan3A_60 = scf.for %scan3A_62 = %scan3A_56 to %scan3A_58 step %scan3A_59 iter_args(%scan3A_63 = %scan3A_55) -> (i32)  : i32 {
        %broadcast_in_dim3A = arith.constant 0.000000e+00 : f32
        %broadcast_in_dim3A_64 = vector.broadcast %broadcast_in_dim3A : f32 to vector<16xf32>
        %mul3A_65 = arith.constant 16 : i32
        %mul3A_66 = arith.muli %scan3A_62, %mul3A_65 : i32
        %swap3A = arith.index_cast %scan3A_53 : i32 to index
        %swap3A_67 = arith.index_cast %mul3A_66 : i32 to index
        %swap3A_68 = tpu.vector_load %arg10[%swap3A, %swap3A_67] {strides = array<i32>} : memref<80x128xf32, #tpu.memory_space<vmem>>, vector<1x16xf32>,
        %swap3A_69 = vector.shape_cast %swap3A_68 : vector<1x16xf32> to vector<16xf32>
        %swap3A_70 = vector.shape_cast %broadcast_in_dim3A_64 : vector<16xf32> to vector<1x16xf32>
        tpu.vector_store %arg10[%swap3A, %swap3A_67], %swap3A_70 {strides = array<i32>} : memref<80x128xf32, #tpu.memory_space<vmem>>, vector<1x16xf32>,
        %scan3A_71 = arith.constant 0 : i32
        scf.yield %scan3A_71 : i32
      }
      %scan3A_61 = arith.constant 8 : i32
      scf.yield %scan3A_60 : i32
    }
    %scan3A_8 = arith.constant 80 : i32
    %scan3A_9 = arith.constant 0 : i32
    %scan3A_10 = arith.constant 0 : i32
    %scan3A_11 = arith.constant 8 : i32
    %scan3A_12 = arith.addi %scan3A_10, %scan3A_11 : i32
    %scan3A_13 = arith.constant 1 : i32
    %scan3A_14 = scf.for %scan3A_53 = %scan3A_10 to %scan3A_12 step %scan3A_13 iter_args(%scan3A_54 = %scan3A_9) -> (i32)  : i32 {
      %mul3A_55 = arith.constant 640 : i32
      %mul3A_56 = arith.muli %arg1, %mul3A_55 : i32
      %mul3A_57 = arith.constant 80 : i32
      %mul3A_58 = arith.muli %scan3A_53, %mul3A_57 : i32
      %add3A_59 = arith.addi %mul3A_56, %mul3A_58 : i32
      "tpu.region"() ({
        %run_scoped3A = tpu.sem_alloc : memref<!tpu.dma_semaphore, #tpu.memory_space<semaphore_mem>>
        %dma_start3A_61 = arith.constant 0 : i32
        %dma_start3A_62 = tpu.memref_slice %arg12[%add3A_59, %dma_start3A_61] : memref<10240x128xf32, #tpu.memory_space<vmem_shared>> -> memref<80x128xf32, #tpu.memory_space<vmem_shared>>
        %dma_start3A_63 = arith.constant 0 : i32
        %dma_start3A_64 = tpu.memref_slice %arg12[%add3A_59, %dma_start3A_63] : memref<10240x128xf32, #tpu.memory_space<vmem_shared>> -> memref<80x128xf32, #tpu.memory_space<vmem_shared>>
        tpu.enqueue_dma source(%arg10 : memref<80x128xf32, #tpu.memory_space<vmem>>) target(%dma_start3A_64 : memref<80x128xf32, #tpu.memory_space<vmem_shared>>) target_semaphore(%run_scoped3A : memref<!tpu.dma_semaphore, #tpu.memory_space<semaphore_mem>>)
        %dma_wait3A_65 = arith.constant 0 : i32
        %dma_wait3A_66 = tpu.memref_slice %arg12[%add3A_59, %dma_wait3A_65] : memref<10240x128xf32, #tpu.memory_space<vmem_shared>> -> memref<80x128xf32, #tpu.memory_space<vmem_shared>>
        %dma_wait3A_67 = arith.constant 0 : i32
        %dma_wait3A_68 = tpu.memref_slice %arg12[%add3A_59, %dma_wait3A_67] : memref<10240x128xf32, #tpu.memory_space<vmem_shared>> -> memref<80x128xf32, #tpu.memory_space<vmem_shared>>
        tpu.wait_dma2 semaphore(%run_scoped3A : memref<!tpu.dma_semaphore, #tpu.memory_space<semaphore_mem>>) src(%arg10 : memref<80x128xf32, #tpu.memory_space<vmem>>) dst(%dma_wait3A_68 : memref<80x128xf32, #tpu.memory_space<vmem_shared>>)
        tpu.yield
      }) : () -> ()
      %scan3A_60 = arith.constant 0 : i32
      scf.yield %scan3A_60 : i32
    }
    %scan3A_15 = arith.constant 8 : i32
    %barrier3A = arith.constant 0 : index
    tpu.barrier barrier_id(%barrier3A)
    %add3A_16 = arith.constant 0 : i32
    %add3A_17 = arith.addi %mul3A_2, %add3A_16 : i32
    %dma_start3A = tpu.memref_slice %arg3[%add3A_17] : memref<320000xi32, #tpu.memory_space<hbm>> -> memref<80xi32, #tpu.memory_space<hbm>>
    %dma_start3A_18 = tpu.memref_slice %arg3[%add3A_17] : memref<320000xi32, #tpu.memory_space<hbm>> -> memref<80xi32, #tpu.memory_space<hbm>>
    tpu.enqueue_dma source(%dma_start3A_18 : memref<80xi32, #tpu.memory_space<hbm>>) target(%arg6 : memref<80xi32, #tpu.memory_space<vmem>>) target_semaphore(%arg15 : memref<!tpu.dma_semaphore, #tpu.memory_space<semaphore_mem>>)
    %dma_start3A_19 = tpu.memref_slice %arg4[%add3A_17] : memref<320000xi32, #tpu.memory_space<hbm>> -> memref<80xi32, #tpu.memory_space<hbm>>
    %dma_start3A_20 = tpu.memref_slice %arg4[%add3A_17] : memref<320000xi32, #tpu.memory_space<hbm>> -> memref<80xi32, #tpu.memory_space<hbm>>
    tpu.enqueue_dma source(%dma_start3A_20 : memref<80xi32, #tpu.memory_space<hbm>>) target(%arg7 : memref<80xi32, #tpu.memory_space<vmem>>) target_semaphore(%arg15 : memref<!tpu.dma_semaphore, #tpu.memory_space<semaphore_mem>>)
    %add3A_21 = arith.constant 80 : i32
    %add3A_22 = arith.addi %mul3A_2, %add3A_21 : i32
    %dma_start3A_23 = tpu.memref_slice %arg3[%add3A_22] : memref<320000xi32, #tpu.memory_space<hbm>> -> memref<80xi32, #tpu.memory_space<hbm>>
    %dma_start3A_24 = tpu.memref_slice %arg3[%add3A_22] : memref<320000xi32, #tpu.memory_space<hbm>> -> memref<80xi32, #tpu.memory_space<hbm>>
    tpu.enqueue_dma source(%dma_start3A_24 : memref<80xi32, #tpu.memory_space<hbm>>) target(%arg8 : memref<80xi32, #tpu.memory_space<vmem>>) target_semaphore(%arg16 : memref<!tpu.dma_semaphore, #tpu.memory_space<semaphore_mem>>)
    %dma_start3A_25 = tpu.memref_slice %arg4[%add3A_22] : memref<320000xi32, #tpu.memory_space<hbm>> -> memref<80xi32, #tpu.memory_space<hbm>>
    %dma_start3A_26 = tpu.memref_slice %arg4[%add3A_22] : memref<320000xi32, #tpu.memory_space<hbm>> -> memref<80xi32, #tpu.memory_space<hbm>>
    tpu.enqueue_dma source(%dma_start3A_26 : memref<80xi32, #tpu.memory_space<hbm>>) target(%arg9 : memref<80xi32, #tpu.memory_space<vmem>>) target_semaphore(%arg16 : memref<!tpu.dma_semaphore, #tpu.memory_space<semaphore_mem>>)
    %dma_wait3A = arith.constant 0 : i32
    %dma_wait3A_27 = tpu.memref_slice %arg3[%dma_wait3A] : memref<320000xi32, #tpu.memory_space<hbm>> -> memref<80xi32, #tpu.memory_space<hbm>>
    %dma_wait3A_28 = arith.constant 0 : i32
    %dma_wait3A_29 = tpu.memref_slice %arg3[%dma_wait3A_28] : memref<320000xi32, #tpu.memory_space<hbm>> -> memref<80xi32, #tpu.memory_space<hbm>>
    tpu.wait_dma2 semaphore(%arg15 : memref<!tpu.dma_semaphore, #tpu.memory_space<semaphore_mem>>) src(%dma_wait3A_29 : memref<80xi32, #tpu.memory_space<hbm>>) dst(%arg6 : memref<80xi32, #tpu.memory_space<vmem>>)
    %dma_wait3A_30 = arith.constant 0 : i32
    %dma_wait3A_31 = tpu.memref_slice %arg4[%dma_wait3A_30] : memref<320000xi32, #tpu.memory_space<hbm>> -> memref<80xi32, #tpu.memory_space<hbm>>
    %dma_wait3A_32 = arith.constant 0 : i32
    %dma_wait3A_33 = tpu.memref_slice %arg4[%dma_wait3A_32] : memref<320000xi32, #tpu.memory_space<hbm>> -> memref<80xi32, #tpu.memory_space<hbm>>
    tpu.wait_dma2 semaphore(%arg15 : memref<!tpu.dma_semaphore, #tpu.memory_space<semaphore_mem>>) src(%dma_wait3A_33 : memref<80xi32, #tpu.memory_space<hbm>>) dst(%arg7 : memref<80xi32, #tpu.memory_space<vmem>>)
    %dma_start3A_34 = arith.constant 0 : i32
    %dma_start3A_35 = arith.constant 0 : i32
    %dma_start3A_36 = tpu.memref_slice %arg2[%dma_start3A_34, %dma_start3A_35] : memref<10240x128xf32, #tpu.memory_space<hbm>> -> memref<10240x128xf32, #tpu.memory_space<hbm>>
    tpu.enqueue_indirect_dma source(%dma_start3A_36 : memref<10240x128xf32, #tpu.memory_space<hbm>>) target(%arg10 : memref<80x128xf32, #tpu.memory_space<vmem>>) offsets(%arg6 : memref<80xi32, #tpu.memory_space<vmem>>) semaphore(%arg13 : memref<!tpu.dma_semaphore, #tpu.memory_space<semaphore_mem>>)
    %scan3A_37 = arith.constant 0 : i32
    %scan3A_38 = arith.constant 0 : i32
    %scan3A_39 = arith.constant 62 : i32
    %scan3A_40 = arith.addi %scan3A_38, %scan3A_39 : i32
    %scan3A_41 = arith.constant 1 : i32
    %scan3A_42 = scf.for %scan3A_53 = %scan3A_38 to %scan3A_40 step %scan3A_41 iter_args(%scan3A_54 = %scan3A_37) -> (i32)  : i32 {
      %mul3A_55 = arith.constant 2 : i32
      %mul3A_56 = arith.muli %mul3A_55, %scan3A_53 : i32
      %dma_wait3A_57 = arith.constant 0 : i32
      %dma_wait3A_58 = tpu.memref_slice %arg3[%dma_wait3A_57] : memref<320000xi32, #tpu.memory_space<hbm>> -> memref<80xi32, #tpu.memory_space<hbm>>
      %dma_wait3A_59 = arith.constant 0 : i32
      %dma_wait3A_60 = tpu.memref_slice %arg3[%dma_wait3A_59] : memref<320000xi32, #tpu.memory_space<hbm>> -> memref<80xi32, #tpu.memory_space<hbm>>
      tpu.wait_dma2 semaphore(%arg16 : memref<!tpu.dma_semaphore, #tpu.memory_space<semaphore_mem>>) src(%dma_wait3A_60 : memref<80xi32, #tpu.memory_space<hbm>>) dst(%arg8 : memref<80xi32, #tpu.memory_space<vmem>>)
      %dma_wait3A_61 = arith.constant 0 : i32
      %dma_wait3A_62 = tpu.memref_slice %arg4[%dma_wait3A_61] : memref<320000xi32, #tpu.memory_space<hbm>> -> memref<80xi32, #tpu.memory_space<hbm>>
      %dma_wait3A_63 = arith.constant 0 : i32
      %dma_wait3A_64 = tpu.memref_slice %arg4[%dma_wait3A_63] : memref<320000xi32, #tpu.memory_space<hbm>> -> memref<80xi32, #tpu.memory_space<hbm>>
      tpu.wait_dma2 semaphore(%arg16 : memref<!tpu.dma_semaphore, #tpu.memory_space<semaphore_mem>>) src(%dma_wait3A_64 : memref<80xi32, #tpu.memory_space<hbm>>) dst(%arg9 : memref<80xi32, #tpu.memory_space<vmem>>)
      %dma_wait3A_65 = arith.constant 0 : i32
      %dma_wait3A_66 = arith.constant 0 : i32
      %dma_wait3A_67 = tpu.memref_slice %arg2[%dma_wait3A_65, %dma_wait3A_66] : memref<10240x128xf32, #tpu.memory_space<hbm>> -> memref<80x128xf32, #tpu.memory_space<hbm>>
      %dma_wait3A_68 = arith.constant 0 : i32
      %dma_wait3A_69 = arith.constant 0 : i32
      %dma_wait3A_70 = tpu.memref_slice %arg2[%dma_wait3A_68, %dma_wait3A_69] : memref<10240x128xf32, #tpu.memory_space<hbm>> -> memref<80x128xf32, #tpu.memory_space<hbm>>
      tpu.wait_dma2 semaphore(%arg13 : memref<!tpu.dma_semaphore, #tpu.memory_space<semaphore_mem>>) src(%dma_wait3A_70 : memref<80x128xf32, #tpu.memory_space<hbm>>) dst(%arg10 : memref<80x128xf32, #tpu.memory_space<vmem>>)
      %dma_start3A_71 = arith.constant 0 : i32
      %dma_start3A_72 = arith.constant 0 : i32
      %dma_start3A_73 = tpu.memref_slice %arg2[%dma_start3A_71, %dma_start3A_72] : memref<10240x128xf32, #tpu.memory_space<hbm>> -> memref<10240x128xf32, #tpu.memory_space<hbm>>
      tpu.enqueue_indirect_dma source(%dma_start3A_73 : memref<10240x128xf32, #tpu.memory_space<hbm>>) target(%arg11 : memref<80x128xf32, #tpu.memory_space<vmem>>) offsets(%arg8 : memref<80xi32, #tpu.memory_space<vmem>>) semaphore(%arg14 : memref<!tpu.dma_semaphore, #tpu.memory_space<semaphore_mem>>)
      "tpu.region"() ({
        %run_scoped3A = tpu.sem_alloc : memref<!tpu.dma_semaphore, #tpu.memory_space<semaphore_mem>>
        %dma_start3A_105 = arith.constant 0 : i32
        %dma_start3A_106 = arith.constant 0 : i32
        %dma_start3A_107 = tpu.memref_slice %arg12[%dma_start3A_105, %dma_start3A_106] : memref<10240x128xf32, #tpu.memory_space<vmem_shared>> -> memref<10240x128xf32, #tpu.memory_space<vmem_shared>>
        tpu.enqueue_indirect_dma source(%arg10 : memref<80x128xf32, #tpu.memory_space<vmem>>) target(%dma_start3A_107 : memref<10240x128xf32, #tpu.memory_space<vmem_shared>>) offsets(%arg7 : memref<80xi32, #tpu.memory_space<vmem>>) semaphore(%run_scoped3A : memref<!tpu.dma_semaphore, #tpu.memory_space<semaphore_mem>>) {add = true}
        %dma_wait3A_108 = arith.constant 0 : i32
        %dma_wait3A_109 = arith.constant 0 : i32
        %dma_wait3A_110 = tpu.memref_slice %arg12[%dma_wait3A_108, %dma_wait3A_109] : memref<10240x128xf32, #tpu.memory_space<vmem_shared>> -> memref<10240x128xf32, #tpu.memory_space<vmem_shared>>
        tpu.wait_indirect_dma semaphore(%run_scoped3A : memref<!tpu.dma_semaphore, #tpu.memory_space<semaphore_mem>>) src(%arg10 : memref<80x128xf32, #tpu.memory_space<vmem>>) dst(%dma_wait3A_110 : memref<10240x128xf32, #tpu.memory_space<vmem_shared>>)
        tpu.yield
      }) : () -> ()
      %add3A_74 = arith.constant 2 : i32
      %add3A_75 = arith.addi %mul3A_56, %add3A_74 : i32
      %mul3A_76 = arith.constant 80 : i32
      %mul3A_77 = arith.muli %add3A_75, %mul3A_76 : i32
      %add3A_78 = arith.addi %mul3A_2, %mul3A_77 : i32
      %dma_start3A_79 = tpu.memref_slice %arg3[%add3A_78] : memref<320000xi32, #tpu.memory_space<hbm>> -> memref<80xi32, #tpu.memory_space<hbm>>
      %dma_start3A_80 = tpu.memref_slice %arg3[%add3A_78] : memref<320000xi32, #tpu.memory_space<hbm>> -> memref<80xi32, #tpu.memory_space<hbm>>
      tpu.enqueue_dma source(%dma_start3A_80 : memref<80xi32, #tpu.memory_space<hbm>>) target(%arg6 : memref<80xi32, #tpu.memory_space<vmem>>) target_semaphore(%arg15 : memref<!tpu.dma_semaphore, #tpu.memory_space<semaphore_mem>>)
      %dma_start3A_81 = tpu.memref_slice %arg4[%add3A_78] : memref<320000xi32, #tpu.memory_space<hbm>> -> memref<80xi32, #tpu.memory_space<hbm>>
      %dma_start3A_82 = tpu.memref_slice %arg4[%add3A_78] : memref<320000xi32, #tpu.memory_space<hbm>> -> memref<80xi32, #tpu.memory_space<hbm>>
      tpu.enqueue_dma source(%dma_start3A_82 : memref<80xi32, #tpu.memory_space<hbm>>) target(%arg7 : memref<80xi32, #tpu.memory_space<vmem>>) target_semaphore(%arg15 : memref<!tpu.dma_semaphore, #tpu.memory_space<semaphore_mem>>)
      %dma_wait3A_83 = arith.constant 0 : i32
      %dma_wait3A_84 = tpu.memref_slice %arg3[%dma_wait3A_83] : memref<320000xi32, #tpu.memory_space<hbm>> -> memref<80xi32, #tpu.memory_space<hbm>>
      %dma_wait3A_85 = arith.constant 0 : i32
      %dma_wait3A_86 = tpu.memref_slice %arg3[%dma_wait3A_85] : memref<320000xi32, #tpu.memory_space<hbm>> -> memref<80xi32, #tpu.memory_space<hbm>>
      tpu.wait_dma2 semaphore(%arg15 : memref<!tpu.dma_semaphore, #tpu.memory_space<semaphore_mem>>) src(%dma_wait3A_86 : memref<80xi32, #tpu.memory_space<hbm>>) dst(%arg6 : memref<80xi32, #tpu.memory_space<vmem>>)
      %dma_wait3A_87 = arith.constant 0 : i32
      %dma_wait3A_88 = tpu.memref_slice %arg4[%dma_wait3A_87] : memref<320000xi32, #tpu.memory_space<hbm>> -> memref<80xi32, #tpu.memory_space<hbm>>
      %dma_wait3A_89 = arith.constant 0 : i32
      %dma_wait3A_90 = tpu.memref_slice %arg4[%dma_wait3A_89] : memref<320000xi32, #tpu.memory_space<hbm>> -> memref<80xi32, #tpu.memory_space<hbm>>
      tpu.wait_dma2 semaphore(%arg15 : memref<!tpu.dma_semaphore, #tpu.memory_space<semaphore_mem>>) src(%dma_wait3A_90 : memref<80xi32, #tpu.memory_space<hbm>>) dst(%arg7 : memref<80xi32, #tpu.memory_space<vmem>>)
      %dma_wait3A_91 = arith.constant 0 : i32
      %dma_wait3A_92 = arith.constant 0 : i32
      %dma_wait3A_93 = tpu.memref_slice %arg2[%dma_wait3A_91, %dma_wait3A_92] : memref<10240x128xf32, #tpu.memory_space<hbm>> -> memref<80x128xf32, #tpu.memory_space<hbm>>
      %dma_wait3A_94 = arith.constant 0 : i32
      %dma_wait3A_95 = arith.constant 0 : i32
      %dma_wait3A_96 = tpu.memref_slice %arg2[%dma_wait3A_94, %dma_wait3A_95] : memref<10240x128xf32, #tpu.memory_space<hbm>> -> memref<80x128xf32, #tpu.memory_space<hbm>>
      tpu.wait_dma2 semaphore(%arg14 : memref<!tpu.dma_semaphore, #tpu.memory_space<semaphore_mem>>) src(%dma_wait3A_96 : memref<80x128xf32, #tpu.memory_space<hbm>>) dst(%arg11 : memref<80x128xf32, #tpu.memory_space<vmem>>)
      %dma_start3A_97 = arith.constant 0 : i32
      %dma_start3A_98 = arith.constant 0 : i32
      %dma_start3A_99 = tpu.memref_slice %arg2[%dma_start3A_97, %dma_start3A_98] : memref<10240x128xf32, #tpu.memory_space<hbm>> -> memref<10240x128xf32, #tpu.memory_space<hbm>>
      tpu.enqueue_indirect_dma source(%dma_start3A_99 : memref<10240x128xf32, #tpu.memory_space<hbm>>) target(%arg10 : memref<80x128xf32, #tpu.memory_space<vmem>>) offsets(%arg6 : memref<80xi32, #tpu.memory_space<vmem>>) semaphore(%arg13 : memref<!tpu.dma_semaphore, #tpu.memory_space<semaphore_mem>>)
      "tpu.region"() ({
        %run_scoped3A = tpu.sem_alloc : memref<!tpu.dma_semaphore, #tpu.memory_space<semaphore_mem>>
        %dma_start3A_105 = arith.constant 0 : i32
        %dma_start3A_106 = arith.constant 0 : i32
        %dma_start3A_107 = tpu.memref_slice %arg12[%dma_start3A_105, %dma_start3A_106] : memref<10240x128xf32, #tpu.memory_space<vmem_shared>> -> memref<10240x128xf32, #tpu.memory_space<vmem_shared>>
        tpu.enqueue_indirect_dma source(%arg11 : memref<80x128xf32, #tpu.memory_space<vmem>>) target(%dma_start3A_107 : memref<10240x128xf32, #tpu.memory_space<vmem_shared>>) offsets(%arg9 : memref<80xi32, #tpu.memory_space<vmem>>) semaphore(%run_scoped3A : memref<!tpu.dma_semaphore, #tpu.memory_space<semaphore_mem>>) {add = true}
        %dma_wait3A_108 = arith.constant 0 : i32
        %dma_wait3A_109 = arith.constant 0 : i32
        %dma_wait3A_110 = tpu.memref_slice %arg12[%dma_wait3A_108, %dma_wait3A_109] : memref<10240x128xf32, #tpu.memory_space<vmem_shared>> -> memref<10240x128xf32, #tpu.memory_space<vmem_shared>>
        tpu.wait_indirect_dma semaphore(%run_scoped3A : memref<!tpu.dma_semaphore, #tpu.memory_space<semaphore_mem>>) src(%arg11 : memref<80x128xf32, #tpu.memory_space<vmem>>) dst(%dma_wait3A_110 : memref<10240x128xf32, #tpu.memory_space<vmem_shared>>)
        tpu.yield
      }) : () -> ()
      %add3A_100 = arith.constant 3 : i32
      %add3A_101 = arith.addi %mul3A_56, %add3A_100 : i32
      %lt3A = arith.constant 125 : i32
      %lt3A_102 = arith.cmpi slt, %add3A_101, %lt3A : i32
      %convert_element_type3A = arith.extui %lt3A_102 : i1 to i32
      %cond3A = arith.constant 0 : i32
      %cond3A_103 = arith.cmpi ne, %convert_element_type3A, %cond3A : i32
      scf.if %cond3A_103 {
        %add3A_105 = arith.constant 3 : i32
        %add3A_106 = arith.addi %mul3A_56, %add3A_105 : i32
        %mul3A_107 = arith.constant 80 : i32
        %mul3A_108 = arith.muli %add3A_106, %mul3A_107 : i32
        %add3A_109 = arith.addi %mul3A_2, %mul3A_108 : i32
        %dma_start3A_110 = tpu.memref_slice %arg3[%add3A_109] : memref<320000xi32, #tpu.memory_space<hbm>> -> memref<80xi32, #tpu.memory_space<hbm>>
        %dma_start3A_111 = tpu.memref_slice %arg3[%add3A_109] : memref<320000xi32, #tpu.memory_space<hbm>> -> memref<80xi32, #tpu.memory_space<hbm>>
        tpu.enqueue_dma source(%dma_start3A_111 : memref<80xi32, #tpu.memory_space<hbm>>) target(%arg8 : memref<80xi32, #tpu.memory_space<vmem>>) target_semaphore(%arg16 : memref<!tpu.dma_semaphore, #tpu.memory_space<semaphore_mem>>)
        %dma_start3A_112 = tpu.memref_slice %arg4[%add3A_109] : memref<320000xi32, #tpu.memory_space<hbm>> -> memref<80xi32, #tpu.memory_space<hbm>>
        %dma_start3A_113 = tpu.memref_slice %arg4[%add3A_109] : memref<320000xi32, #tpu.memory_space<hbm>> -> memref<80xi32, #tpu.memory_space<hbm>>
        tpu.enqueue_dma source(%dma_start3A_113 : memref<80xi32, #tpu.memory_space<hbm>>) target(%arg9 : memref<80xi32, #tpu.memory_space<vmem>>) target_semaphore(%arg16 : memref<!tpu.dma_semaphore, #tpu.memory_space<semaphore_mem>>)
      } else {
      }
      %scan3A_104 = arith.constant 0 : i32
      scf.yield %scan3A_104 : i32
    }
    %scan3A_43 = arith.constant 62 : i32
    %dma_wait3A_44 = arith.constant 0 : i32
    %dma_wait3A_45 = arith.constant 0 : i32
    %dma_wait3A_46 = tpu.memref_slice %arg2[%dma_wait3A_44, %dma_wait3A_45] : memref<10240x128xf32, #tpu.memory_space<hbm>> -> memref<80x128xf32, #tpu.memory_space<hbm>>
    %dma_wait3A_47 = arith.constant 0 : i32
    %dma_wait3A_48 = arith.constant 0 : i32
    %dma_wait3A_49 = tpu.memref_slice %arg2[%dma_wait3A_47, %dma_wait3A_48] : memref<10240x128xf32, #tpu.memory_space<hbm>> -> memref<80x128xf32, #tpu.memory_space<hbm>>
    tpu.wait_dma2 semaphore(%arg13 : memref<!tpu.dma_semaphore, #tpu.memory_space<semaphore_mem>>) src(%dma_wait3A_49 : memref<80x128xf32, #tpu.memory_space<hbm>>) dst(%arg10 : memref<80x128xf32, #tpu.memory_space<vmem>>)
    "tpu.region"() ({
      %run_scoped3A = tpu.sem_alloc : memref<!tpu.dma_semaphore, #tpu.memory_space<semaphore_mem>>
      %dma_start3A_53 = arith.constant 0 : i32
      %dma_start3A_54 = arith.constant 0 : i32
      %dma_start3A_55 = tpu.memref_slice %arg12[%dma_start3A_53, %dma_start3A_54] : memref<10240x128xf32, #tpu.memory_space<vmem_shared>> -> memref<10240x128xf32, #tpu.memory_space<vmem_shared>>
      tpu.enqueue_indirect_dma source(%arg10 : memref<80x128xf32, #tpu.memory_space<vmem>>) target(%dma_start3A_55 : memref<10240x128xf32, #tpu.memory_space<vmem_shared>>) offsets(%arg7 : memref<80xi32, #tpu.memory_space<vmem>>) semaphore(%run_scoped3A : memref<!tpu.dma_semaphore, #tpu.memory_space<semaphore_mem>>) {add = true}
      %dma_wait3A_56 = arith.constant 0 : i32
      %dma_wait3A_57 = arith.constant 0 : i32
      %dma_wait3A_58 = tpu.memref_slice %arg12[%dma_wait3A_56, %dma_wait3A_57] : memref<10240x128xf32, #tpu.memory_space<vmem_shared>> -> memref<10240x128xf32, #tpu.memory_space<vmem_shared>>
      tpu.wait_indirect_dma semaphore(%run_scoped3A : memref<!tpu.dma_semaphore, #tpu.memory_space<semaphore_mem>>) src(%arg10 : memref<80x128xf32, #tpu.memory_space<vmem>>) dst(%dma_wait3A_58 : memref<10240x128xf32, #tpu.memory_space<vmem_shared>>)
      tpu.yield
    }) : () -> ()
    %barrier3A_50 = arith.constant 0 : index
    tpu.barrier barrier_id(%barrier3A_50)
    %mul3A_51 = arith.constant 640 : i32
    %mul3A_52 = arith.muli %arg1, %mul3A_51 : i32
    "tpu.region"() ({
      %run_scoped3A = tpu.sem_alloc : memref<!tpu.dma_semaphore, #tpu.memory_space<semaphore_mem>>
      %dma_start3A_53 = arith.constant 0 : i32
      %dma_start3A_54 = tpu.memref_slice %arg5[%arg0, %mul3A_52, %dma_start3A_53] : memref<2x10240x128xf32, #tpu.memory_space<hbm>> -> memref<1x640x128xf32, #tpu.memory_space<hbm>>
      %dma_start3A_55 = tpu.memref_squeeze %dma_start3A_54 : memref<1x640x128xf32, #tpu.memory_space<hbm>> -> memref<640x128xf32, #tpu.memory_space<hbm>>
      %dma_start3A_56 = arith.constant 0 : i32
      %dma_start3A_57 = tpu.memref_slice %arg12[%mul3A_52, %dma_start3A_56] : memref<10240x128xf32, #tpu.memory_space<vmem_shared>> -> memref<640x128xf32, #tpu.memory_space<vmem_shared>>
      tpu.enqueue_dma source(%dma_start3A_57 : memref<640x128xf32, #tpu.memory_space<vmem_shared>>) target(%dma_start3A_55 : memref<640x128xf32, #tpu.memory_space<hbm>>) target_semaphore(%run_scoped3A : memref<!tpu.dma_semaphore, #tpu.memory_space<semaphore_mem>>)
      %dma_wait3A_58 = arith.constant 0 : i32
      %dma_wait3A_59 = tpu.memref_slice %arg5[%arg0, %mul3A_52, %dma_wait3A_58] : memref<2x10240x128xf32, #tpu.memory_space<hbm>> -> memref<1x640x128xf32, #tpu.memory_space<hbm>>
      %dma_wait3A_60 = tpu.memref_squeeze %dma_wait3A_59 : memref<1x640x128xf32, #tpu.memory_space<hbm>> -> memref<640x128xf32, #tpu.memory_space<hbm>>
      %dma_wait3A_61 = arith.constant 0 : i32
      %dma_wait3A_62 = tpu.memref_slice %arg12[%mul3A_52, %dma_wait3A_61] : memref<10240x128xf32, #tpu.memory_space<vmem_shared>> -> memref<640x128xf32, #tpu.memory_space<vmem_shared>>
      tpu.wait_dma2 semaphore(%run_scoped3A : memref<!tpu.dma_semaphore, #tpu.memory_space<semaphore_mem>>) src(%dma_wait3A_62 : memref<640x128xf32, #tpu.memory_space<vmem_shared>>) dst(%dma_wait3A_60 : memref<640x128xf32, #tpu.memory_space<hbm>>)
      tpu.yield
    }) : () -> ()
    return
  }
}

module attributes {stable_mosaic.version = 14 : i64} {
  func.func @body(%arg0: i32, %arg1: memref<1024x128xf32, #tpu.memory_space<vmem>>, %arg2: memref<2x1024x1xf32, #tpu.memory_space<vmem>>, %arg3: memref<128x128xf32, #tpu.memory_space<vmem>>, %arg4: memref<1024x128xf32, #tpu.memory_space<vmem>>) attributes {dimension_semantics = [#tpu.dimension_semantics<arbitrary>], iteration_bounds = array<i64: 10>, scalar_prefetch = 0 : i64, scratch_operands = 0 : i64, tpu.core_type = #tpu.core_type<tc>, window_params = [{transform_indices = @transform_0, window_bounds = array<i64: 1024, 128>}, {transform_indices = @transform_1, window_bounds = array<i64: 2, 1024, 1>}, {pipeline_mode = #tpu.pipeline_mode<synchronous>, transform_indices = @transform_2, window_bounds = array<i64: 128, 128>}, {transform_indices = @transform_3, window_bounds = array<i64: 1024, 128>}]} {
    %get3A = arith.constant 0 : index
    %get3A_0 = arith.constant 0 : index
    %get3A_1 = arith.constant 0 : index
    %get3A_2 = vector.load %arg2[%get3A, %get3A_0, %get3A_1] : memref<2x1024x1xf32, #tpu.memory_space<vmem>>, vector<2x1024x1xf32>
    %slice3A = vector.extract_strided_slice %get3A_2 {offsets = [0, 0, 0], sizes = [1, 1024, 1], strides = [1, 1, 1]} : vector<2x1024x1xf32> to vector<1x1024x1xf32>
    %squeeze3A = vector.shape_cast %slice3A : vector<1x1024x1xf32> to vector<1024x1xf32>
    %slice3A_3 = vector.extract_strided_slice %get3A_2 {offsets = [1, 0, 0], sizes = [1, 1024, 1], strides = [1, 1, 1]} : vector<2x1024x1xf32> to vector<1x1024x1xf32>
    %squeeze3A_4 = vector.shape_cast %slice3A_3 : vector<1x1024x1xf32> to vector<1024x1xf32>
    %add3A = arith.addf %squeeze3A, %squeeze3A_4 : vector<1024x1xf32>
    %gt3A = arith.constant 0.000000e+00 : f32
    %gt3A_5 = vector.broadcast %gt3A : f32 to vector<1024x1xf32>
    %gt3A_6 = arith.cmpf ogt, %add3A, %gt3A_5 : vector<1024x1xf32>
    %max3A = arith.constant 1.000000e+00 : f32
    %max3A_7 = vector.broadcast %max3A : f32 to vector<1024x1xf32>
    %max3A_8 = arith.maximumf %add3A, %max3A_7 : vector<1024x1xf32>
    %sqrt3A = math.sqrt %max3A_8 : vector<1024x1xf32>
    %div3A = arith.constant 1.000000e+00 : f32
    %div3A_9 = vector.broadcast %div3A : f32 to vector<1024x1xf32>
    %div3A_10 = arith.divf %div3A_9, %sqrt3A : vector<1024x1xf32>
    %jit3A = arith.constant 0.000000e+00 : f32
    %broadcast_in_dim3A = vector.broadcast %jit3A : f32 to vector<1024x1xf32>
    %select_n3A = arith.select %gt3A_6, %div3A_10, %broadcast_in_dim3A : vector<1024x1xi1>, vector<1024x1xf32>
    %get3A_11 = arith.constant 0 : index
    %get3A_12 = arith.constant 0 : index
    %get3A_13 = vector.load %arg1[%get3A_11, %get3A_12] : memref<1024x128xf32, #tpu.memory_space<vmem>>, vector<1024x128xf32>
    %mul3A = vector.broadcast %select_n3A : vector<1024x1xf32> to vector<1024x128xf32>
    %mul3A_14 = arith.mulf %get3A_13, %mul3A : vector<1024x128xf32>
    %get3A_15 = arith.constant 0 : index
    %get3A_16 = arith.constant 0 : index
    %get3A_17 = vector.load %arg3[%get3A_15, %get3A_16] : memref<128x128xf32, #tpu.memory_space<vmem>>, vector<128x128xf32>
    %dot_general3A = arith.constant dense<0.000000e+00> : vector<1024x128xf32>
    %dot_general3A_18 = tpu.matmul %mul3A_14, %get3A_17, %dot_general3A {dimension_numbers = #tpu.dot_dimension_numbers<[1], [0], [0], [1], [0, 0, 1, 1], [], []>, transpose_lhs_hint = false} : vector<1024x128xf32>, vector<128x128xf32>, vector<1024x128xf32> -> vector<1024x128xf32>
    %swap3A = arith.constant 0 : index
    %swap3A_19 = arith.constant 0 : index
    %swap3A_20 = vector.load %arg4[%swap3A, %swap3A_19] : memref<1024x128xf32, #tpu.memory_space<vmem>>, vector<1024x128xf32>
    tpu.vector_store %arg4[%swap3A, %swap3A_19], %dot_general3A_18 {strides = array<i32>} : memref<1024x128xf32, #tpu.memory_space<vmem>>, vector<1024x128xf32>,
    return
  }
  func.func @transform_0(%arg0: i32) -> (i32, i32) {
    %c0_i32 = arith.constant 0 : i32
    %c0_i32_0 = arith.constant 0 : i32
    return %arg0, %c0_i32 : i32, i32
  }
  func.func @transform_1(%arg0: i32) -> (i32, i32, i32) {
    %c0_i32 = arith.constant 0 : i32
    %c0_i32_0 = arith.constant 0 : i32
    %c0_i32_1 = arith.constant 0 : i32
    return %c0_i32, %arg0, %c0_i32_0 : i32, i32, i32
  }
  func.func @transform_2(%arg0: i32) -> (i32, i32) {
    %c0_i32 = arith.constant 0 : i32
    %c0_i32_0 = arith.constant 0 : i32
    %c0_i32_1 = arith.constant 0 : i32
    return %c0_i32, %c0_i32_0 : i32, i32
  }
  func.func @transform_3(%arg0: i32) -> (i32, i32) {
    %c0_i32 = arith.constant 0 : i32
    %c0_i32_0 = arith.constant 0 : i32
    return %arg0, %c0_i32 : i32, i32
  }
}

module attributes {stable_mosaic.version = 14 : i64} {
  func.func @body(%arg0: i32, %arg1: memref<2x1024x128xf32, #tpu.memory_space<vmem>>, %arg2: memref<2x1024x1xf32, #tpu.memory_space<vmem>>, %arg3: memref<2x1024x1xf32, #tpu.memory_space<vmem>>, %arg4: memref<128xf32, #tpu.memory_space<vmem>>, %arg5: memref<128x128xf32, #tpu.memory_space<vmem>>, %arg6: memref<1024x128xf32, #tpu.memory_space<vmem>>) attributes {dimension_semantics = [#tpu.dimension_semantics<arbitrary>], iteration_bounds = array<i64: 10>, scalar_prefetch = 0 : i64, scratch_operands = 0 : i64, tpu.core_type = #tpu.core_type<tc>, window_params = [{transform_indices = @transform_0, window_bounds = array<i64: 2, 1024, 128>}, {transform_indices = @transform_1, window_bounds = array<i64: 2, 1024, 1>}, {transform_indices = @transform_2, window_bounds = array<i64: 2, 1024, 1>}, {pipeline_mode = #tpu.pipeline_mode<synchronous>, transform_indices = @transform_3, window_bounds = array<i64: 128>}, {pipeline_mode = #tpu.pipeline_mode<synchronous>, transform_indices = @transform_4, window_bounds = array<i64: 128, 128>}, {transform_indices = @transform_5, window_bounds = array<i64: 1024, 128>}]} {
    %get3A = arith.constant 0 : index
    %get3A_0 = arith.constant 0 : index
    %get3A_1 = arith.constant 0 : index
    %get3A_2 = vector.load %arg1[%get3A, %get3A_0, %get3A_1] : memref<2x1024x128xf32, #tpu.memory_space<vmem>>, vector<1x1024x128xf32>
    %get3A_3 = vector.shape_cast %get3A_2 : vector<1x1024x128xf32> to vector<1024x128xf32>
    %get3A_4 = arith.constant 1 : index
    %get3A_5 = arith.constant 0 : index
    %get3A_6 = arith.constant 0 : index
    %get3A_7 = vector.load %arg1[%get3A_4, %get3A_5, %get3A_6] : memref<2x1024x128xf32, #tpu.memory_space<vmem>>, vector<1x1024x128xf32>
    %get3A_8 = vector.shape_cast %get3A_7 : vector<1x1024x128xf32> to vector<1024x128xf32>
    %add3A = arith.addf %get3A_3, %get3A_8 : vector<1024x128xf32>
    %get3A_9 = arith.constant 0 : index
    %get3A_10 = arith.constant 0 : index
    %get3A_11 = arith.constant 0 : index
    %get3A_12 = vector.load %arg2[%get3A_9, %get3A_10, %get3A_11] : memref<2x1024x1xf32, #tpu.memory_space<vmem>>, vector<2x1024x1xf32>
    %slice3A = vector.extract_strided_slice %get3A_12 {offsets = [0, 0, 0], sizes = [1, 1024, 1], strides = [1, 1, 1]} : vector<2x1024x1xf32> to vector<1x1024x1xf32>
    %squeeze3A = vector.shape_cast %slice3A : vector<1x1024x1xf32> to vector<1024x1xf32>
    %slice3A_13 = vector.extract_strided_slice %get3A_12 {offsets = [1, 0, 0], sizes = [1, 1024, 1], strides = [1, 1, 1]} : vector<2x1024x1xf32> to vector<1x1024x1xf32>
    %squeeze3A_14 = vector.shape_cast %slice3A_13 : vector<1x1024x1xf32> to vector<1024x1xf32>
    %add3A_15 = arith.addf %squeeze3A, %squeeze3A_14 : vector<1024x1xf32>
    %gt3A = arith.constant 0.000000e+00 : f32
    %gt3A_16 = vector.broadcast %gt3A : f32 to vector<1024x1xf32>
    %gt3A_17 = arith.cmpf ogt, %add3A_15, %gt3A_16 : vector<1024x1xf32>
    %max3A = arith.constant 1.000000e+00 : f32
    %max3A_18 = vector.broadcast %max3A : f32 to vector<1024x1xf32>
    %max3A_19 = arith.maximumf %add3A_15, %max3A_18 : vector<1024x1xf32>
    %sqrt3A = math.sqrt %max3A_19 : vector<1024x1xf32>
    %div3A = arith.constant 1.000000e+00 : f32
    %div3A_20 = vector.broadcast %div3A : f32 to vector<1024x1xf32>
    %div3A_21 = arith.divf %div3A_20, %sqrt3A : vector<1024x1xf32>
    %jit3A = arith.constant 0.000000e+00 : f32
    %broadcast_in_dim3A = vector.broadcast %jit3A : f32 to vector<1024x1xf32>
    %select_n3A = arith.select %gt3A_17, %div3A_21, %broadcast_in_dim3A : vector<1024x1xi1>, vector<1024x1xf32>
    %mul3A = vector.broadcast %select_n3A : vector<1024x1xf32> to vector<1024x128xf32>
    %mul3A_22 = arith.mulf %add3A, %mul3A : vector<1024x128xf32>
    %get3A_23 = arith.constant 0 : index
    %get3A_24 = vector.load %arg4[%get3A_23] : memref<128xf32, #tpu.memory_space<vmem>>, vector<128xf32>
    %broadcast_in_dim3A_25 = vector.shape_cast %get3A_24 : vector<128xf32> to vector<1x128xf32>
    %add3A_26 = vector.broadcast %broadcast_in_dim3A_25 : vector<1x128xf32> to vector<1024x128xf32>
    %add3A_27 = arith.addf %mul3A_22, %add3A_26 : vector<1024x128xf32>
    %max3A_28 = arith.constant 0.000000e+00 : f32
    %max3A_29 = vector.broadcast %max3A_28 : f32 to vector<1024x128xf32>
    %max3A_30 = arith.maximumf %add3A_27, %max3A_29 : vector<1024x128xf32>
    %get3A_31 = arith.constant 0 : index
    %get3A_32 = arith.constant 0 : index
    %get3A_33 = arith.constant 0 : index
    %get3A_34 = vector.load %arg3[%get3A_31, %get3A_32, %get3A_33] : memref<2x1024x1xf32, #tpu.memory_space<vmem>>, vector<2x1024x1xf32>
    %slice3A_35 = vector.extract_strided_slice %get3A_34 {offsets = [0, 0, 0], sizes = [1, 1024, 1], strides = [1, 1, 1]} : vector<2x1024x1xf32> to vector<1x1024x1xf32>
    %squeeze3A_36 = vector.shape_cast %slice3A_35 : vector<1x1024x1xf32> to vector<1024x1xf32>
    %slice3A_37 = vector.extract_strided_slice %get3A_34 {offsets = [1, 0, 0], sizes = [1, 1024, 1], strides = [1, 1, 1]} : vector<2x1024x1xf32> to vector<1x1024x1xf32>
    %squeeze3A_38 = vector.shape_cast %slice3A_37 : vector<1x1024x1xf32> to vector<1024x1xf32>
    %add3A_39 = arith.addf %squeeze3A_36, %squeeze3A_38 : vector<1024x1xf32>
    %gt3A_40 = arith.constant 0.000000e+00 : f32
    %gt3A_41 = vector.broadcast %gt3A_40 : f32 to vector<1024x1xf32>
    %gt3A_42 = arith.cmpf ogt, %add3A_39, %gt3A_41 : vector<1024x1xf32>
    %max3A_43 = arith.constant 1.000000e+00 : f32
    %max3A_44 = vector.broadcast %max3A_43 : f32 to vector<1024x1xf32>
    %max3A_45 = arith.maximumf %add3A_39, %max3A_44 : vector<1024x1xf32>
    %sqrt3A_46 = math.sqrt %max3A_45 : vector<1024x1xf32>
    %div3A_47 = arith.constant 1.000000e+00 : f32
    %div3A_48 = vector.broadcast %div3A_47 : f32 to vector<1024x1xf32>
    %div3A_49 = arith.divf %div3A_48, %sqrt3A_46 : vector<1024x1xf32>
    %jit3A_50 = arith.constant 0.000000e+00 : f32
    %broadcast_in_dim3A_51 = vector.broadcast %jit3A_50 : f32 to vector<1024x1xf32>
    %select_n3A_52 = arith.select %gt3A_42, %div3A_49, %broadcast_in_dim3A_51 : vector<1024x1xi1>, vector<1024x1xf32>
    %mul3A_53 = vector.broadcast %select_n3A_52 : vector<1024x1xf32> to vector<1024x128xf32>
    %mul3A_54 = arith.mulf %max3A_30, %mul3A_53 : vector<1024x128xf32>
    %get3A_55 = arith.constant 0 : index
    %get3A_56 = arith.constant 0 : index
    %get3A_57 = vector.load %arg5[%get3A_55, %get3A_56] : memref<128x128xf32, #tpu.memory_space<vmem>>, vector<128x128xf32>
    %dot_general3A = arith.constant dense<0.000000e+00> : vector<1024x128xf32>
    %dot_general3A_58 = tpu.matmul %mul3A_54, %get3A_57, %dot_general3A {dimension_numbers = #tpu.dot_dimension_numbers<[1], [0], [0], [1], [0, 0, 1, 1], [], []>, transpose_lhs_hint = false} : vector<1024x128xf32>, vector<128x128xf32>, vector<1024x128xf32> -> vector<1024x128xf32>
    %swap3A = arith.constant 0 : index
    %swap3A_59 = arith.constant 0 : index
    %swap3A_60 = vector.load %arg6[%swap3A, %swap3A_59] : memref<1024x128xf32, #tpu.memory_space<vmem>>, vector<1024x128xf32>
    tpu.vector_store %arg6[%swap3A, %swap3A_59], %dot_general3A_58 {strides = array<i32>} : memref<1024x128xf32, #tpu.memory_space<vmem>>, vector<1024x128xf32>,
    return
  }
  func.func @transform_0(%arg0: i32) -> (i32, i32, i32) {
    %c0_i32 = arith.constant 0 : i32
    %c0_i32_0 = arith.constant 0 : i32
    %c0_i32_1 = arith.constant 0 : i32
    return %c0_i32, %arg0, %c0_i32_0 : i32, i32, i32
  }
  func.func @transform_1(%arg0: i32) -> (i32, i32, i32) {
    %c0_i32 = arith.constant 0 : i32
    %c0_i32_0 = arith.constant 0 : i32
    %c0_i32_1 = arith.constant 0 : i32
    return %c0_i32, %arg0, %c0_i32_0 : i32, i32, i32
  }
  func.func @transform_2(%arg0: i32) -> (i32, i32, i32) {
    %c0_i32 = arith.constant 0 : i32
    %c0_i32_0 = arith.constant 0 : i32
    %c0_i32_1 = arith.constant 0 : i32
    return %c0_i32, %arg0, %c0_i32_0 : i32, i32, i32
  }
  func.func @transform_3(%arg0: i32) -> i32 {
    %c0_i32 = arith.constant 0 : i32
    %c0_i32_0 = arith.constant 0 : i32
    return %c0_i32 : i32
  }
  func.func @transform_4(%arg0: i32) -> (i32, i32) {
    %c0_i32 = arith.constant 0 : i32
    %c0_i32_0 = arith.constant 0 : i32
    %c0_i32_1 = arith.constant 0 : i32
    return %c0_i32, %c0_i32_0 : i32, i32
  }
  func.func @transform_5(%arg0: i32) -> (i32, i32) {
    %c0_i32 = arith.constant 0 : i32
    %c0_i32_0 = arith.constant 0 : i32
    return %arg0, %c0_i32 : i32, i32
  }
}

module attributes {stable_mosaic.version = 14 : i64} {
  func.func @body(%arg0: i32, %arg1: memref<2x1024x128xf32, #tpu.memory_space<vmem>>, %arg2: memref<2x1024x1xf32, #tpu.memory_space<vmem>>, %arg3: memref<128xf32, #tpu.memory_space<vmem>>, %arg4: memref<128x1xf32, #tpu.memory_space<vmem>>, %arg5: memref<1xf32, #tpu.memory_space<vmem>>, %arg6: memref<1x1xf32, #tpu.memory_space<vmem>>) attributes {dimension_semantics = [#tpu.dimension_semantics<arbitrary>], iteration_bounds = array<i64: 10>, scalar_prefetch = 0 : i64, scratch_operands = 0 : i64, tpu.core_type = #tpu.core_type<tc>, window_params = [{transform_indices = @transform_0, window_bounds = array<i64: 2, 1024, 128>}, {transform_indices = @transform_1, window_bounds = array<i64: 2, 1024, 1>}, {pipeline_mode = #tpu.pipeline_mode<synchronous>, transform_indices = @transform_2, window_bounds = array<i64: 128>}, {pipeline_mode = #tpu.pipeline_mode<synchronous>, transform_indices = @transform_3, window_bounds = array<i64: 128, 1>}, {pipeline_mode = #tpu.pipeline_mode<synchronous>, transform_indices = @transform_4, window_bounds = array<i64: 1>}, {pipeline_mode = #tpu.pipeline_mode<synchronous>, transform_indices = @transform_5, window_bounds = array<i64: 1, 1>}]} {
    %get3A = arith.constant 0 : index
    %get3A_0 = arith.constant 0 : index
    %get3A_1 = arith.constant 0 : index
    %get3A_2 = vector.load %arg1[%get3A, %get3A_0, %get3A_1] : memref<2x1024x128xf32, #tpu.memory_space<vmem>>, vector<1x1024x128xf32>
    %get3A_3 = vector.shape_cast %get3A_2 : vector<1x1024x128xf32> to vector<1024x128xf32>
    %get3A_4 = arith.constant 1 : index
    %get3A_5 = arith.constant 0 : index
    %get3A_6 = arith.constant 0 : index
    %get3A_7 = vector.load %arg1[%get3A_4, %get3A_5, %get3A_6] : memref<2x1024x128xf32, #tpu.memory_space<vmem>>, vector<1x1024x128xf32>
    %get3A_8 = vector.shape_cast %get3A_7 : vector<1x1024x128xf32> to vector<1024x128xf32>
    %add3A = arith.addf %get3A_3, %get3A_8 : vector<1024x128xf32>
    %get3A_9 = arith.constant 0 : index
    %get3A_10 = arith.constant 0 : index
    %get3A_11 = arith.constant 0 : index
    %get3A_12 = vector.load %arg2[%get3A_9, %get3A_10, %get3A_11] : memref<2x1024x1xf32, #tpu.memory_space<vmem>>, vector<2x1024x1xf32>
    %slice3A = vector.extract_strided_slice %get3A_12 {offsets = [0, 0, 0], sizes = [1, 1024, 1], strides = [1, 1, 1]} : vector<2x1024x1xf32> to vector<1x1024x1xf32>
    %squeeze3A = vector.shape_cast %slice3A : vector<1x1024x1xf32> to vector<1024x1xf32>
    %slice3A_13 = vector.extract_strided_slice %get3A_12 {offsets = [1, 0, 0], sizes = [1, 1024, 1], strides = [1, 1, 1]} : vector<2x1024x1xf32> to vector<1x1024x1xf32>
    %squeeze3A_14 = vector.shape_cast %slice3A_13 : vector<1x1024x1xf32> to vector<1024x1xf32>
    %add3A_15 = arith.addf %squeeze3A, %squeeze3A_14 : vector<1024x1xf32>
    %gt3A = arith.constant 0.000000e+00 : f32
    %gt3A_16 = vector.broadcast %gt3A : f32 to vector<1024x1xf32>
    %gt3A_17 = arith.cmpf ogt, %add3A_15, %gt3A_16 : vector<1024x1xf32>
    %max3A = arith.constant 1.000000e+00 : f32
    %max3A_18 = vector.broadcast %max3A : f32 to vector<1024x1xf32>
    %max3A_19 = arith.maximumf %add3A_15, %max3A_18 : vector<1024x1xf32>
    %sqrt3A = math.sqrt %max3A_19 : vector<1024x1xf32>
    %div3A = arith.constant 1.000000e+00 : f32
    %div3A_20 = vector.broadcast %div3A : f32 to vector<1024x1xf32>
    %div3A_21 = arith.divf %div3A_20, %sqrt3A : vector<1024x1xf32>
    %jit3A = arith.constant 0.000000e+00 : f32
    %broadcast_in_dim3A = vector.broadcast %jit3A : f32 to vector<1024x1xf32>
    %select_n3A = arith.select %gt3A_17, %div3A_21, %broadcast_in_dim3A : vector<1024x1xi1>, vector<1024x1xf32>
    %mul3A = vector.broadcast %select_n3A : vector<1024x1xf32> to vector<1024x128xf32>
    %mul3A_22 = arith.mulf %add3A, %mul3A : vector<1024x128xf32>
    %get3A_23 = arith.constant 0 : index
    %get3A_24 = vector.load %arg3[%get3A_23] : memref<128xf32, #tpu.memory_space<vmem>>, vector<128xf32>
    %broadcast_in_dim3A_25 = vector.shape_cast %get3A_24 : vector<128xf32> to vector<1x128xf32>
    %add3A_26 = vector.broadcast %broadcast_in_dim3A_25 : vector<1x128xf32> to vector<1024x128xf32>
    %add3A_27 = arith.addf %mul3A_22, %add3A_26 : vector<1024x128xf32>
    %max3A_28 = arith.constant 0.000000e+00 : f32
    %max3A_29 = vector.broadcast %max3A_28 : f32 to vector<1024x128xf32>
    %max3A_30 = arith.maximumf %add3A_27, %max3A_29 : vector<1024x128xf32>
    %iota3A = tpu.iota {dimensions = array<i32: 0>} : vector<1024x1xi32>
    %mul3A_31 = arith.constant 1024 : i32
    %mul3A_32 = arith.muli %arg0, %mul3A_31 : i32
    %add3A_33 = vector.broadcast %mul3A_32 : i32 to vector<1024x1xi32>
    %add3A_34 = arith.addi %iota3A, %add3A_33 : vector<1024x1xi32>
    %lt3A = arith.constant 10000 : i32
    %lt3A_35 = vector.broadcast %lt3A : i32 to vector<1024x1xi32>
    %lt3A_36 = arith.cmpi slt, %add3A_34, %lt3A_35 : vector<1024x1xi32>
    %jit3A_37 = arith.constant 0.000000e+00 : f32
    %broadcast_in_dim3A_38 = vector.shape_cast %lt3A_36 : vector<1024x1xi1> to vector<1024x1xi1>
    %broadcast_in_dim3A_39 = vector.broadcast %broadcast_in_dim3A_38 : vector<1024x1xi1> to vector<1024x128xi1>
    %broadcast_in_dim3A_40 = vector.broadcast %jit3A_37 : f32 to vector<1024x128xf32>
    %select_n3A_41 = arith.select %broadcast_in_dim3A_39, %max3A_30, %broadcast_in_dim3A_40 : vector<1024x128xi1>, vector<1024x128xf32>
    %get3A_42 = arith.constant 0 : index
    %get3A_43 = arith.constant 0 : index
    %get3A_44 = vector.load %arg4[%get3A_42, %get3A_43] : memref<128x1xf32, #tpu.memory_space<vmem>>, vector<128x1xf32>
    %squeeze3A_45 = vector.shape_cast %get3A_44 : vector<128x1xf32> to vector<128xf32>
    %broadcast_in_dim3A_46 = vector.shape_cast %squeeze3A_45 : vector<128xf32> to vector<1x128xf32>
    %mul3A_47 = vector.broadcast %broadcast_in_dim3A_46 : vector<1x128xf32> to vector<1024x128xf32>
    %mul3A_48 = arith.mulf %select_n3A_41, %mul3A_47 : vector<1024x128xf32>
    %reduce_sum3A = vector.shape_cast %mul3A_48 : vector<1024x128xf32> to vector<1x1024x128xf32>
    %reduce_sum3A_49 = arith.constant dense<0.000000e+00> : vector<1xf32>
    %reduce_sum3A_50 = vector.multi_reduction <add>, %reduce_sum3A, %reduce_sum3A_49 [1, 2] : vector<1x1024x128xf32> to vector<1xf32>
    %reduce_sum3A_51 = vector.shape_cast %reduce_sum3A_50 : vector<1xf32> to vector<1x1x1xf32>
    %reduce_sum3A_52 = vector.extract %reduce_sum3A_51[0, 0, 0] : f32 from vector<1x1x1xf32>
    %eq3A = arith.constant 0 : i32
    %eq3A_53 = arith.cmpi eq, %arg0, %eq3A : i32
    %convert_element_type3A = arith.extui %eq3A_53 : i1 to i32
    %cond3A = arith.constant 0 : i32
    %cond3A_54 = arith.cmpi ne, %convert_element_type3A, %cond3A : i32
    scf.if %cond3A_54 {
      %broadcast_in_dim3A_67 = arith.constant 0.000000e+00 : f32
      %broadcast_in_dim3A_68 = vector.broadcast %broadcast_in_dim3A_67 : f32 to vector<1x1xf32>
      %swap3A_69 = arith.constant 0 : index
      %swap3A_70 = arith.constant 0 : index
      %swap3A_71 = vector.load %arg6[%swap3A_69, %swap3A_70] : memref<1x1xf32, #tpu.memory_space<vmem>>, vector<1x1xf32>
      tpu.vector_store %arg6[%swap3A_69, %swap3A_70], %broadcast_in_dim3A_68 {strides = array<i32>} : memref<1x1xf32, #tpu.memory_space<vmem>>, vector<1x1xf32>,
    } else {
    }
    %get3A_55 = arith.constant 0 : index
    %get3A_56 = arith.constant 0 : index
    %get3A_57 = vector.load %arg6[%get3A_55, %get3A_56] : memref<1x1xf32, #tpu.memory_space<vmem>>, vector<1x1xf32>
    %add3A_58 = vector.broadcast %reduce_sum3A_52 : f32 to vector<1x1xf32>
    %add3A_59 = arith.addf %get3A_57, %add3A_58 : vector<1x1xf32>
    %swap3A = arith.constant 0 : index
    %swap3A_60 = arith.constant 0 : index
    %swap3A_61 = vector.load %arg6[%swap3A, %swap3A_60] : memref<1x1xf32, #tpu.memory_space<vmem>>, vector<1x1xf32>
    tpu.vector_store %arg6[%swap3A, %swap3A_60], %add3A_59 {strides = array<i32>} : memref<1x1xf32, #tpu.memory_space<vmem>>, vector<1x1xf32>,
    %eq3A_62 = arith.constant 9 : i32
    %eq3A_63 = arith.cmpi eq, %arg0, %eq3A_62 : i32
    %convert_element_type3A_64 = arith.extui %eq3A_63 : i1 to i32
    %cond3A_65 = arith.constant 0 : i32
    %cond3A_66 = arith.cmpi ne, %convert_element_type3A_64, %cond3A_65 : i32
    scf.if %cond3A_66 {
      %get3A_67 = arith.constant 0 : index
      %get3A_68 = arith.constant 0 : index
      %get3A_69 = vector.load %arg6[%get3A_67, %get3A_68] : memref<1x1xf32, #tpu.memory_space<vmem>>, vector<1x1xf32>
      %div3A_70 = arith.constant 1.000000e+04 : f32
      %div3A_71 = vector.broadcast %div3A_70 : f32 to vector<1x1xf32>
      %div3A_72 = arith.divf %get3A_69, %div3A_71 : vector<1x1xf32>
      %get3A_73 = arith.constant 0 : index
      %get3A_74 = vector.load %arg5[%get3A_73] : memref<1xf32, #tpu.memory_space<vmem>>, vector<1xf32>
      %broadcast_in_dim3A_75 = vector.shape_cast %get3A_74 : vector<1xf32> to vector<1x1xf32>
      %add3A_76 = arith.addf %div3A_72, %broadcast_in_dim3A_75 : vector<1x1xf32>
      %swap3A_77 = arith.constant 0 : index
      %swap3A_78 = arith.constant 0 : index
      %swap3A_79 = vector.load %arg6[%swap3A_77, %swap3A_78] : memref<1x1xf32, #tpu.memory_space<vmem>>, vector<1x1xf32>
      tpu.vector_store %arg6[%swap3A_77, %swap3A_78], %add3A_76 {strides = array<i32>} : memref<1x1xf32, #tpu.memory_space<vmem>>, vector<1x1xf32>,
    } else {
    }
    return
  }
  func.func @transform_0(%arg0: i32) -> (i32, i32, i32) {
    %c0_i32 = arith.constant 0 : i32
    %c0_i32_0 = arith.constant 0 : i32
    %c0_i32_1 = arith.constant 0 : i32
    return %c0_i32, %arg0, %c0_i32_0 : i32, i32, i32
  }
  func.func @transform_1(%arg0: i32) -> (i32, i32, i32) {
    %c0_i32 = arith.constant 0 : i32
    %c0_i32_0 = arith.constant 0 : i32
    %c0_i32_1 = arith.constant 0 : i32
    return %c0_i32, %arg0, %c0_i32_0 : i32, i32, i32
  }
  func.func @transform_2(%arg0: i32) -> i32 {
    %c0_i32 = arith.constant 0 : i32
    %c0_i32_0 = arith.constant 0 : i32
    return %c0_i32 : i32
  }
  func.func @transform_3(%arg0: i32) -> (i32, i32) {
    %c0_i32 = arith.constant 0 : i32
    %c0_i32_0 = arith.constant 0 : i32
    %c0_i32_1 = arith.constant 0 : i32
    return %c0_i32, %c0_i32_0 : i32, i32
  }
  func.func @transform_4(%arg0: i32) -> i32 {
    %c0_i32 = arith.constant 0 : i32
    %c0_i32_0 = arith.constant 0 : i32
    return %c0_i32 : i32
  }
  func.func @transform_5(%arg0: i32) -> (i32, i32) {
    %c0_i32 = arith.constant 0 : i32
    %c0_i32_0 = arith.constant 0 : i32
    %c0_i32_1 = arith.constant 0 : i32
    return %c0_i32, %c0_i32_0 : i32, i32
  }
}

</mosaic_0001>

<sc_bundles>
// kernel: kernel.10.cloned.1.call-start
scs
__scs_entry_jumppad:
0x0: {  	(pc) =	sbr.rel $0x88, $3  }
0x1: {  	(tag) =	ssettag $0x0;
	lr =	simm.s32 $0x1  }
0x2: {  	[smem:$0x3F97] =	sst lr;
	_ =	strace $0xD0000000  }
0x3: {  	_ = 	snop  }
0x4: {  	_ = 	snop  }
0x5: {  	_ = 	snop  }
0x6: {  	_ = 	snop  }
0x7: {  	_ = 	snop  }
__scs_overlays_trampoline_lowered:
0x8: {  	[smem:$0x3FA6] =	sst s0  }
0x9: {  	[smem:$0x3FA7] =	sst s1  }
0xa: {  	[smem:$0x3FA8] =	sst s2  }
0xb: {  	[smem:$0x3FA9] =	sst s3  }
0xc: {  	[smem:$0x3FAA] =	sst s4  }
0xd: {  	[smem:$0x3FAB] =	sst s5  }
0xe: {  	[smem:$0x3FAC] =	sst s6  }
0xf: {  	[smem:$0x3FAD] =	sst s7  }
0x10: {  	[smem:$0x3FAE] =	sst s8  }
0x11: {  	[smem:$0x3FAF] =	sst s9;
	s0 =	simm.s32 @!p0 $0x0  }
0x12: {  	s1 =	sld [smem:$0x3F95];
	s0 =	simm.s32 @p0 $0x1  }
0x13: {  	[smem:$0x3FB0] =	sst s0;
	s0 =	simm.s32 @!p1 $0x0  }
0x14: {  	s2 =	sld [smem:$0x3F94];
	s0 =	simm.s32 @p1 $0x1  }
0x15: {  	[smem:$0x3FB1] =	sst s0;
	s0 =	simm.s32 @!p2 $0x0  }
0x16: {  	s3 =	sld [smem:$0x3FDB];
	s0 =	simm.s32 @p2 $0x1  }
0x17: {  	s4 =	simm.s32 $0x1BF5;
	[smem:$0x3FB3] =	sst s0  }
0x18: {  	s0 =	sld [smem:$0x3F96];
	_ =	swait.ge [sflag:s4], $0x0  }
0x19: {  	s7 =	sld [smem:$0x3F97]  }
0x1a: {  	s8 =	sadd.s32 $0xFFFFE003, lr  }
0x1b: {  	s9 =	sadd.s32 $0xFFFFFEF7, lr;
	s5 =	simm.s32 $0xFFFFFFFF;
	p2 =	slt.u32 s8, $0xFFFFF086  }
0x1c: {  	p1 =	slt.u32 s9, $0xF7A;
	s5 =	simm.s32 @!p2 $0x0  }
0x1d: {  	s5 =	simm.s32 @p1 $0x1;
	p0 =	seq.s32 s7, s2  }
0x1e: {  	s7 =	smul.u32 @!p0 $0xF7A, s2;
	p2 =	seq.s32 @!p0 s5, $0x0  }
0x1f: {  	s9 =	smul.u32 $0xF7A, s1;
	s8 =	simm.s32 @!p0 $0x1BF5;
	p2 =	por !p2, p0  }
0x20: {  	[sflag:s8] =	ssyncset.s32 @!p0 $0xFFFFF086;
	s6 =	sadd.s32 @!p0 s3, s7;
	s7 =	simm.s32 @!p0 $0x108  }
0x21: {  	s3 =	sadd.s32 s3, s9;
	s6 =	sadd.s32 @!p0 $0x88, s6;
	s7 =	simm.s32 @p2 $0x1082  }
0x22: {  	[simem:s7], [sflag:s8] =	dma.local @!p0 [hbm:s6], $0xF7A  }
0x23: {  	s9 =	sor.u32 $0xD0000000, s2;
	s6 =	simm.s32 $0x108;
	_ =	swait.ge @!p0 [sflag:s8], $0x0  }
0x24: {  	s3 =	sadd.s32 $0x88, s3;
	s6 =	simm.s32 @!p1 $0x1082;
	[sflag:s4] =	ssyncset.s32 $0xFFFFF086  }
0x25: {  	[simem:s6], [sflag:s4] =	dma.local [hbm:s3], $0xF7A  }
0x26: {  	[smem:$0x3F97] =	sst s1;
	(tag) =	ssettag s2;
	_ =	strace s9  }
0x27: {  	s1 =	sld [smem:$0x3FA7]  }
0x28: {  	s2 =	sld [smem:$0x3FA8]  }
0x29: {  	s4 =	sld [smem:$0x3FAA]  }
0x2a: {  	p0 =	seq.s32 s5, $0x0;
	s5 =	sld [smem:$0x3FAB]  }
0x2b: {  	s6 =	sld [smem:$0x3FAC]  }
0x2c: {  	s7 =	sld [smem:$0x3FAD]  }
0x2d: {  	s3 =	simm.s32 $0x108;
	s8 =	sld [smem:$0x3FAE]  }
0x2e: {  	s3 =	simm.s32 @!p0 $0x1082;
	s9 =	sld [smem:$0x3FAF]  }
0x2f: {  	lr =	sadd.s32 s0, s3;
	s0 =	sld [smem:$0x3FA6]  }
0x30: {  	s3 =	sld [smem:$0x3FA9]  }
0x31: {  	[smem:$0x3FB2] =	sst s10  }
0x32: {  	s10 =	sld [smem:$0x3FB0];
	_ =	sdelay $0x3  }
0x33: {  	p0 =	seq.s32 s10, $0x1;
	s10 =	sld [smem:$0x3FB2];
	_ =	sdelay $0x3  }
0x34: {  	[smem:$0x3FB2] =	sst s10  }
0x35: {  	s10 =	sld [smem:$0x3FB1];
	_ =	sdelay $0x3  }
0x36: {  	p1 =	seq.s32 s10, $0x1;
	s10 =	sld [smem:$0x3FB2];
	_ =	sdelay $0x3  }
0x37: {  	[smem:$0x3FB2] =	sst s10  }
0x38: {  	s10 =	sld [smem:$0x3FB3]  }
0x39: {  	_ = 	snop;
	(pc) =	sbr.ind lr, $3  }
0x3a: {  	_ = 	snop  }
0x3b: {  	_ = 	snop  }
0x3c: {  	p2 =	seq.s32 s10, $0x1;
	s10 =	sld [smem:$0x3FB2]  }
0x3d: {  	_ =	shalt  }
0x3e: {  	_ =	shalt  }
0x3f: {  	_ =	shalt  }
0x40: {  	_ =	shalt  }
0x41: {  	_ =	shalt  }
0x42: {  	_ =	shalt  }
0x43: {  	_ =	shalt  }
0x44: {  	_ =	shalt  }
0x45: {  	_ =	shalt  }
0x46: {  	_ =	shalt  }
0x47: {  	_ =	shalt  }
0x48: {  	_ =	shalt  }
0x49: {  	_ =	shalt  }
0x4a: {  	_ =	shalt  }
0x4b: {  	_ =	shalt  }
0x4c: {  	_ =	shalt  }
0x4d: {  	_ =	shalt  }
0x4e: {  	_ =	shalt  }
0x4f: {  	_ =	shalt  }
0x50: {  	_ =	shalt  }
0x51: {  	_ =	shalt  }
0x52: {  	_ =	shalt  }
0x53: {  	_ =	shalt  }
0x54: {  	_ =	shalt  }
0x55: {  	_ =	shalt  }
0x56: {  	_ =	shalt  }
0x57: {  	_ =	shalt  }
0x58: {  	_ =	shalt  }
0x59: {  	_ =	shalt  }
0x5a: {  	_ =	shalt  }
0x5b: {  	_ =	shalt  }
0x5c: {  	_ =	shalt  }
0x5d: {  	_ =	shalt  }
0x5e: {  	_ =	shalt  }
0x5f: {  	_ =	shalt  }
0x60: {  	_ =	shalt  }
0x61: {  	_ =	shalt  }
0x62: {  	_ =	shalt  }
0x63: {  	_ =	shalt  }
0x64: {  	_ =	shalt  }
0x65: {  	_ =	shalt  }
0x66: {  	_ =	shalt  }
0x67: {  	_ =	shalt  }
0x68: {  	_ =	shalt  }
0x69: {  	_ =	shalt  }
0x6a: {  	_ =	shalt  }
0x6b: {  	_ =	shalt  }
0x6c: {  	_ =	shalt  }
0x6d: {  	_ =	shalt  }
0x6e: {  	_ =	shalt  }
0x6f: {  	_ =	shalt  }
0x70: {  	_ =	shalt  }
0x71: {  	_ =	shalt  }
0x72: {  	_ =	shalt  }
0x73: {  	_ =	shalt  }
0x74: {  	_ =	shalt  }
0x75: {  	_ =	shalt  }
0x76: {  	_ =	shalt  }
0x77: {  	_ =	shalt  }
0x78: {  	_ =	shalt  }
0x79: {  	_ =	shalt  }
0x7a: {  	_ =	shalt  }
0x7b: {  	_ =	shalt  }
0x7c: {  	_ =	shalt  }
0x7d: {  	_ =	shalt  }
0x7e: {  	_ =	shalt  }
0x7f: {  	_ =	shalt  }
0x80: {  	_ =	shalt  }
0x81: {  	_ =	shalt  }
0x82: {  	_ =	shalt  }
0x83: {  	_ =	shalt  }
0x84: {  	_ =	shalt  }
0x85: {  	_ =	shalt  }
0x86: {  	_ =	shalt  }
0x87: {  	_ =	shalt  }
.Lfunc_end0:
.L_simem_size_0:
called_computation_lowered:
.L_overlay_start_0:
0x88: {  	s2 =	sld [smem:$0x3FD9]  }
0x89: {  	s3 =	sld [smem:$0x3FFE];
	_ =	sdelay $0x1  }
0x8a: {  	s1 =	srdreg.scid  }
0x8b: {  	s0 =	sand.u32 $0x1, s1  }
0x8c: {  	s16 =	sshll.u32 s0, $0xA;
	s2 =	sadd.s32 s3, s2  }
0x8d: {  	s2 =	sadd.s32 s2, s16  }
0x8e: {  	[smem:$0x3FBE] =	sst s2  }
0x8f: {  	_ = 	snop  }
0x90: {  	(tm) =	ssettm $0x1  }
0x91: {  	s17 =	sld [smem:$0x3FFB];
	_ =	sdelay $0x3  }
0x92: {  	_ =	strace s17  }
0x93: {  	s2 =	sld [smem:$0x3FFC];
	_ =	sdelay $0x3  }
0x94: {  	_ =	strace s2  }
0x95: {  	s2 =	sld [smem:$0x3FFD];
	_ =	sdelay $0x3  }
0x96: {  	_ =	strace s2  }
0x97: {  	_ =	strace $0x8FFFFFFF  }
0x98: {  	s18 =	sld [smem:$0x3FDB];
	_ =	sdelay $0x1  }
0x99: {  	s19 =	simm.s32 $_scs_section_size  }
0x9a: {  	s4 =	simm.s32 $_size__tile_overlayer_lowered;
	s5 =	simm.s32 $_tile_overlayer_lowered  }
0x9b: {  	s22 =	simm.s32 $0x1BFF;
	s21 =	sshll.u32 s5, $0x1;
	s2 =	sadd.s32 s19, s18  }
0x9c: {  	s6 =	simm.s32 $0x0;
	s20 =	sshll.u32 s4, $0x1;
	s4 =	sadd.s32 s21, s2  }
0x9d: {  	[timem:s6], [sflag:s22] =	dma.local [hbm:s4], s20  }
0x9e: {  	_ =	swait.ge [sflag:s22], s20  }
0x9f: {  	s3 =	ssub.s32 $0x0, s20;
	[sflag:s22] =	ssyncset.done $0x0  }
0xa0: {  	[sflag:s22] =	ssyncadd.s32 s3;
	_ =	sdelay $0x1  }
0xa1: {  	s23 =	simm.s32 $0x1B8B  }
0xa2: {  	_ =	swait.ge [sflag:s23], $0x1  }
0xa3: {  	[sflag:s23] =	ssyncset.done $0x0  }
0xa4: {  	s25 =	simm.s32 $0x1B8E;
	s24 =	sld [smem:$0x3FFE];
	[sflag:s23] =	ssyncadd.s32 $0xFFFFFFFF  }
0xa5: {  	s26 =	simm.s32 $execute0_lowered;
	[smem:$0x3FD2] =	sst s25  }
0xa6: {  	s4 =	sshll.u32 s26, $0x1;
	_ =	strace $0x80000046;
	[dreg:$0x1] =	wrdreg $0xFFFFFFFF  }
0xa7: {  	s28 =	simm.s32 $_size_execute0_lowered;
	s2 =	sadd.s32 s2, s4;
	[dreg:$0x0] =	wrdreg $0x0  }
0xa8: {  	s4 =	sshll.u32 s28, $0x1;
	[dreg:$0x2] =	wrdreg s2  }
0xa9: {  	[dreg:$0x3] =	wrdreg s4  }
0xaa: {  	[dreg:$0x4] =	wrdreg $0xC0  }
0xab: {  	_ =	task [dreg:s6], $0x5FFFF  }
0xac: {  	[dreg:$0x1] =	wrdreg $0xFFFFFFFF  }
0xad: {  	[dreg:$0x0] =	wrdreg $0x60  }
0xae: {  	[dreg:$0x2] =	wrdreg s24  }
0xaf: {  	[dreg:$0x3] =	wrdreg $0x55000  }
0xb0: {  	[dreg:$0x4] =	wrdreg $0x57800  }
0xb1: {  	[dreg:$0x5] =	wrdreg $0x9  }
0xb2: {  	_ =	task.clear_ibuf [dreg:s6], $0x6FFFF;
	_ =	strace $0x90000046  }
0xb3: {  	s29 =	simm.s32 $0x9;
	_ =	strace $0x80000048  }
0xb4: {  	_ =	swait.ge [sflag:s29], $0x1  }
0xb5: {  	[sflag:s29] =	ssyncadd.s32 $0xFFFFFFFF  }
0xb6: {  	_ =	strace $0x90000048  }
0xb7: {  	_ =	sfence  }
0xb8: {  	s30 =	sld [smem:$0x0];
	_ =	sdelay $0x2  }
0xb9: {  	s31 =	sshll.u32 s1, $0xD;
	s1 =	sshrl.u32 s1, $0x2  }
0xba: {  	s3 =	sand.u32 $0x4000, s31;
	s1 =	sadd.s32 s1, s30  }
0xbb: {  	s0 =	sor.u32 s3, s0;
	s1 =	sshll.u32 s1, $0x11  }
0xbc: {  	s0 =	sor.u32 s1, s0  }
0xbd: {  	s0 =	sadd.s32 $0x8F2B, s0  }
0xbe: {  	[sflag:s0] =	ssyncadd.remote.s32 $0x1  }
0xbf: {  	_ =	sfence.sel $0xFFFF  }
0xc0: {  	[dreg:$0x0] =	wrdreg $0xFFFFFFFF;
	(pc) =	sbr.abs _section_cstart, $3  }
0xc1: {  	[dreg:$0x1] =	wrdreg $0xFFFFFFFF  }
0xc2: {  	_ =	task.clear_ibuf [dreg:s6], $0x2FFFF;
	_ =	strace $0x9FFFFFFF  }
0xc3: {  	(tm) =	ssettm $0x7FFFFFFF  }
tec
execute0_lowered:
.L_overlay_start_1:
0x0: {  	(tag) =	ssettag $0x1  }
0x1: {  	s5 =	rddreg [dreg:$0x0]  }
0x2: {  	s1 =	rddreg [dreg:$0x1]  }
0x3: {  	s2 =	rddreg [dreg:$0x2]  }
0x4: {  	s3 =	srdreg.scid;
	s0 =	rddreg [dreg:$0x3]  }
0x5: {  	s4 =	simm.s32 $0x0;
	s13 =	simm.s32 $0x3;
	s14 =	simm.s32 $0x2800  }
0x6: {  	s15 =	simm.s32 $0x80;
	s16 =	simm.s32 $0x5000;
	s17 =	simm.s32 $0x5200  }
0x7: {  	s18 =	simm.s32 $0x5080;
	s19 =	simm.s32 $0x1;
	s20 =	simm.s32 $0x2  }
0x8: {  	s21 =	simm.s32 $0x5100;
	s22 =	simm.s32 $0x5180;
	s25 =	simm.s32 $0x20  }
0x9: {  	s26 =	simm.s32 $0x10;
	s6 =	sand.u32 $0x1, s3;
	s3 =	stileid.u32  }
0xa: {  	s28 =	simm.s32 $0x0;
	[smem:$0x7FF] =	sst s4;
	s7 =	smul.u32 $0x5000, s6  }
0xb: {  	s8 =	sshll.u32 s6, $0x4;
	s9 =	smul.u32 $0x500, s3;
	_ =	strace $0x80000047  }
0xc: {  	s6 =	ssub.s32 $0x2, s6;
	s10 =	smul.u32 $0x280, s3;
	s8 =	sor.u32 s3, s8  }
0xd: {  	s23 =	sshll.u32 s3, $0x6;
	s31 =	sshrl.u32 s6, $0x1;
	s8 =	smul.u32 $0x500, s8  }
0xe: {  	s23 =	sor.u32 $0x1C03, s23;
	s7 =	sadd.s32 s9, s7;
	s12 =	ssub.s32 s6, s31  }
0xf: {  	s6 =	sadd.s32 s10, s2;
	s7 =	sshrl.u32 s7, $0x3;
	s8 =	sadd.s32 s8, s5  }
0x10: {  	s11 =	sadd.s32 s7, s5;
	s5 =	sadd.s32 s10, s1;
	s7 =	sadd.s32 $0x21000, s8  }
0x11: {  	s8 =	sadd.s32 $0x17000, s8;
	s9 =	sadd.s32 $0x2B000, s11;
	s10 =	sadd.s32 $0x2B010, s11  }
0x12: {  	v0 =	vimm.f32 $1.000000000e+00;
	v1 =	vimm.f32 $0.0e+00;
	s11 =	smax.u32 s12, $0x1;
	s12 =	simm.s32 $0x5280;
	s24 =	sshrl.u32 s5, $0x3  }
.LBB2_1:
0x13: {  	[tilespmem:$0x5200] =	vst v0  }
0x14: {  	[tilespmem:$0x5210] =	vst v0  }
0x15: {  	[tilespmem:$0x5220] =	vst v0  }
0x16: {  	[tilespmem:$0x5230] =	vst v0  }
0x17: {  	[tilespmem:$0x5240] =	vst v0  }
0x18: {  	[tilespmem:$0x5250] =	vst v0  }
0x19: {  	[tilespmem:$0x5260] =	vst v0  }
0x1a: {  	[tilespmem:$0x5270] =	vst v0  }
0x1b: {  	[tilespmem:$0x5280] =	vst v1  }
0x1c: {  	[tilespmem:$0x5290] =	vst v1  }
0x1d: {  	[tilespmem:$0x52A0] =	vst v1  }
0x1e: {  	[tilespmem:$0x52B0] =	vst v1  }
0x1f: {  	[tilespmem:$0x52C0] =	vst v1  }
0x20: {  	[tilespmem:$0x52D0] =	vst v1  }
0x21: {  	[tilespmem:$0x52E0] =	vst v1  }
0x22: {  	[tilespmem:$0x52F0] =	vst v1  }
0x23: {  	[tilespmem:$0x5300] =	vst v1  }
0x24: {  	[tilespmem:$0x5310] =	vst v1  }
0x25: {  	[tilespmem:$0x5320] =	vst v1  }
0x26: {  	[tilespmem:$0x5330] =	vst v1  }
0x27: {  	[tilespmem:$0x5340] =	vst v1  }
0x28: {  	[tilespmem:$0x5350] =	vst v1  }
0x29: {  	[tilespmem:$0x5360] =	vst v1  }
0x2a: {  	[tilespmem:$0x5370] =	vst v1  }
0x2b: {  	[tilespmem:$0x5380] =	vst v1  }
0x2c: {  	[tilespmem:$0x5390] =	vst v1  }
0x2d: {  	[tilespmem:$0x53A0] =	vst v1  }
0x2e: {  	[tilespmem:$0x53B0] =	vst v1  }
0x2f: {  	[tilespmem:$0x53C0] =	vst v1  }
0x30: {  	[tilespmem:$0x53D0] =	vst v1  }
0x31: {  	[tilespmem:$0x53E0] =	vst v1  }
0x32: {  	[tilespmem:$0x53F0] =	vst v1  }
0x33: {  	[tilespmem:$0x5400] =	vst v1  }
0x34: {  	[tilespmem:$0x5410] =	vst v1  }
0x35: {  	[tilespmem:$0x5420] =	vst v1  }
0x36: {  	[tilespmem:$0x5430] =	vst v1  }
0x37: {  	[tilespmem:$0x5440] =	vst v1  }
0x38: {  	[tilespmem:$0x5450] =	vst v1  }
0x39: {  	[tilespmem:$0x5460] =	vst v1  }
0x3a: {  	[tilespmem:$0x5470] =	vst v1  }
0x3b: {  	[tilespmem:$0x5480] =	vst v1  }
0x3c: {  	[tilespmem:$0x5490] =	vst v1  }
0x3d: {  	[tilespmem:$0x54A0] =	vst v1  }
0x3e: {  	[tilespmem:$0x54B0] =	vst v1  }
0x3f: {  	[tilespmem:$0x54C0] =	vst v1  }
0x40: {  	[tilespmem:$0x54D0] =	vst v1  }
0x41: {  	[tilespmem:$0x54E0] =	vst v1  }
0x42: {  	[tilespmem:$0x54F0] =	vst v1  }
0x43: {  	[spmem:s5] =	stream.linear.scatter [tilespmem:s12], [sflag:$0x3], $0x280, $0x38;
	[tilespmem:$0x5A00] =	vst v63  }
0x44: {  	_ =	swait.ge [sflag:s13], $0x280  }
0x45: {  	[sflag:s13] =	ssyncset.done $0x0  }
0x46: {  	[sflag:s13] =	ssyncadd.s32 $0xFFFFFD80  }
0x47: {  	[spmem:s6] =	stream.linear.scatter [tilespmem:s12], [sflag:$0x3], $0x280, $0x38;
	[tilespmem:$0x5A00] =	vst v63  }
0x48: {  	_ =	swait.ge [sflag:s13], $0x280  }
0x49: {  	[sflag:s13] =	ssyncset.done $0x0  }
0x4a: {  	[sflag:s13] =	ssyncadd.s32 $0xFFFFFD80  }
0x4b: {  	[tilespmem:s4], [sflag:$0x3] =	stream.linear.gather [hbm4b:s7+s4], $0x2800, $0x38;
	[tilespmem:$0x5A00] =	vst v63  }
0x4c: {  	_ =	swait.ge [sflag:s13], $0x2800  }
0x4d: {  	[sflag:s13] =	ssyncset.done $0x0  }
0x4e: {  	[sflag:s13] =	ssyncadd.s32 $0xFFFFD800  }
0x4f: {  	[tilespmem:s14], [sflag:$0x3] =	stream.linear.gather [hbm4b:s8+s4], $0x2800, $0x38;
	[tilespmem:$0x5A00] =	vst v63  }
0x50: {  	_ =	swait.ge [sflag:s13], $0x2800  }
0x51: {  	[sflag:s13] =	ssyncset.done $0x0  }
0x52: {  	[sflag:s13] =	ssyncadd.s32 $0xFFFFD800  }
0x53: {  	[bflag:$0x0] =	sbarrier.arrive $0xFFFF  }
0x54: {  	v2 =	vld [tilespmem:$0x0]  }
0x55: {  	v3 =	vld [tilespmem:$0x10]  }
0x56: {  	v4 =	vld [tilespmem:$0x20]  }
0x57: {  	v5 =	vld [tilespmem:$0x30]  }
0x58: {  	v6 =	vld [tilespmem:$0x40]  }
0x59: {  	[tilespmem:$0x5000] =	vst v2;
	v2 =	vld [tilespmem:$0x50]  }
0x5a: {  	v58 =	vld [tilespmem:$0x70];
	[tilespmem:$0x5010] =	vst v3  }
0x5b: {  	v59 =	vld [tilespmem:$0x2800];
	[tilespmem:$0x5020] =	vst v4  }
0x5c: {  	v60 =	vld [tilespmem:$0x2810];
	[tilespmem:$0x5030] =	vst v5  }
0x5d: {  	v3 =	vld [tilespmem:$0x60];
	[tilespmem:$0x5040] =	vst v6  }
0x5e: {  	[tilespmem:$0x5050] =	vst v2;
	v2 =	vld [tilespmem:$0x2820]  }
0x5f: {  	v61 =	vld [tilespmem:$0x2840];
	[tilespmem:$0x5070] =	vst v58  }
0x60: {  	v62 =	vld [tilespmem:$0x2850];
	[tilespmem:$0x5080] =	vst v59  }
0x61: {  	v63 =	vld [tilespmem:$0x2860];
	[tilespmem:$0x5090] =	vst v60  }
0x62: {  	[tilespmem:$0x5060] =	vst v3;
	v3 =	vld [tilespmem:$0x2830]  }
0x63: {  	[tilespmem:$0x50A0] =	vst v2;
	v2 =	vld [tilespmem:$0x2870]  }
0x64: {  	[tilespmem:$0x50C0] =	vst v61  }
0x65: {  	[tilespmem:$0x50D0] =	vst v62  }
0x66: {  	[tilespmem:$0x50E0] =	vst v63  }
0x67: {  	[tilespmem:$0x50B0] =	vst v3  }
0x68: {  	[tilespmem:$0x50F0] =	vst v2  }
0x69: {  	[spmem:s1] =	stream.indirect.scatter.add.f32 [tilespmem:s17], [sflag:$0x1], $0x1, s16, s15, $0xb8;
	[tilespmem:$0x5A00] =	vst v63  }
0x6a: {  	s29 =	simm.s32 $0x0  }
0x6b: {  	[spmem:s2] =	stream.indirect.scatter.add.f32 [tilespmem:s17], [sflag:$0x2], $0x1, s18, s15, $0xb8;
	[tilespmem:$0x5A00] =	vst v63  }
0x6c: {  	v2 =	vld [tilespmem:s29+$0x80];
	_ =	sdelay $0x4  }
0x6d: {  	[tilespmem:$0x5100] =	vst v2  }
0x6e: {  	v2 =	vld [tilespmem:s29+$0x90];
	_ =	sdelay $0x4  }
0x6f: {  	[tilespmem:$0x5110] =	vst v2  }
0x70: {  	v2 =	vld [tilespmem:s29+$0xA0];
	_ =	sdelay $0x4  }
0x71: {  	[tilespmem:$0x5120] =	vst v2  }
0x72: {  	v2 =	vld [tilespmem:s29+$0xB0];
	_ =	sdelay $0x4  }
0x73: {  	[tilespmem:$0x5130] =	vst v2  }
0x74: {  	v2 =	vld [tilespmem:s29+$0xC0];
	_ =	sdelay $0x4  }
0x75: {  	[tilespmem:$0x5140] =	vst v2  }
0x76: {  	v2 =	vld [tilespmem:s29+$0xD0];
	_ =	sdelay $0x4  }
0x77: {  	[tilespmem:$0x5150] =	vst v2  }
0x78: {  	v2 =	vld [tilespmem:s29+$0xE0];
	_ =	sdelay $0x4  }
0x79: {  	[tilespmem:$0x5160] =	vst v2  }
0x7a: {  	v2 =	vld [tilespmem:s29+$0xF0];
	_ =	sdelay $0x4  }
0x7b: {  	[tilespmem:$0x5170] =	vst v2  }
0x7c: {  	v2 =	vld [tilespmem:s29+$0x2880];
	_ =	sdelay $0x4  }
0x7d: {  	[tilespmem:$0x5180] =	vst v2  }
0x7e: {  	v2 =	vld [tilespmem:s29+$0x2890];
	_ =	sdelay $0x4  }
0x7f: {  	[tilespmem:$0x5190] =	vst v2  }
0x80: {  	v2 =	vld [tilespmem:s29+$0x28A0];
	_ =	sdelay $0x4  }
0x81: {  	[tilespmem:$0x51A0] =	vst v2  }
0x82: {  	v2 =	vld [tilespmem:s29+$0x28B0];
	_ =	sdelay $0x4  }
0x83: {  	[tilespmem:$0x51B0] =	vst v2  }
0x84: {  	v2 =	vld [tilespmem:s29+$0x28C0];
	_ =	sdelay $0x4  }
0x85: {  	[tilespmem:$0x51C0] =	vst v2  }
0x86: {  	v2 =	vld [tilespmem:s29+$0x28D0];
	_ =	sdelay $0x4  }
0x87: {  	[tilespmem:$0x51D0] =	vst v2  }
0x88: {  	v2 =	vld [tilespmem:s29+$0x28E0];
	_ =	sdelay $0x4  }
0x89: {  	[tilespmem:$0x51E0] =	vst v2  }
0x8a: {  	v2 =	vld [tilespmem:s29+$0x28F0];
	_ =	sdelay $0x4  }
0x8b: {  	[tilespmem:$0x51F0] =	vst v2  }
0x8c: {  	_ =	swait.ge [sflag:s19], $0x80  }
0x8d: {  	[sflag:s19] =	ssyncset.done $0x0  }
0x8e: {  	[sflag:s19] =	ssyncadd.s32 $0xFFFFFF80  }
0x8f: {  	_ =	swait.ge [sflag:s20], $0x80  }
0x90: {  	[sflag:s20] =	ssyncset.done $0x0  }
0x91: {  	p0 =	por $0x0, $0x0;
	[sflag:s20] =	ssyncadd.s32 $0xFFFFFF80  }
0x92: {  	[spmem:s1] =	stream.indirect.scatter.add.f32 [tilespmem:s17], [sflag:$0x1], $0x1, s21, s15, $0xb8;
	[tilespmem:$0x5A00] =	vst v63  }
0x93: {  	s29 =	simm.s32 @!p0 $0x0  }
0x94: {  	[spmem:s2] =	stream.indirect.scatter.add.f32 [tilespmem:s17], [sflag:$0x2], $0x1, s22, s15, $0xb8;
	[tilespmem:$0x5A00] =	vst v63  }
0x95: {  	v2 =	vld @!p0 [tilespmem:s29+$0x100];
	_ =	sdelay $0x4  }
0x96: {  	[tilespmem:$0x5000] =	vst @!p0 v2  }
0x97: {  	v2 =	vld @!p0 [tilespmem:s29+$0x110];
	_ =	sdelay $0x4  }
0x98: {  	[tilespmem:$0x5010] =	vst @!p0 v2  }
0x99: {  	v2 =	vld @!p0 [tilespmem:s29+$0x120];
	_ =	sdelay $0x4  }
0x9a: {  	[tilespmem:$0x5020] =	vst @!p0 v2  }
0x9b: {  	v2 =	vld @!p0 [tilespmem:s29+$0x130];
	_ =	sdelay $0x4  }
0x9c: {  	[tilespmem:$0x5030] =	vst @!p0 v2  }
0x9d: {  	v2 =	vld @!p0 [tilespmem:s29+$0x140];
	_ =	sdelay $0x4  }
0x9e: {  	[tilespmem:$0x5040] =	vst @!p0 v2  }
0x9f: {  	v2 =	vld @!p0 [tilespmem:s29+$0x150];
	_ =	sdelay $0x4  }
0xa0: {  	[tilespmem:$0x5050] =	vst @!p0 v2  }
0xa1: {  	v2 =	vld @!p0 [tilespmem:s29+$0x160];
	_ =	sdelay $0x4  }
0xa2: {  	[tilespmem:$0x5060] =	vst @!p0 v2  }
0xa3: {  	v2 =	vld @!p0 [tilespmem:s29+$0x170];
	_ =	sdelay $0x4  }
0xa4: {  	[tilespmem:$0x5070] =	vst @!p0 v2  }
0xa5: {  	v2 =	vld @!p0 [tilespmem:s29+$0x2900];
	_ =	sdelay $0x4  }
0xa6: {  	[tilespmem:$0x5080] =	vst @!p0 v2  }
0xa7: {  	v2 =	vld @!p0 [tilespmem:s29+$0x2910];
	_ =	sdelay $0x4  }
0xa8: {  	[tilespmem:$0x5090] =	vst @!p0 v2  }
0xa9: {  	v2 =	vld @!p0 [tilespmem:s29+$0x2920];
	_ =	sdelay $0x4  }
0xaa: {  	[tilespmem:$0x50A0] =	vst @!p0 v2  }
0xab: {  	v2 =	vld @!p0 [tilespmem:s29+$0x2930];
	_ =	sdelay $0x4  }
0xac: {  	[tilespmem:$0x50B0] =	vst @!p0 v2  }
0xad: {  	v2 =	vld @!p0 [tilespmem:s29+$0x2940];
	_ =	sdelay $0x4  }
0xae: {  	[tilespmem:$0x50C0] =	vst @!p0 v2  }
0xaf: {  	v2 =	vld @!p0 [tilespmem:s29+$0x2950];
	_ =	sdelay $0x4  }
0xb0: {  	[tilespmem:$0x50D0] =	vst @!p0 v2  }
0xb1: {  	v2 =	vld @!p0 [tilespmem:s29+$0x2960];
	_ =	sdelay $0x4  }
0xb2: {  	[tilespmem:$0x50E0] =	vst @!p0 v2  }
0xb3: {  	v2 =	vld @!p0 [tilespmem:s29+$0x2970];
	_ =	sdelay $0x4  }
0xb4: {  	[tilespmem:$0x50F0] =	vst @!p0 v2  }
0xb5: {  	_ =	swait.ge [sflag:s19], $0x80  }
0xb6: {  	[sflag:s19] =	ssyncset.done $0x0  }
0xb7: {  	[sflag:s19] =	ssyncadd.s32 $0xFFFFFF80  }
0xb8: {  	s29 =	simm.s32 $0x400;
	_ =	swait.ge [sflag:s20], $0x80  }
.LBB2_2:
0xb9: {  	[sflag:s20] =	ssyncset.done $0x0;
	s30 =	smov.u32 s29;
	s29 =	sadd.s32 $0x400, s29  }
0xba: {  	p0 =	sne.s32 s29, $0xA000;
	[sflag:s20] =	ssyncadd.s32 $0xFFFFFF80  }
0xbb: {  	[spmem:s1] =	stream.indirect.scatter.add.f32 [tilespmem:s17], [sflag:$0x1], $0x1, s16, s15, $0xb8;
	[tilespmem:$0x5A00] =	vst v63  }
0xbc: {  	s31 =	sshra.s32 s30, $0x2  }
0xbd: {  	[spmem:s2] =	stream.indirect.scatter.add.f32 [tilespmem:s17], [sflag:$0x2], $0x1, s18, s15, $0xb8;
	[tilespmem:$0x5A00] =	vst v63  }
0xbe: {  	v2 =	vld [tilespmem:s31+$0x80];
	_ =	sdelay $0x4  }
0xbf: {  	[tilespmem:$0x5100] =	vst v2  }
0xc0: {  	v2 =	vld [tilespmem:s31+$0x90];
	_ =	sdelay $0x4  }
0xc1: {  	[tilespmem:$0x5110] =	vst v2  }
0xc2: {  	v2 =	vld [tilespmem:s31+$0xA0];
	_ =	sdelay $0x4  }
0xc3: {  	[tilespmem:$0x5120] =	vst v2  }
0xc4: {  	v2 =	vld [tilespmem:s31+$0xB0];
	_ =	sdelay $0x4  }
0xc5: {  	[tilespmem:$0x5130] =	vst v2  }
0xc6: {  	v2 =	vld [tilespmem:s31+$0xC0];
	_ =	sdelay $0x4  }
0xc7: {  	[tilespmem:$0x5140] =	vst v2  }
0xc8: {  	v2 =	vld [tilespmem:s31+$0xD0];
	_ =	sdelay $0x4  }
0xc9: {  	[tilespmem:$0x5150] =	vst v2  }
0xca: {  	v2 =	vld [tilespmem:s31+$0xE0];
	_ =	sdelay $0x4  }
0xcb: {  	[tilespmem:$0x5160] =	vst v2  }
0xcc: {  	v2 =	vld [tilespmem:s31+$0xF0];
	_ =	sdelay $0x4  }
0xcd: {  	[tilespmem:$0x5170] =	vst v2  }
0xce: {  	v2 =	vld [tilespmem:s31+$0x2880];
	_ =	sdelay $0x4  }
0xcf: {  	[tilespmem:$0x5180] =	vst v2  }
0xd0: {  	v2 =	vld [tilespmem:s31+$0x2890];
	_ =	sdelay $0x4  }
0xd1: {  	[tilespmem:$0x5190] =	vst v2  }
0xd2: {  	v2 =	vld [tilespmem:s31+$0x28A0];
	_ =	sdelay $0x4  }
0xd3: {  	[tilespmem:$0x51A0] =	vst v2  }
0xd4: {  	v2 =	vld [tilespmem:s31+$0x28B0];
	_ =	sdelay $0x4  }
0xd5: {  	[tilespmem:$0x51B0] =	vst v2  }
0xd6: {  	v2 =	vld [tilespmem:s31+$0x28C0];
	_ =	sdelay $0x4  }
0xd7: {  	[tilespmem:$0x51C0] =	vst v2  }
0xd8: {  	v2 =	vld [tilespmem:s31+$0x28D0];
	_ =	sdelay $0x4  }
0xd9: {  	[tilespmem:$0x51D0] =	vst v2  }
0xda: {  	v2 =	vld [tilespmem:s31+$0x28E0];
	_ =	sdelay $0x4  }
0xdb: {  	[tilespmem:$0x51E0] =	vst v2  }
0xdc: {  	v2 =	vld [tilespmem:s31+$0x28F0];
	_ =	sdelay $0x4  }
0xdd: {  	[tilespmem:$0x51F0] =	vst v2  }
0xde: {  	_ =	swait.ge [sflag:s19], $0x80  }
0xdf: {  	[sflag:s19] =	ssyncset.done $0x0  }
0xe0: {  	[sflag:s19] =	ssyncadd.s32 $0xFFFFFF80  }
0xe1: {  	_ =	swait.ge [sflag:s20], $0x80  }
0xe2: {  	[sflag:s20] =	ssyncset.done $0x0  }
0xe3: {  	[sflag:s20] =	ssyncadd.s32 $0xFFFFFF80  }
0xe4: {  	[spmem:s1] =	stream.indirect.scatter.add.f32 [tilespmem:s17], [sflag:$0x1], $0x1, s21, s15, $0xb8;
	[tilespmem:$0x5A00] =	vst v63  }
0xe5: {  	p1 =	seq.s32 s30, $0x9C00  }
0xe6: {  	[spmem:s2] =	stream.indirect.scatter.add.f32 [tilespmem:s17], [sflag:$0x2], $0x1, s22, s15, $0xb8;
	[tilespmem:$0x5A00] =	vst v63  }
0xe7: {  	s30 =	sshra.s32 @!p1 s30, $0x2  }
0xe8: {  	v2 =	vld @!p1 [tilespmem:s30+$0x100];
	_ =	sdelay $0x4  }
0xe9: {  	[tilespmem:$0x5000] =	vst @!p1 v2  }
0xea: {  	v2 =	vld @!p1 [tilespmem:s30+$0x110];
	_ =	sdelay $0x4  }
0xeb: {  	[tilespmem:$0x5010] =	vst @!p1 v2  }
0xec: {  	v2 =	vld @!p1 [tilespmem:s30+$0x120];
	_ =	sdelay $0x4  }
0xed: {  	[tilespmem:$0x5020] =	vst @!p1 v2  }
0xee: {  	v2 =	vld @!p1 [tilespmem:s30+$0x130];
	_ =	sdelay $0x4  }
0xef: {  	[tilespmem:$0x5030] =	vst @!p1 v2  }
0xf0: {  	v2 =	vld @!p1 [tilespmem:s30+$0x140];
	_ =	sdelay $0x4  }
0xf1: {  	[tilespmem:$0x5040] =	vst @!p1 v2  }
0xf2: {  	v2 =	vld @!p1 [tilespmem:s30+$0x150];
	_ =	sdelay $0x4  }
0xf3: {  	[tilespmem:$0x5050] =	vst @!p1 v2  }
0xf4: {  	v2 =	vld @!p1 [tilespmem:s30+$0x160];
	_ =	sdelay $0x4  }
0xf5: {  	[tilespmem:$0x5060] =	vst @!p1 v2  }
0xf6: {  	v2 =	vld @!p1 [tilespmem:s30+$0x170];
	_ =	sdelay $0x4  }
0xf7: {  	[tilespmem:$0x5070] =	vst @!p1 v2  }
0xf8: {  	v2 =	vld @!p1 [tilespmem:s30+$0x2900];
	_ =	sdelay $0x4  }
0xf9: {  	[tilespmem:$0x5080] =	vst @!p1 v2  }
0xfa: {  	v2 =	vld @!p1 [tilespmem:s30+$0x2910];
	_ =	sdelay $0x4  }
0xfb: {  	[tilespmem:$0x5090] =	vst @!p1 v2  }
0xfc: {  	v2 =	vld @!p1 [tilespmem:s30+$0x2920];
	_ =	sdelay $0x4  }
0xfd: {  	[tilespmem:$0x50A0] =	vst @!p1 v2  }
0xfe: {  	v2 =	vld @!p1 [tilespmem:s30+$0x2930];
	_ =	sdelay $0x4  }
0xff: {  	[tilespmem:$0x50B0] =	vst @!p1 v2  }
0x100: {  	v2 =	vld @!p1 [tilespmem:s30+$0x2940];
	_ =	sdelay $0x4  }
0x101: {  	[tilespmem:$0x50C0] =	vst @!p1 v2  }
0x102: {  	v2 =	vld @!p1 [tilespmem:s30+$0x2950];
	_ =	sdelay $0x4  }
0x103: {  	[tilespmem:$0x50D0] =	vst @!p1 v2  }
0x104: {  	v2 =	vld @!p1 [tilespmem:s30+$0x2960];
	_ =	sdelay $0x4  }
0x105: {  	[tilespmem:$0x50E0] =	vst @!p1 v2  }
0x106: {  	v2 =	vld @!p1 [tilespmem:s30+$0x2970];
	_ =	sdelay $0x4  }
.Ltmp0:
0x107: {  	[tilespmem:$0x50F0] =	vst @!p1 v2;
	(pc) =	sbr.rel @p0 .LBB2_2-.Ltmp0, $4  }
0x108: {  	_ =	swait.ge [sflag:s19], $0x80  }
0x109: {  	[sflag:s19] =	ssyncset.done $0x0  }
0x10a: {  	[sflag:s19] =	ssyncadd.s32 $0xFFFFFF80  }
0x10b: {  	_ =	swait.ge [sflag:s20], $0x80  }
0x10c: {  	[sflag:s20] =	ssyncset.done $0x0  }
0x10d: {  	[sflag:s20] =	ssyncadd.s32 $0xFFFFFF80  }
0x10e: {  	[bflag:$0x0] =	sbarrier.arrive $0xFFFF  }
0x10f: {  	[hbm:s9@s25], [sflag:s23] =	dma.strided [spmem:s24@s26], $0x50, s19, $0x10   }
0x110: {  	s28 =	sadd.s32 $0x1, s28;
	_ =	swait.ge [sflag:s13], $0x50  }
0x111: {  	p0 =	sne.s32 s28, s11;
	[sflag:s13] =	ssyncset.done $0x0  }
.Ltmp1:
0x112: {  	s29 =	sshrl.u32 s6, $0x3;
	[sflag:s13] =	ssyncadd.s32 $0xFFFFFFB0;
	(pc) =	sbr.rel @p0 .LBB2_1-.Ltmp1, $4  }
0x113: {  	[hbm:s10@s25], [sflag:s23] =	dma.strided [spmem:s29@s26], $0x50, s19, $0x10   }
0x114: {  	_ =	swait.ge [sflag:s13], $0x50  }
0x115: {  	[sflag:s13] =	ssyncset.done $0x0  }
0x116: {  	[sflag:s13] =	ssyncadd.s32 $0xFFFFFFB0  }
0x117: {  	_ =	sfence.sel $0x180000  }
0x118: {  	[bflag:$0x0] =	sbarrier.arrive $0xFFFF  }
0x119: {  	p0 =	sne.s32 s3, $0x0;
	_ =	strace $0x90000047  }
0x11a: {  	s0 =	sadd.s32 @!p0 $0x100000, s0;
	[bflag:$0x2] =	sbarrier.arrive $0xFFFF  }
0x11b: {  	[sflag:s0] =	ssyncadd.tile.s32 @!p0 $0x1;
	_ =	shalt  }
.Lfunc_end2:
_tile_overlayer_lowered:
.L_overlay_start_2:
0x11c: {  	(tag) =	ssettag $0x2  }
0x11d: {  	s0 =	rddreg [dreg:$0x0];
	s2 =	stileid.u32  }
0x11e: {  	s1 =	rddreg [dreg:$0x1];
	p0 =	sne.s32 s2, $0x0  }
0x11f: {  	s3 =	rddreg [dreg:$0x2];
	[bflag:$0x3] =	sbarrier.arrive $0xFFFF;
	s2 =	simm.s32 @!p0 $0x1C03  }
0x120: {  	[timem:s3], [sflag:s2] =	dma.local @!p0 [hbm:s0], s1  }
0x121: {  	s0 =	simm.s32 @!p0 $0x3  }
0x122: {  	_ =	swait.ge @!p0 [sflag:s0], s1  }
0x123: {  	s1 =	ssub.s32 @!p0 $0x0, s1;
	[sflag:s0] =	ssyncset.done @!p0 $0x0  }
0x124: {  	[sflag:s0] =	ssyncadd.s32 @!p0 s1  }
0x125: {  	[bflag:$0x3] =	sbarrier.arrive $0xFFFF  }
0x126: {  	_ =	shalt  }

// kernel: kernel.13.cloned.1.call-start
scs
__scs_entry_jumppad:
0x0: {  	(pc) =	sbr.rel $0x88, $3  }
0x1: {  	(tag) =	ssettag $0x0;
	lr =	simm.s32 $0x1  }
0x2: {  	[smem:$0x3F97] =	sst lr;
	_ =	strace $0xD0000000  }
0x3: {  	_ = 	snop  }
0x4: {  	_ = 	snop  }
0x5: {  	_ = 	snop  }
0x6: {  	_ = 	snop  }
0x7: {  	_ = 	snop  }
__scs_overlays_trampoline_lowered:
0x8: {  	[smem:$0x3FA6] =	sst s0  }
0x9: {  	[smem:$0x3FA7] =	sst s1  }
0xa: {  	[smem:$0x3FA8] =	sst s2  }
0xb: {  	[smem:$0x3FA9] =	sst s3  }
0xc: {  	[smem:$0x3FAA] =	sst s4  }
0xd: {  	[smem:$0x3FAB] =	sst s5  }
0xe: {  	[smem:$0x3FAC] =	sst s6  }
0xf: {  	[smem:$0x3FAD] =	sst s7  }
0x10: {  	[smem:$0x3FAE] =	sst s8  }
0x11: {  	[smem:$0x3FAF] =	sst s9;
	s0 =	simm.s32 @!p0 $0x0  }
0x12: {  	s1 =	sld [smem:$0x3F95];
	s0 =	simm.s32 @p0 $0x1  }
0x13: {  	[smem:$0x3FB0] =	sst s0;
	s0 =	simm.s32 @!p1 $0x0  }
0x14: {  	s2 =	sld [smem:$0x3F94];
	s0 =	simm.s32 @p1 $0x1  }
0x15: {  	[smem:$0x3FB1] =	sst s0;
	s0 =	simm.s32 @!p2 $0x0  }
0x16: {  	s3 =	sld [smem:$0x3FDB];
	s0 =	simm.s32 @p2 $0x1  }
0x17: {  	s4 =	simm.s32 $0x1BF5;
	[smem:$0x3FB3] =	sst s0  }
0x18: {  	s0 =	sld [smem:$0x3F96];
	_ =	swait.ge [sflag:s4], $0x0  }
0x19: {  	s7 =	sld [smem:$0x3F97]  }
0x1a: {  	s8 =	sadd.s32 $0xFFFFE003, lr  }
0x1b: {  	s9 =	sadd.s32 $0xFFFFFEF7, lr;
	s5 =	simm.s32 $0xFFFFFFFF;
	p2 =	slt.u32 s8, $0xFFFFF086  }
0x1c: {  	p1 =	slt.u32 s9, $0xF7A;
	s5 =	simm.s32 @!p2 $0x0  }
0x1d: {  	s5 =	simm.s32 @p1 $0x1;
	p0 =	seq.s32 s7, s2  }
0x1e: {  	s7 =	smul.u32 @!p0 $0xF7A, s2;
	p2 =	seq.s32 @!p0 s5, $0x0  }
0x1f: {  	s9 =	smul.u32 $0xF7A, s1;
	s8 =	simm.s32 @!p0 $0x1BF5;
	p2 =	por !p2, p0  }
0x20: {  	[sflag:s8] =	ssyncset.s32 @!p0 $0xFFFFF086;
	s6 =	sadd.s32 @!p0 s3, s7;
	s7 =	simm.s32 @!p0 $0x108  }
0x21: {  	s3 =	sadd.s32 s3, s9;
	s6 =	sadd.s32 @!p0 $0x88, s6;
	s7 =	simm.s32 @p2 $0x1082  }
0x22: {  	[simem:s7], [sflag:s8] =	dma.local @!p0 [hbm:s6], $0xF7A  }
0x23: {  	s9 =	sor.u32 $0xD0000000, s2;
	s6 =	simm.s32 $0x108;
	_ =	swait.ge @!p0 [sflag:s8], $0x0  }
0x24: {  	s3 =	sadd.s32 $0x88, s3;
	s6 =	simm.s32 @!p1 $0x1082;
	[sflag:s4] =	ssyncset.s32 $0xFFFFF086  }
0x25: {  	[simem:s6], [sflag:s4] =	dma.local [hbm:s3], $0xF7A  }
0x26: {  	[smem:$0x3F97] =	sst s1;
	(tag) =	ssettag s2;
	_ =	strace s9  }
0x27: {  	s1 =	sld [smem:$0x3FA7]  }
0x28: {  	s2 =	sld [smem:$0x3FA8]  }
0x29: {  	s4 =	sld [smem:$0x3FAA]  }
0x2a: {  	p0 =	seq.s32 s5, $0x0;
	s5 =	sld [smem:$0x3FAB]  }
0x2b: {  	s6 =	sld [smem:$0x3FAC]  }
0x2c: {  	s7 =	sld [smem:$0x3FAD]  }
0x2d: {  	s3 =	simm.s32 $0x108;
	s8 =	sld [smem:$0x3FAE]  }
0x2e: {  	s3 =	simm.s32 @!p0 $0x1082;
	s9 =	sld [smem:$0x3FAF]  }
0x2f: {  	lr =	sadd.s32 s0, s3;
	s0 =	sld [smem:$0x3FA6]  }
0x30: {  	s3 =	sld [smem:$0x3FA9]  }
0x31: {  	[smem:$0x3FB2] =	sst s10  }
0x32: {  	s10 =	sld [smem:$0x3FB0];
	_ =	sdelay $0x3  }
0x33: {  	p0 =	seq.s32 s10, $0x1;
	s10 =	sld [smem:$0x3FB2];
	_ =	sdelay $0x3  }
0x34: {  	[smem:$0x3FB2] =	sst s10  }
0x35: {  	s10 =	sld [smem:$0x3FB1];
	_ =	sdelay $0x3  }
0x36: {  	p1 =	seq.s32 s10, $0x1;
	s10 =	sld [smem:$0x3FB2];
	_ =	sdelay $0x3  }
0x37: {  	[smem:$0x3FB2] =	sst s10  }
0x38: {  	s10 =	sld [smem:$0x3FB3]  }
0x39: {  	_ = 	snop;
	(pc) =	sbr.ind lr, $3  }
0x3a: {  	_ = 	snop  }
0x3b: {  	_ = 	snop  }
0x3c: {  	p2 =	seq.s32 s10, $0x1;
	s10 =	sld [smem:$0x3FB2]  }
0x3d: {  	_ =	shalt  }
0x3e: {  	_ =	shalt  }
0x3f: {  	_ =	shalt  }
0x40: {  	_ =	shalt  }
0x41: {  	_ =	shalt  }
0x42: {  	_ =	shalt  }
0x43: {  	_ =	shalt  }
0x44: {  	_ =	shalt  }
0x45: {  	_ =	shalt  }
0x46: {  	_ =	shalt  }
0x47: {  	_ =	shalt  }
0x48: {  	_ =	shalt  }
0x49: {  	_ =	shalt  }
0x4a: {  	_ =	shalt  }
0x4b: {  	_ =	shalt  }
0x4c: {  	_ =	shalt  }
0x4d: {  	_ =	shalt  }
0x4e: {  	_ =	shalt  }
0x4f: {  	_ =	shalt  }
0x50: {  	_ =	shalt  }
0x51: {  	_ =	shalt  }
0x52: {  	_ =	shalt  }
0x53: {  	_ =	shalt  }
0x54: {  	_ =	shalt  }
0x55: {  	_ =	shalt  }
0x56: {  	_ =	shalt  }
0x57: {  	_ =	shalt  }
0x58: {  	_ =	shalt  }
0x59: {  	_ =	shalt  }
0x5a: {  	_ =	shalt  }
0x5b: {  	_ =	shalt  }
0x5c: {  	_ =	shalt  }
0x5d: {  	_ =	shalt  }
0x5e: {  	_ =	shalt  }
0x5f: {  	_ =	shalt  }
0x60: {  	_ =	shalt  }
0x61: {  	_ =	shalt  }
0x62: {  	_ =	shalt  }
0x63: {  	_ =	shalt  }
0x64: {  	_ =	shalt  }
0x65: {  	_ =	shalt  }
0x66: {  	_ =	shalt  }
0x67: {  	_ =	shalt  }
0x68: {  	_ =	shalt  }
0x69: {  	_ =	shalt  }
0x6a: {  	_ =	shalt  }
0x6b: {  	_ =	shalt  }
0x6c: {  	_ =	shalt  }
0x6d: {  	_ =	shalt  }
0x6e: {  	_ =	shalt  }
0x6f: {  	_ =	shalt  }
0x70: {  	_ =	shalt  }
0x71: {  	_ =	shalt  }
0x72: {  	_ =	shalt  }
0x73: {  	_ =	shalt  }
0x74: {  	_ =	shalt  }
0x75: {  	_ =	shalt  }
0x76: {  	_ =	shalt  }
0x77: {  	_ =	shalt  }
0x78: {  	_ =	shalt  }
0x79: {  	_ =	shalt  }
0x7a: {  	_ =	shalt  }
0x7b: {  	_ =	shalt  }
0x7c: {  	_ =	shalt  }
0x7d: {  	_ =	shalt  }
0x7e: {  	_ =	shalt  }
0x7f: {  	_ =	shalt  }
0x80: {  	_ =	shalt  }
0x81: {  	_ =	shalt  }
0x82: {  	_ =	shalt  }
0x83: {  	_ =	shalt  }
0x84: {  	_ =	shalt  }
0x85: {  	_ =	shalt  }
0x86: {  	_ =	shalt  }
0x87: {  	_ =	shalt  }
.Lfunc_end0:
.L_simem_size_0:
called_computation.1_lowered:
.L_overlay_start_0:
0x88: {  	s2 =	sld [smem:$0x3FD9]  }
0x89: {  	s3 =	sld [smem:$0x3FFE];
	_ =	sdelay $0x1  }
0x8a: {  	s1 =	srdreg.scid  }
0x8b: {  	s0 =	sand.u32 $0x1, s1  }
0x8c: {  	s16 =	sshll.u32 s0, $0xA;
	s2 =	sadd.s32 s3, s2  }
0x8d: {  	s2 =	sadd.s32 s2, s16  }
0x8e: {  	[smem:$0x3FBE] =	sst s2  }
0x8f: {  	_ = 	snop  }
0x90: {  	(tm) =	ssettm $0x1  }
0x91: {  	s17 =	sld [smem:$0x3FFB];
	_ =	sdelay $0x3  }
0x92: {  	_ =	strace s17  }
0x93: {  	s2 =	sld [smem:$0x3FFC];
	_ =	sdelay $0x3  }
0x94: {  	_ =	strace s2  }
0x95: {  	s2 =	sld [smem:$0x3FFD];
	_ =	sdelay $0x3  }
0x96: {  	_ =	strace s2  }
0x97: {  	_ =	strace $0x8FFFFFFF  }
0x98: {  	s18 =	sld [smem:$0x3FDB];
	_ =	sdelay $0x1  }
0x99: {  	s19 =	simm.s32 $_scs_section_size  }
0x9a: {  	s4 =	simm.s32 $_size__tile_overlayer_lowered;
	s5 =	simm.s32 $_tile_overlayer_lowered  }
0x9b: {  	s22 =	simm.s32 $0x1BFF;
	s21 =	sshll.u32 s5, $0x1;
	s2 =	sadd.s32 s19, s18  }
0x9c: {  	s6 =	simm.s32 $0x0;
	s20 =	sshll.u32 s4, $0x1;
	s4 =	sadd.s32 s21, s2  }
0x9d: {  	[timem:s6], [sflag:s22] =	dma.local [hbm:s4], s20  }
0x9e: {  	_ =	swait.ge [sflag:s22], s20  }
0x9f: {  	s3 =	ssub.s32 $0x0, s20;
	[sflag:s22] =	ssyncset.done $0x0  }
0xa0: {  	[sflag:s22] =	ssyncadd.s32 s3;
	_ =	sdelay $0x1  }
0xa1: {  	s23 =	simm.s32 $0x1B8B  }
0xa2: {  	_ =	swait.ge [sflag:s23], $0x1  }
0xa3: {  	[sflag:s23] =	ssyncset.done $0x0  }
0xa4: {  	s25 =	simm.s32 $0x1B8E;
	s24 =	sld [smem:$0x3FFE];
	[sflag:s23] =	ssyncadd.s32 $0xFFFFFFFF  }
0xa5: {  	s26 =	simm.s32 $execute0_lowered;
	[smem:$0x3FD2] =	sst s25  }
0xa6: {  	s4 =	sshll.u32 s26, $0x1;
	_ =	strace $0x80000049;
	[dreg:$0x1] =	wrdreg $0xFFFFFFFF  }
0xa7: {  	s28 =	simm.s32 $_size_execute0_lowered;
	s2 =	sadd.s32 s2, s4;
	[dreg:$0x0] =	wrdreg $0x0  }
0xa8: {  	s4 =	sshll.u32 s28, $0x1;
	[dreg:$0x2] =	wrdreg s2  }
0xa9: {  	[dreg:$0x3] =	wrdreg s4  }
0xaa: {  	[dreg:$0x4] =	wrdreg $0xC0  }
0xab: {  	_ =	task [dreg:s6], $0x5FFFF  }
0xac: {  	[dreg:$0x1] =	wrdreg $0xFFFFFFFF  }
0xad: {  	[dreg:$0x0] =	wrdreg $0x60  }
0xae: {  	[dreg:$0x2] =	wrdreg s24  }
0xaf: {  	[dreg:$0x3] =	wrdreg $0x52000  }
0xb0: {  	[dreg:$0x4] =	wrdreg $0x9  }
0xb1: {  	_ =	task.clear_ibuf [dreg:s6], $0x5FFFF;
	_ =	strace $0x90000049  }
0xb2: {  	s29 =	simm.s32 $0x9;
	_ =	strace $0x8000004B  }
0xb3: {  	_ =	swait.ge [sflag:s29], $0x1  }
0xb4: {  	[sflag:s29] =	ssyncadd.s32 $0xFFFFFFFF  }
0xb5: {  	_ =	strace $0x9000004B  }
0xb6: {  	_ =	sfence  }
0xb7: {  	s30 =	sld [smem:$0x0];
	_ =	sdelay $0x2  }
0xb8: {  	s31 =	sshll.u32 s1, $0xD;
	s1 =	sshrl.u32 s1, $0x2  }
0xb9: {  	s3 =	sand.u32 $0x4000, s31;
	s1 =	sadd.s32 s1, s30  }
0xba: {  	s0 =	sor.u32 s3, s0;
	s1 =	sshll.u32 s1, $0x11  }
0xbb: {  	s0 =	sor.u32 s1, s0  }
0xbc: {  	s0 =	sadd.s32 $0x8F2B, s0  }
0xbd: {  	[sflag:s0] =	ssyncadd.remote.s32 $0x1  }
0xbe: {  	_ =	sfence.sel $0xFFFF  }
0xbf: {  	[dreg:$0x0] =	wrdreg $0xFFFFFFFF;
	(pc) =	sbr.abs _section_cstart, $3  }
0xc0: {  	[dreg:$0x1] =	wrdreg $0xFFFFFFFF  }
0xc1: {  	_ =	task.clear_ibuf [dreg:s6], $0x2FFFF;
	_ =	strace $0x9FFFFFFF  }
0xc2: {  	(tm) =	ssettm $0x7FFFFFFF  }
0xc3: {  	_ =	shalt  }
tec
execute0_lowered:
.L_overlay_start_1:
0x0: {  	(tag) =	ssettag $0x1  }
0x1: {  	s0 =	rddreg [dreg:$0x0]  }
0x2: {  	s1 =	rddreg [dreg:$0x1];
	s2 =	srdreg.scid;
	s3 =	simm.s32 $0x0  }
0x3: {  	s11 =	stileid.u32;
	s28 =	simm.s32 $0x5;
	s29 =	simm.s32 $0x80  }
0x4: {  	s30 =	simm.s32 $0x100;
	s31 =	simm.s32 $0x180;
	s7 =	smul.u32 $0x14000, s11  }
0x5: {  	s2 =	sand.u32 $0x1, s2;
	[smem:$0x7FF] =	sst s3;
	s14 =	smul.u32 $0x50000, s11  }
0x6: {  	s4 =	sadd.s32 $0x67000, s0;
	s5 =	sadd.s32 $0xD200, s0;
	s20 =	smul.u32 $0x2710, s11  }
0x7: {  	s6 =	smul.u32 $0x140000, s2;
	_ =	strace $0x8000004A;
	s8 =	sshll.u32 s2, $0x4  }
0x8: {  	s9 =	ssub.s32 $0x2, s2;
	s17 =	smul.u32 $0x27100, s2;
	s2 =	simm.s32 $0x50  }
0x9: {  	s10 =	sor.u32 s11, s8;
	s13 =	sshrl.u32 s9, $0x1;
	s11 =	simm.s32 $0x0  }
0xa: {  	s6 =	sadd.s32 s7, s6;
	s7 =	smul.u32 $0x2710, s10;
	s8 =	ssub.s32 s9, s13  }
0xb: {  	s9 =	sshrl.u32 s14, $0x2;
	s12 =	sshrl.u32 s6, $0x3;
	s6 =	sadd.s32 $0x3400, s0  }
0xc: {  	s18 =	smax.u32 s8, $0x1;
	s8 =	simm.s32 $0x1;
	s7 =	sshrl.u32 s7, $0x3  }
0xd: {  	s0 =	sadd.s32 s12, s0;
	[dreg:$0x8] =	wrdreg s18;
	s10 =	sadd.s32 s5, s7  }
0xe: {  	s15 =	sadd.s32 s6, s7;
	s16 =	sadd.s32 $0xA, s7;
	[dreg:$0x3] =	wrdreg s10  }
0xf: {  	s0 =	sadd.s32 $0x8F000, s0;
	s24 =	sadd.s32 $0x4D8, s7;
	[dreg:$0x4] =	wrdreg s15  }
0x10: {  	s7 =	simm.s32 $0x4;
	s12 =	sadd.s32 s5, s16;
	[dreg:$0x7] =	wrdreg s0  }
0x11: {  	s10 =	sadd.s32 s6, s16;
	s0 =	sadd.s32 s20, s17;
	[dreg:$0x5] =	wrdreg s12  }
0x12: {  	[dreg:$0x6] =	wrdreg s10;
	s12 =	sadd.s32 s9, s1;
	s25 =	sadd.s32 $0xF0, s0  }
0x13: {  	s9 =	simm.s32 $0x2A00;
	s10 =	simm.s32 $0x2;
	s19 =	sadd.s32 $0x2800, s12  }
0x14: {  	s21 =	sadd.s32 $0x5000, s12;
	s22 =	sadd.s32 $0x7800, s12;
	[dreg:$0x9] =	wrdreg s19  }
0x15: {  	s23 =	sadd.s32 $0xA000, s12;
	s18 =	sadd.s32 $0xC800, s12;
	[dreg:$0xa] =	wrdreg s21  }
0x16: {  	s20 =	sadd.s32 $0x11800, s12;
	s26 =	sshrl.u32 s25, $0x3;
	[dreg:$0xb] =	wrdreg s22  }
0x17: {  	s25 =	sadd.s32 $0xA0, s0;
	s0 =	simm.s32 $0x3;
	[dreg:$0xc] =	wrdreg s23  }
0x18: {  	s19 =	sadd.s32 $0xF000, s12;
	s21 =	sadd.s32 s5, s24;
	s22 =	sadd.s32 s6, s24  }
0x19: {  	v0 =	vimm.f32 $0.0e+00;
	s23 =	sadd.s32 s26, s6;
	s24 =	sadd.s32 s26, s5;
	s26 =	simm.s32 $0x200  }
.LBB2_1:
0x1a: {  	s13 =	simm.s32 $0x70;
	s14 =	simm.s32 $0x3C0  }
.LBB2_2:
0x1b: {  	p0 =	sne.s32 s14, $0x9FC0;
	[tilespmem:s13+$0x200] =	vst v0  }
0x1c: {  	[tilespmem:s13+$0x190] =	vst v0  }
0x1d: {  	[tilespmem:s13+$0x1A0] =	vst v0  }
.Ltmp0:
0x1e: {  	[tilespmem:s13+$0x1B0] =	vst v0;
	(pc) =	sbr.rel @p0 .LBB2_2-.Ltmp0, $4  }
0x1f: {  	[tilespmem:s13+$0x1C0] =	vst v0  }
0x20: {  	[tilespmem:s13+$0x1D0] =	vst v0  }
0x21: {  	[tilespmem:s13+$0x1E0] =	vst v0  }
0x22: {  	[tilespmem:s13+$0x1F0] =	vst v0;
	s13 =	sshra.s32 s14, $0x2;
	s14 =	sadd.s32 $0x200, s14  }
0x23: {  	[tilespmem:s13+$0x200] =	vst v0  }
0x24: {  	[tilespmem:s13+$0x190] =	vst v0  }
0x25: {  	[tilespmem:s13+$0x1A0] =	vst v0  }
0x26: {  	[tilespmem:s13+$0x1B0] =	vst v0  }
0x27: {  	[tilespmem:s13+$0x1C0] =	vst v0  }
0x28: {  	[tilespmem:s13+$0x1D0] =	vst v0  }
0x29: {  	[tilespmem:s13+$0x1E0] =	vst v0  }
0x2a: {  	[tilespmem:s13+$0x1F0] =	vst v0  }
0x2b: {  	[spmem:s12] =	stream.linear.scatter [tilespmem:s26], [sflag:$0x5], $0x2800, $0x38;
	[tilespmem:$0x19200] =	vst v63  }
0x2c: {  	_ =	swait.ge [sflag:s28], $0x2800  }
0x2d: {  	[sflag:s28] =	ssyncset.done $0x0  }
0x2e: {  	s15 =	rddreg [dreg:$0x9];
	[sflag:s28] =	ssyncadd.s32 $0xFFFFD800  }
0x2f: {  	[spmem:s15] =	stream.linear.scatter [tilespmem:s26], [sflag:$0x5], $0x2800, $0x38;
	[tilespmem:$0x19200] =	vst v63  }
0x30: {  	_ =	swait.ge [sflag:s28], $0x2800  }
0x31: {  	[sflag:s28] =	ssyncset.done $0x0  }
0x32: {  	s16 =	rddreg [dreg:$0xa];
	[sflag:s28] =	ssyncadd.s32 $0xFFFFD800  }
0x33: {  	[spmem:s16] =	stream.linear.scatter [tilespmem:s26], [sflag:$0x5], $0x2800, $0x38;
	[tilespmem:$0x19200] =	vst v63  }
0x34: {  	_ =	swait.ge [sflag:s28], $0x2800  }
0x35: {  	[sflag:s28] =	ssyncset.done $0x0  }
0x36: {  	s17 =	rddreg [dreg:$0xb];
	[sflag:s28] =	ssyncadd.s32 $0xFFFFD800  }
0x37: {  	[spmem:s17] =	stream.linear.scatter [tilespmem:s26], [sflag:$0x5], $0x2800, $0x38;
	[tilespmem:$0x19200] =	vst v63  }
0x38: {  	_ =	swait.ge [sflag:s28], $0x2800  }
0x39: {  	[sflag:s28] =	ssyncset.done $0x0  }
0x3a: {  	s14 =	rddreg [dreg:$0xc];
	[sflag:s28] =	ssyncadd.s32 $0xFFFFD800  }
0x3b: {  	[spmem:s14] =	stream.linear.scatter [tilespmem:s26], [sflag:$0x5], $0x2800, $0x38;
	[tilespmem:$0x19200] =	vst v63  }
0x3c: {  	_ =	swait.ge [sflag:s28], $0x2800  }
0x3d: {  	[sflag:s28] =	ssyncset.done $0x0  }
0x3e: {  	[sflag:s28] =	ssyncadd.s32 $0xFFFFD800  }
0x3f: {  	[spmem:s18] =	stream.linear.scatter [tilespmem:s26], [sflag:$0x5], $0x2800, $0x38;
	[tilespmem:$0x19200] =	vst v63  }
0x40: {  	_ =	swait.ge [sflag:s28], $0x2800  }
0x41: {  	[sflag:s28] =	ssyncset.done $0x0  }
0x42: {  	[sflag:s28] =	ssyncadd.s32 $0xFFFFD800  }
0x43: {  	[spmem:s19] =	stream.linear.scatter [tilespmem:s26], [sflag:$0x5], $0x2800, $0x38;
	[tilespmem:$0x19200] =	vst v63  }
0x44: {  	_ =	swait.ge [sflag:s28], $0x2800  }
0x45: {  	[sflag:s28] =	ssyncset.done $0x0  }
0x46: {  	[sflag:s28] =	ssyncadd.s32 $0xFFFFD800  }
0x47: {  	[spmem:s20] =	stream.linear.scatter [tilespmem:s26], [sflag:$0x5], $0x2800, $0x38;
	[tilespmem:$0x19200] =	vst v63  }
0x48: {  	_ =	swait.ge [sflag:s28], $0x2800  }
0x49: {  	[sflag:s28] =	ssyncset.done $0x0  }
0x4a: {  	[sflag:s28] =	ssyncadd.s32 $0xFFFFD800  }
0x4b: {  	[bflag:$0x0] =	sbarrier.arrive $0xFFFF  }
0x4c: {  	s13 =	simm.s32 $0x0;
	s14 =	rddreg [dreg:$0x3]  }
0x4d: {  	[tilespmem:s13], [sflag:$0x3] =	stream.linear.gather [hbm4b:s14+s13], $0x50, $0x38;
	[tilespmem:$0x19200] =	vst v63  }
0x4e: {  	s15 =	rddreg [dreg:$0x4]  }
0x4f: {  	[tilespmem:s29], [sflag:$0x3] =	stream.linear.gather [hbm4b:s15+s13], $0x50, $0x38;
	[tilespmem:$0x19200] =	vst v63  }
0x50: {  	s16 =	rddreg [dreg:$0x5]  }
0x51: {  	[tilespmem:s30], [sflag:$0x4] =	stream.linear.gather [hbm4b:s16+s13], $0x50, $0x38;
	[tilespmem:$0x19200] =	vst v63  }
0x52: {  	s17 =	rddreg [dreg:$0x6]  }
0x53: {  	[tilespmem:s31], [sflag:$0x4] =	stream.linear.gather [hbm4b:s17+s13], $0x50, $0x38;
	[tilespmem:$0x19200] =	vst v63  }
0x54: {  	_ =	swait.ge [sflag:s0], $0x50  }
0x55: {  	[sflag:s0] =	ssyncset.done $0x0  }
0x56: {  	[sflag:s0] =	ssyncadd.s32 $0xFFFFFFB0  }
0x57: {  	_ =	swait.ge [sflag:s0], $0x50  }
0x58: {  	[sflag:s0] =	ssyncset.done $0x0  }
0x59: {  	[sflag:s0] =	ssyncadd.s32 $0xFFFFFFB0  }
0x5a: {  	[tilespmem:s26], [sflag:$0x1] =	stream.indirect.gather [hbm4b:s4+s2], $0x80, s13, s2, $0xb8;
	[tilespmem:$0x19200] =	vst v63  }
0x5b: {  	_ =	swait.ge [sflag:s7], $0x50  }
0x5c: {  	[sflag:s7] =	ssyncset.done $0x0  }
0x5d: {  	[sflag:s7] =	ssyncadd.s32 $0xFFFFFFB0  }
0x5e: {  	_ =	swait.ge [sflag:s7], $0x50  }
0x5f: {  	[sflag:s7] =	ssyncset.done $0x0  }
0x60: {  	[sflag:s7] =	ssyncadd.s32 $0xFFFFFFB0  }
0x61: {  	_ =	swait.ge [sflag:s8], $0x2800  }
0x62: {  	[sflag:s8] =	ssyncset.done $0x0  }
0x63: {  	[sflag:s8] =	ssyncadd.s32 $0xFFFFD800  }
0x64: {  	[tilespmem:s9], [sflag:$0x2] =	stream.indirect.gather [hbm4b:s4+s2], $0x80, s30, s2, $0xb8;
	[tilespmem:$0x19200] =	vst v63  }
0x65: {  	_ = 	snop  }
0x66: {  	[spmem:s1] =	stream.indirect.scatter.add.f32 [tilespmem:s26], [sflag:$0x5], $0x80, s29, s2, $0xb8;
	[tilespmem:$0x19200] =	vst v63  }
0x67: {  	_ =	swait.ge [sflag:s28], $0x2800  }
0x68: {  	s15 =	sshrl.u32 s25, $0x3;
	[sflag:s28] =	ssyncset.done $0x0  }
0x69: {  	s16 =	sadd.s32 s5, s15;
	[sflag:s28] =	ssyncadd.s32 $0xFFFFD800  }
0x6a: {  	[tilespmem:s3], [sflag:$0x3] =	stream.linear.gather [hbm4b:s16+s3], $0x50, $0x38;
	[tilespmem:$0x19200] =	vst v63  }
0x6b: {  	s13 =	sadd.s32 s6, s15  }
0x6c: {  	[tilespmem:s29], [sflag:$0x3] =	stream.linear.gather [hbm4b:s13+s3], $0x50, $0x38;
	[tilespmem:$0x19200] =	vst v63  }
0x6d: {  	_ =	swait.ge [sflag:s0], $0x50  }
0x6e: {  	[sflag:s0] =	ssyncset.done $0x0  }
0x6f: {  	[sflag:s0] =	ssyncadd.s32 $0xFFFFFFB0  }
0x70: {  	_ =	swait.ge [sflag:s0], $0x50  }
0x71: {  	[sflag:s0] =	ssyncset.done $0x0  }
0x72: {  	[sflag:s0] =	ssyncadd.s32 $0xFFFFFFB0  }
0x73: {  	_ =	swait.ge [sflag:s10], $0x2800  }
0x74: {  	[sflag:s10] =	ssyncset.done $0x0  }
0x75: {  	[sflag:s10] =	ssyncadd.s32 $0xFFFFD800  }
0x76: {  	[tilespmem:s26], [sflag:$0x1] =	stream.indirect.gather [hbm4b:s4+s2], $0x80, s3, s2, $0xb8;
	[tilespmem:$0x19200] =	vst v63  }
0x77: {  	_ = 	snop  }
0x78: {  	[spmem:s1] =	stream.indirect.scatter.add.f32 [tilespmem:s9], [sflag:$0x5], $0x80, s31, s2, $0xb8;
	[tilespmem:$0x19200] =	vst v63  }
0x79: {  	_ =	swait.ge [sflag:s28], $0x2800  }
0x7a: {  	s14 =	sadd.s32 $0xA0, s25;
	s17 =	sadd.s32 $0x0, s24;
	[sflag:s28] =	ssyncset.done $0x0  }
0x7b: {  	s15 =	sadd.s32 $0x0, s23;
	s13 =	simm.s32 $0x14;
	[sflag:s28] =	ssyncadd.s32 $0xFFFFD800  }
0x7c: {  	[tilespmem:s30], [sflag:$0x4] =	stream.linear.gather [hbm4b:s17+s3], $0x50, $0x38;
	[tilespmem:$0x19200] =	vst v63  }
.LBB2_4:
0x7d: {  	[tilespmem:s31], [sflag:$0x4] =	stream.linear.gather [hbm4b:s15+s3], $0x50, $0x38;
	[tilespmem:$0x19200] =	vst v63  }
0x7e: {  	s15 =	smov.u32 s13  }
0x7f: {  	p0 =	sne.s32 s13, $0x4B0;
	s13 =	sadd.s32 $0x14, s13;
	_ =	swait.ge [sflag:s7], $0x50  }
0x80: {  	[sflag:s7] =	ssyncset.done $0x0  }
0x81: {  	[sflag:s7] =	ssyncadd.s32 $0xFFFFFFB0  }
0x82: {  	_ =	swait.ge [sflag:s7], $0x50  }
0x83: {  	[sflag:s7] =	ssyncset.done $0x0  }
0x84: {  	[sflag:s7] =	ssyncadd.s32 $0xFFFFFFB0  }
0x85: {  	_ =	swait.ge [sflag:s8], $0x2800  }
0x86: {  	[sflag:s8] =	ssyncset.done $0x0  }
0x87: {  	[sflag:s8] =	ssyncadd.s32 $0xFFFFD800  }
0x88: {  	[tilespmem:s9], [sflag:$0x2] =	stream.indirect.gather [hbm4b:s4+s2], $0x80, s30, s2, $0xb8;
	[tilespmem:$0x19200] =	vst v63  }
0x89: {  	_ = 	snop  }
0x8a: {  	[spmem:s1] =	stream.indirect.scatter.add.f32 [tilespmem:s26], [sflag:$0x5], $0x80, s29, s2, $0xb8;
	[tilespmem:$0x19200] =	vst v63  }
0x8b: {  	_ =	swait.ge [sflag:s28], $0x2800  }
0x8c: {  	s16 =	sshrl.u32 s14, $0x3;
	[sflag:s28] =	ssyncset.done $0x0  }
0x8d: {  	s17 =	sadd.s32 s5, s16;
	[sflag:s28] =	ssyncadd.s32 $0xFFFFD800  }
0x8e: {  	[tilespmem:s3], [sflag:$0x3] =	stream.linear.gather [hbm4b:s17+s3], $0x50, $0x38;
	[tilespmem:$0x19200] =	vst v63  }
0x8f: {  	s16 =	sadd.s32 s6, s16  }
0x90: {  	[tilespmem:s29], [sflag:$0x3] =	stream.linear.gather [hbm4b:s16+s3], $0x50, $0x38;
	[tilespmem:$0x19200] =	vst v63  }
0x91: {  	_ =	swait.ge [sflag:s0], $0x50  }
0x92: {  	[sflag:s0] =	ssyncset.done $0x0  }
0x93: {  	[sflag:s0] =	ssyncadd.s32 $0xFFFFFFB0  }
0x94: {  	_ =	swait.ge [sflag:s0], $0x50  }
0x95: {  	[sflag:s0] =	ssyncset.done $0x0  }
0x96: {  	[sflag:s0] =	ssyncadd.s32 $0xFFFFFFB0  }
0x97: {  	_ =	swait.ge [sflag:s10], $0x2800  }
0x98: {  	[sflag:s10] =	ssyncset.done $0x0  }
0x99: {  	[sflag:s10] =	ssyncadd.s32 $0xFFFFD800  }
0x9a: {  	[tilespmem:s26], [sflag:$0x1] =	stream.indirect.gather [hbm4b:s4+s2], $0x80, s3, s2, $0xb8;
	[tilespmem:$0x19200] =	vst v63  }
0x9b: {  	_ = 	snop  }
0x9c: {  	[spmem:s1] =	stream.indirect.scatter.add.f32 [tilespmem:s9], [sflag:$0x5], $0x80, s31, s2, $0xb8;
	[tilespmem:$0x19200] =	vst v63  }
.Ltmp1:
0x9d: {  	_ =	swait.ge [sflag:s28], $0x2800;
	(pc) =	sbr.rel @p0 .LBB2_4-.Ltmp1, $4  }
0x9e: {  	[sflag:s28] =	ssyncset.done $0x0  }
0x9f: {  	s16 =	sadd.s32 s15, s24;
	[sflag:s28] =	ssyncadd.s32 $0xFFFFD800  }
0xa0: {  	[tilespmem:s30], [sflag:$0x4] =	stream.linear.gather [hbm4b:s16+s3], $0x50, $0x38;
	[tilespmem:$0x19200] =	vst v63  }
0xa1: {  	s14 =	sadd.s32 $0xA0, s14;
	s15 =	sadd.s32 s15, s23  }
0xa2: {  	[tilespmem:s31], [sflag:$0x4] =	stream.linear.gather [hbm4b:s15+s3], $0x50, $0x38;
	[tilespmem:$0x19200] =	vst v63  }
0xa3: {  	_ =	swait.ge [sflag:s7], $0x50  }
0xa4: {  	[sflag:s7] =	ssyncset.done $0x0  }
0xa5: {  	[sflag:s7] =	ssyncadd.s32 $0xFFFFFFB0  }
0xa6: {  	_ =	swait.ge [sflag:s7], $0x50  }
0xa7: {  	[sflag:s7] =	ssyncset.done $0x0  }
0xa8: {  	[sflag:s7] =	ssyncadd.s32 $0xFFFFFFB0  }
0xa9: {  	_ =	swait.ge [sflag:s8], $0x2800  }
0xaa: {  	[sflag:s8] =	ssyncset.done $0x0  }
0xab: {  	[sflag:s8] =	ssyncadd.s32 $0xFFFFD800  }
0xac: {  	[tilespmem:s9], [sflag:$0x2] =	stream.indirect.gather [hbm4b:s4+s2], $0x80, s30, s2, $0xb8;
	[tilespmem:$0x19200] =	vst v63  }
0xad: {  	_ = 	snop  }
0xae: {  	[spmem:s1] =	stream.indirect.scatter.add.f32 [tilespmem:s26], [sflag:$0x5], $0x80, s29, s2, $0xb8;
	[tilespmem:$0x19200] =	vst v63  }
0xaf: {  	_ =	swait.ge [sflag:s28], $0x2800  }
0xb0: {  	[sflag:s28] =	ssyncset.done $0x0  }
0xb1: {  	[sflag:s28] =	ssyncadd.s32 $0xFFFFD800  }
0xb2: {  	[tilespmem:s3], [sflag:$0x3] =	stream.linear.gather [hbm4b:s21+s3], $0x50, $0x38;
	[tilespmem:$0x19200] =	vst v63  }
0xb3: {  	_ = 	snop  }
0xb4: {  	[tilespmem:s29], [sflag:$0x3] =	stream.linear.gather [hbm4b:s22+s3], $0x50, $0x38;
	[tilespmem:$0x19200] =	vst v63  }
0xb5: {  	_ =	swait.ge [sflag:s0], $0x50  }
0xb6: {  	[sflag:s0] =	ssyncset.done $0x0  }
0xb7: {  	[sflag:s0] =	ssyncadd.s32 $0xFFFFFFB0  }
0xb8: {  	_ =	swait.ge [sflag:s0], $0x50  }
0xb9: {  	[sflag:s0] =	ssyncset.done $0x0  }
0xba: {  	[sflag:s0] =	ssyncadd.s32 $0xFFFFFFB0  }
0xbb: {  	_ =	swait.ge [sflag:s10], $0x2800  }
0xbc: {  	[sflag:s10] =	ssyncset.done $0x0  }
0xbd: {  	[sflag:s10] =	ssyncadd.s32 $0xFFFFD800  }
0xbe: {  	[tilespmem:s26], [sflag:$0x1] =	stream.indirect.gather [hbm4b:s4+s2], $0x80, s3, s2, $0xb8;
	[tilespmem:$0x19200] =	vst v63  }
0xbf: {  	_ = 	snop  }
0xc0: {  	[spmem:s1] =	stream.indirect.scatter.add.f32 [tilespmem:s9], [sflag:$0x5], $0x80, s31, s2, $0xb8;
	[tilespmem:$0x19200] =	vst v63  }
0xc1: {  	_ =	swait.ge [sflag:s28], $0x2800  }
0xc2: {  	[sflag:s28] =	ssyncset.done $0x0  }
0xc3: {  	[sflag:s28] =	ssyncadd.s32 $0xFFFFD800  }
0xc4: {  	_ =	swait.ge [sflag:s8], $0x2800  }
0xc5: {  	[sflag:s8] =	ssyncset.done $0x0  }
0xc6: {  	[sflag:s8] =	ssyncadd.s32 $0xFFFFD800  }
0xc7: {  	[spmem:s1] =	stream.indirect.scatter.add.f32 [tilespmem:s26], [sflag:$0x5], $0x80, s29, s2, $0xb8;
	[tilespmem:$0x19200] =	vst v63  }
0xc8: {  	_ =	swait.ge [sflag:s28], $0x2800  }
0xc9: {  	[sflag:s28] =	ssyncset.done $0x0  }
0xca: {  	s13 =	stileid.u32;
	[sflag:s28] =	ssyncadd.s32 $0xFFFFD800  }
0xcb: {  	s13 =	sshll.u32 s13, $0x6;
	[bflag:$0x0] =	sbarrier.arrive $0xFFFF  }
0xcc: {  	s14 =	sshrl.u32 s12, $0x3;
	s13 =	sor.u32 $0x1C05, s13;
	s16 =	rddreg [dreg:$0x7]  }
0xcd: {  	[hbm:s16], [sflag:s13] =	dma.local [spmem:s14], $0x2800  }
0xce: {  	_ =	swait.ge [sflag:s28], $0x2800  }
0xcf: {  	s11 =	sadd.s32 $0x1, s11;
	s17 =	rddreg [dreg:$0x8]  }
0xd0: {  	p0 =	sne.s32 s11, s17  }
.Ltmp2:
0xd1: {  	_ = 	snop;
	(pc) =	sbr.rel @p0 .LBB2_1-.Ltmp2, $3  }
0xd2: {  	_ =	sdelay $0x1  }
0xd3: {  	[sflag:s28] =	ssyncset.done $0x0  }
0xd4: {  	[sflag:s28] =	ssyncadd.s32 $0xFFFFD800  }
0xd5: {  	_ =	sfence.sel $0x180000  }
0xd6: {  	[bflag:$0x0] =	sbarrier.arrive $0xFFFF  }
0xd7: {  	_ =	strace $0x9000004A  }
0xd8: {  	s0 =	stileid.u32;
	[bflag:$0x2] =	sbarrier.arrive $0xFFFF  }
0xd9: {  	p0 =	sne.s32 s0, $0x0;
	s0 =	rddreg [dreg:$0x2]  }
0xda: {  	s0 =	sadd.s32 @!p0 $0x100000, s0  }
0xdb: {  	[sflag:s0] =	ssyncadd.tile.s32 @!p0 $0x1;
	_ =	shalt  }
.Lfunc_end2:
_tile_overlayer_lowered:
.L_overlay_start_2:
0xdc: {  	(tag) =	ssettag $0x2  }
0xdd: {  	s0 =	rddreg [dreg:$0x0];
	s2 =	stileid.u32  }
0xde: {  	s1 =	rddreg [dreg:$0x1];
	p0 =	sne.s32 s2, $0x0  }
0xdf: {  	s3 =	rddreg [dreg:$0x2];
	[bflag:$0x3] =	sbarrier.arrive $0xFFFF;
	s2 =	simm.s32 @!p0 $0x1C05  }
0xe0: {  	[timem:s3], [sflag:s2] =	dma.local @!p0 [hbm:s0], s1  }
0xe1: {  	s0 =	simm.s32 @!p0 $0x5  }
0xe2: {  	_ =	swait.ge @!p0 [sflag:s0], s1  }
0xe3: {  	s1 =	ssub.s32 @!p0 $0x0, s1;
	[sflag:s0] =	ssyncset.done @!p0 $0x0  }
0xe4: {  	[sflag:s0] =	ssyncadd.s32 @!p0 s1  }
0xe5: {  	[bflag:$0x3] =	sbarrier.arrive $0xFFFF  }
0xe6: {  	_ =	shalt  }

// kernel: kernel.16.cloned.1.call-start
scs
__scs_entry_jumppad:
0x0: {  	(pc) =	sbr.rel $0x88, $3  }
0x1: {  	(tag) =	ssettag $0x0;
	lr =	simm.s32 $0x1  }
0x2: {  	[smem:$0x3F97] =	sst lr;
	_ =	strace $0xD0000000  }
0x3: {  	_ = 	snop  }
0x4: {  	_ = 	snop  }
0x5: {  	_ = 	snop  }
0x6: {  	_ = 	snop  }
0x7: {  	_ = 	snop  }
__scs_overlays_trampoline_lowered:
0x8: {  	[smem:$0x3FA6] =	sst s0  }
0x9: {  	[smem:$0x3FA7] =	sst s1  }
0xa: {  	[smem:$0x3FA8] =	sst s2  }
0xb: {  	[smem:$0x3FA9] =	sst s3  }
0xc: {  	[smem:$0x3FAA] =	sst s4  }
0xd: {  	[smem:$0x3FAB] =	sst s5  }
0xe: {  	[smem:$0x3FAC] =	sst s6  }
0xf: {  	[smem:$0x3FAD] =	sst s7  }
0x10: {  	[smem:$0x3FAE] =	sst s8  }
0x11: {  	[smem:$0x3FAF] =	sst s9;
	s0 =	simm.s32 @!p0 $0x0  }
0x12: {  	s1 =	sld [smem:$0x3F95];
	s0 =	simm.s32 @p0 $0x1  }
0x13: {  	[smem:$0x3FB0] =	sst s0;
	s0 =	simm.s32 @!p1 $0x0  }
0x14: {  	s2 =	sld [smem:$0x3F94];
	s0 =	simm.s32 @p1 $0x1  }
0x15: {  	[smem:$0x3FB1] =	sst s0;
	s0 =	simm.s32 @!p2 $0x0  }
0x16: {  	s3 =	sld [smem:$0x3FDB];
	s0 =	simm.s32 @p2 $0x1  }
0x17: {  	s4 =	simm.s32 $0x1BF5;
	[smem:$0x3FB3] =	sst s0  }
0x18: {  	s0 =	sld [smem:$0x3F96];
	_ =	swait.ge [sflag:s4], $0x0  }
0x19: {  	s7 =	sld [smem:$0x3F97]  }
0x1a: {  	s8 =	sadd.s32 $0xFFFFE003, lr  }
0x1b: {  	s9 =	sadd.s32 $0xFFFFFEF7, lr;
	s5 =	simm.s32 $0xFFFFFFFF;
	p2 =	slt.u32 s8, $0xFFFFF086  }
0x1c: {  	p1 =	slt.u32 s9, $0xF7A;
	s5 =	simm.s32 @!p2 $0x0  }
0x1d: {  	s5 =	simm.s32 @p1 $0x1;
	p0 =	seq.s32 s7, s2  }
0x1e: {  	s7 =	smul.u32 @!p0 $0xF7A, s2;
	p2 =	seq.s32 @!p0 s5, $0x0  }
0x1f: {  	s9 =	smul.u32 $0xF7A, s1;
	s8 =	simm.s32 @!p0 $0x1BF5;
	p2 =	por !p2, p0  }
0x20: {  	[sflag:s8] =	ssyncset.s32 @!p0 $0xFFFFF086;
	s6 =	sadd.s32 @!p0 s3, s7;
	s7 =	simm.s32 @!p0 $0x108  }
0x21: {  	s3 =	sadd.s32 s3, s9;
	s6 =	sadd.s32 @!p0 $0x88, s6;
	s7 =	simm.s32 @p2 $0x1082  }
0x22: {  	[simem:s7], [sflag:s8] =	dma.local @!p0 [hbm:s6], $0xF7A  }
0x23: {  	s9 =	sor.u32 $0xD0000000, s2;
	s6 =	simm.s32 $0x108;
	_ =	swait.ge @!p0 [sflag:s8], $0x0  }
0x24: {  	s3 =	sadd.s32 $0x88, s3;
	s6 =	simm.s32 @!p1 $0x1082;
	[sflag:s4] =	ssyncset.s32 $0xFFFFF086  }
0x25: {  	[simem:s6], [sflag:s4] =	dma.local [hbm:s3], $0xF7A  }
0x26: {  	[smem:$0x3F97] =	sst s1;
	(tag) =	ssettag s2;
	_ =	strace s9  }
0x27: {  	s1 =	sld [smem:$0x3FA7]  }
0x28: {  	s2 =	sld [smem:$0x3FA8]  }
0x29: {  	s4 =	sld [smem:$0x3FAA]  }
0x2a: {  	p0 =	seq.s32 s5, $0x0;
	s5 =	sld [smem:$0x3FAB]  }
0x2b: {  	s6 =	sld [smem:$0x3FAC]  }
0x2c: {  	s7 =	sld [smem:$0x3FAD]  }
0x2d: {  	s3 =	simm.s32 $0x108;
	s8 =	sld [smem:$0x3FAE]  }
0x2e: {  	s3 =	simm.s32 @!p0 $0x1082;
	s9 =	sld [smem:$0x3FAF]  }
0x2f: {  	lr =	sadd.s32 s0, s3;
	s0 =	sld [smem:$0x3FA6]  }
0x30: {  	s3 =	sld [smem:$0x3FA9]  }
0x31: {  	[smem:$0x3FB2] =	sst s10  }
0x32: {  	s10 =	sld [smem:$0x3FB0];
	_ =	sdelay $0x3  }
0x33: {  	p0 =	seq.s32 s10, $0x1;
	s10 =	sld [smem:$0x3FB2];
	_ =	sdelay $0x3  }
0x34: {  	[smem:$0x3FB2] =	sst s10  }
0x35: {  	s10 =	sld [smem:$0x3FB1];
	_ =	sdelay $0x3  }
0x36: {  	p1 =	seq.s32 s10, $0x1;
	s10 =	sld [smem:$0x3FB2];
	_ =	sdelay $0x3  }
0x37: {  	[smem:$0x3FB2] =	sst s10  }
0x38: {  	s10 =	sld [smem:$0x3FB3]  }
0x39: {  	_ = 	snop;
	(pc) =	sbr.ind lr, $3  }
0x3a: {  	_ = 	snop  }
0x3b: {  	_ = 	snop  }
0x3c: {  	p2 =	seq.s32 s10, $0x1;
	s10 =	sld [smem:$0x3FB2]  }
0x3d: {  	_ =	shalt  }
0x3e: {  	_ =	shalt  }
0x3f: {  	_ =	shalt  }
0x40: {  	_ =	shalt  }
0x41: {  	_ =	shalt  }
0x42: {  	_ =	shalt  }
0x43: {  	_ =	shalt  }
0x44: {  	_ =	shalt  }
0x45: {  	_ =	shalt  }
0x46: {  	_ =	shalt  }
0x47: {  	_ =	shalt  }
0x48: {  	_ =	shalt  }
0x49: {  	_ =	shalt  }
0x4a: {  	_ =	shalt  }
0x4b: {  	_ =	shalt  }
0x4c: {  	_ =	shalt  }
0x4d: {  	_ =	shalt  }
0x4e: {  	_ =	shalt  }
0x4f: {  	_ =	shalt  }
0x50: {  	_ =	shalt  }
0x51: {  	_ =	shalt  }
0x52: {  	_ =	shalt  }
0x53: {  	_ =	shalt  }
0x54: {  	_ =	shalt  }
0x55: {  	_ =	shalt  }
0x56: {  	_ =	shalt  }
0x57: {  	_ =	shalt  }
0x58: {  	_ =	shalt  }
0x59: {  	_ =	shalt  }
0x5a: {  	_ =	shalt  }
0x5b: {  	_ =	shalt  }
0x5c: {  	_ =	shalt  }
0x5d: {  	_ =	shalt  }
0x5e: {  	_ =	shalt  }
0x5f: {  	_ =	shalt  }
0x60: {  	_ =	shalt  }
0x61: {  	_ =	shalt  }
0x62: {  	_ =	shalt  }
0x63: {  	_ =	shalt  }
0x64: {  	_ =	shalt  }
0x65: {  	_ =	shalt  }
0x66: {  	_ =	shalt  }
0x67: {  	_ =	shalt  }
0x68: {  	_ =	shalt  }
0x69: {  	_ =	shalt  }
0x6a: {  	_ =	shalt  }
0x6b: {  	_ =	shalt  }
0x6c: {  	_ =	shalt  }
0x6d: {  	_ =	shalt  }
0x6e: {  	_ =	shalt  }
0x6f: {  	_ =	shalt  }
0x70: {  	_ =	shalt  }
0x71: {  	_ =	shalt  }
0x72: {  	_ =	shalt  }
0x73: {  	_ =	shalt  }
0x74: {  	_ =	shalt  }
0x75: {  	_ =	shalt  }
0x76: {  	_ =	shalt  }
0x77: {  	_ =	shalt  }
0x78: {  	_ =	shalt  }
0x79: {  	_ =	shalt  }
0x7a: {  	_ =	shalt  }
0x7b: {  	_ =	shalt  }
0x7c: {  	_ =	shalt  }
0x7d: {  	_ =	shalt  }
0x7e: {  	_ =	shalt  }
0x7f: {  	_ =	shalt  }
0x80: {  	_ =	shalt  }
0x81: {  	_ =	shalt  }
0x82: {  	_ =	shalt  }
0x83: {  	_ =	shalt  }
0x84: {  	_ =	shalt  }
0x85: {  	_ =	shalt  }
0x86: {  	_ =	shalt  }
0x87: {  	_ =	shalt  }
.Lfunc_end0:
.L_simem_size_0:
called_computation.2_lowered:
.L_overlay_start_0:
0x88: {  	s2 =	sld [smem:$0x3FD9]  }
0x89: {  	s3 =	sld [smem:$0x3FFE];
	_ =	sdelay $0x1  }
0x8a: {  	s1 =	srdreg.scid  }
0x8b: {  	s0 =	sand.u32 $0x1, s1  }
0x8c: {  	s16 =	sshll.u32 s0, $0xA;
	s2 =	sadd.s32 s3, s2  }
0x8d: {  	s2 =	sadd.s32 s2, s16  }
0x8e: {  	[smem:$0x3FBE] =	sst s2  }
0x8f: {  	_ = 	snop  }
0x90: {  	(tm) =	ssettm $0x1  }
0x91: {  	s17 =	sld [smem:$0x3FFB];
	_ =	sdelay $0x3  }
0x92: {  	_ =	strace s17  }
0x93: {  	s2 =	sld [smem:$0x3FFC];
	_ =	sdelay $0x3  }
0x94: {  	_ =	strace s2  }
0x95: {  	s2 =	sld [smem:$0x3FFD];
	_ =	sdelay $0x3  }
0x96: {  	_ =	strace s2  }
0x97: {  	_ =	strace $0x8FFFFFFF  }
0x98: {  	s18 =	sld [smem:$0x3FDB];
	_ =	sdelay $0x1  }
0x99: {  	s19 =	simm.s32 $_scs_section_size  }
0x9a: {  	s4 =	simm.s32 $_size__tile_overlayer_lowered;
	s5 =	simm.s32 $_tile_overlayer_lowered  }
0x9b: {  	s22 =	simm.s32 $0x1BFF;
	s21 =	sshll.u32 s5, $0x1;
	s2 =	sadd.s32 s19, s18  }
0x9c: {  	s6 =	simm.s32 $0x0;
	s20 =	sshll.u32 s4, $0x1;
	s4 =	sadd.s32 s21, s2  }
0x9d: {  	[timem:s6], [sflag:s22] =	dma.local [hbm:s4], s20  }
0x9e: {  	_ =	swait.ge [sflag:s22], s20  }
0x9f: {  	s3 =	ssub.s32 $0x0, s20;
	[sflag:s22] =	ssyncset.done $0x0  }
0xa0: {  	[sflag:s22] =	ssyncadd.s32 s3;
	_ =	sdelay $0x1  }
0xa1: {  	s23 =	simm.s32 $0x1B8B  }
0xa2: {  	_ =	swait.ge [sflag:s23], $0x1  }
0xa3: {  	[sflag:s23] =	ssyncset.done $0x0  }
0xa4: {  	s25 =	simm.s32 $0x1B8E;
	s24 =	sld [smem:$0x3FFE];
	[sflag:s23] =	ssyncadd.s32 $0xFFFFFFFF  }
0xa5: {  	s26 =	simm.s32 $execute0_lowered;
	[smem:$0x3FD2] =	sst s25  }
0xa6: {  	s4 =	sshll.u32 s26, $0x1;
	_ =	strace $0x8000004C;
	[dreg:$0x1] =	wrdreg $0xFFFFFFFF  }
0xa7: {  	s28 =	simm.s32 $_size_execute0_lowered;
	s2 =	sadd.s32 s2, s4;
	[dreg:$0x0] =	wrdreg $0x0  }
0xa8: {  	s4 =	sshll.u32 s28, $0x1;
	[dreg:$0x2] =	wrdreg s2  }
0xa9: {  	[dreg:$0x3] =	wrdreg s4  }
0xaa: {  	[dreg:$0x4] =	wrdreg $0xC0  }
0xab: {  	_ =	task [dreg:s6], $0x5FFFF  }
0xac: {  	[dreg:$0x1] =	wrdreg $0xFFFFFFFF  }
0xad: {  	[dreg:$0x0] =	wrdreg $0x60  }
0xae: {  	[dreg:$0x2] =	wrdreg s24  }
0xaf: {  	[dreg:$0x3] =	wrdreg $0x52000  }
0xb0: {  	[dreg:$0x4] =	wrdreg $0x9  }
0xb1: {  	_ =	task.clear_ibuf [dreg:s6], $0x5FFFF;
	_ =	strace $0x9000004C  }
0xb2: {  	s29 =	simm.s32 $0x9;
	_ =	strace $0x8000004E  }
0xb3: {  	_ =	swait.ge [sflag:s29], $0x1  }
0xb4: {  	[sflag:s29] =	ssyncadd.s32 $0xFFFFFFFF  }
0xb5: {  	_ =	strace $0x9000004E  }
0xb6: {  	_ =	sfence  }
0xb7: {  	s30 =	sld [smem:$0x0];
	_ =	sdelay $0x2  }
0xb8: {  	s31 =	sshll.u32 s1, $0xD;
	s1 =	sshrl.u32 s1, $0x2  }
0xb9: {  	s3 =	sand.u32 $0x4000, s31;
	s1 =	sadd.s32 s1, s30  }
0xba: {  	s0 =	sor.u32 s3, s0;
	s1 =	sshll.u32 s1, $0x11  }
0xbb: {  	s0 =	sor.u32 s1, s0  }
0xbc: {  	s0 =	sadd.s32 $0x8F2B, s0  }
0xbd: {  	[sflag:s0] =	ssyncadd.remote.s32 $0x1  }
0xbe: {  	_ =	sfence.sel $0xFFFF  }
0xbf: {  	[dreg:$0x0] =	wrdreg $0xFFFFFFFF;
	(pc) =	sbr.abs _section_cstart, $3  }
0xc0: {  	[dreg:$0x1] =	wrdreg $0xFFFFFFFF  }
0xc1: {  	_ =	task.clear_ibuf [dreg:s6], $0x2FFFF;
	_ =	strace $0x9FFFFFFF  }
0xc2: {  	(tm) =	ssettm $0x7FFFFFFF  }
0xc3: {  	_ =	shalt  }
tec
execute0_lowered:
.L_overlay_start_1:
0x0: {  	(tag) =	ssettag $0x1  }
0x1: {  	s0 =	rddreg [dreg:$0x0]  }
0x2: {  	s1 =	rddreg [dreg:$0x1];
	s2 =	srdreg.scid;
	s3 =	simm.s32 $0x0  }
0x3: {  	s11 =	stileid.u32;
	s28 =	simm.s32 $0x5;
	s29 =	simm.s32 $0x80  }
0x4: {  	s30 =	simm.s32 $0x100;
	s31 =	simm.s32 $0x180;
	s7 =	smul.u32 $0x14000, s11  }
0x5: {  	s2 =	sand.u32 $0x1, s2;
	[smem:$0x7FF] =	sst s3;
	s14 =	smul.u32 $0x50000, s11  }
0x6: {  	s4 =	sadd.s32 $0x67000, s0;
	s5 =	sadd.s32 $0xD200, s0;
	s20 =	smul.u32 $0x2710, s11  }
0x7: {  	s6 =	smul.u32 $0x140000, s2;
	_ =	strace $0x8000004D;
	s8 =	sshll.u32 s2, $0x4  }
0x8: {  	s9 =	ssub.s32 $0x2, s2;
	s17 =	smul.u32 $0x27100, s2;
	s2 =	simm.s32 $0x50  }
0x9: {  	s10 =	sor.u32 s11, s8;
	s13 =	sshrl.u32 s9, $0x1;
	s11 =	simm.s32 $0x0  }
0xa: {  	s6 =	sadd.s32 s7, s6;
	s7 =	smul.u32 $0x2710, s10;
	s8 =	ssub.s32 s9, s13  }
0xb: {  	s9 =	sshrl.u32 s14, $0x2;
	s12 =	sshrl.u32 s6, $0x3;
	s6 =	sadd.s32 $0x3400, s0  }
0xc: {  	s18 =	smax.u32 s8, $0x1;
	s8 =	simm.s32 $0x1;
	s7 =	sshrl.u32 s7, $0x3  }
0xd: {  	s0 =	sadd.s32 s12, s0;
	[dreg:$0x8] =	wrdreg s18;
	s10 =	sadd.s32 s5, s7  }
0xe: {  	s15 =	sadd.s32 s6, s7;
	s16 =	sadd.s32 $0xA, s7;
	[dreg:$0x3] =	wrdreg s10  }
0xf: {  	s0 =	sadd.s32 $0x8F000, s0;
	s24 =	sadd.s32 $0x4D8, s7;
	[dreg:$0x4] =	wrdreg s15  }
0x10: {  	s7 =	simm.s32 $0x4;
	s12 =	sadd.s32 s5, s16;
	[dreg:$0x7] =	wrdreg s0  }
0x11: {  	s10 =	sadd.s32 s6, s16;
	s0 =	sadd.s32 s20, s17;
	[dreg:$0x5] =	wrdreg s12  }
0x12: {  	[dreg:$0x6] =	wrdreg s10;
	s12 =	sadd.s32 s9, s1;
	s25 =	sadd.s32 $0xF0, s0  }
0x13: {  	s9 =	simm.s32 $0x2A00;
	s10 =	simm.s32 $0x2;
	s19 =	sadd.s32 $0x2800, s12  }
0x14: {  	s21 =	sadd.s32 $0x5000, s12;
	s22 =	sadd.s32 $0x7800, s12;
	[dreg:$0x9] =	wrdreg s19  }
0x15: {  	s23 =	sadd.s32 $0xA000, s12;
	s18 =	sadd.s32 $0xC800, s12;
	[dreg:$0xa] =	wrdreg s21  }
0x16: {  	s20 =	sadd.s32 $0x11800, s12;
	s26 =	sshrl.u32 s25, $0x3;
	[dreg:$0xb] =	wrdreg s22  }
0x17: {  	s25 =	sadd.s32 $0xA0, s0;
	s0 =	simm.s32 $0x3;
	[dreg:$0xc] =	wrdreg s23  }
0x18: {  	s19 =	sadd.s32 $0xF000, s12;
	s21 =	sadd.s32 s5, s24;
	s22 =	sadd.s32 s6, s24  }
0x19: {  	v0 =	vimm.f32 $0.0e+00;
	s23 =	sadd.s32 s26, s6;
	s24 =	sadd.s32 s26, s5;
	s26 =	simm.s32 $0x200  }
.LBB2_1:
0x1a: {  	s13 =	simm.s32 $0x70;
	s14 =	simm.s32 $0x3C0  }
.LBB2_2:
0x1b: {  	p0 =	sne.s32 s14, $0x9FC0;
	[tilespmem:s13+$0x200] =	vst v0  }
0x1c: {  	[tilespmem:s13+$0x190] =	vst v0  }
0x1d: {  	[tilespmem:s13+$0x1A0] =	vst v0  }
.Ltmp0:
0x1e: {  	[tilespmem:s13+$0x1B0] =	vst v0;
	(pc) =	sbr.rel @p0 .LBB2_2-.Ltmp0, $4  }
0x1f: {  	[tilespmem:s13+$0x1C0] =	vst v0  }
0x20: {  	[tilespmem:s13+$0x1D0] =	vst v0  }
0x21: {  	[tilespmem:s13+$0x1E0] =	vst v0  }
0x22: {  	[tilespmem:s13+$0x1F0] =	vst v0;
	s13 =	sshra.s32 s14, $0x2;
	s14 =	sadd.s32 $0x200, s14  }
0x23: {  	[tilespmem:s13+$0x200] =	vst v0  }
0x24: {  	[tilespmem:s13+$0x190] =	vst v0  }
0x25: {  	[tilespmem:s13+$0x1A0] =	vst v0  }
0x26: {  	[tilespmem:s13+$0x1B0] =	vst v0  }
0x27: {  	[tilespmem:s13+$0x1C0] =	vst v0  }
0x28: {  	[tilespmem:s13+$0x1D0] =	vst v0  }
0x29: {  	[tilespmem:s13+$0x1E0] =	vst v0  }
0x2a: {  	[tilespmem:s13+$0x1F0] =	vst v0  }
0x2b: {  	[spmem:s12] =	stream.linear.scatter [tilespmem:s26], [sflag:$0x5], $0x2800, $0x38;
	[tilespmem:$0x19200] =	vst v63  }
0x2c: {  	_ =	swait.ge [sflag:s28], $0x2800  }
0x2d: {  	[sflag:s28] =	ssyncset.done $0x0  }
0x2e: {  	s15 =	rddreg [dreg:$0x9];
	[sflag:s28] =	ssyncadd.s32 $0xFFFFD800  }
0x2f: {  	[spmem:s15] =	stream.linear.scatter [tilespmem:s26], [sflag:$0x5], $0x2800, $0x38;
	[tilespmem:$0x19200] =	vst v63  }
0x30: {  	_ =	swait.ge [sflag:s28], $0x2800  }
0x31: {  	[sflag:s28] =	ssyncset.done $0x0  }
0x32: {  	s16 =	rddreg [dreg:$0xa];
	[sflag:s28] =	ssyncadd.s32 $0xFFFFD800  }
0x33: {  	[spmem:s16] =	stream.linear.scatter [tilespmem:s26], [sflag:$0x5], $0x2800, $0x38;
	[tilespmem:$0x19200] =	vst v63  }
0x34: {  	_ =	swait.ge [sflag:s28], $0x2800  }
0x35: {  	[sflag:s28] =	ssyncset.done $0x0  }
0x36: {  	s17 =	rddreg [dreg:$0xb];
	[sflag:s28] =	ssyncadd.s32 $0xFFFFD800  }
0x37: {  	[spmem:s17] =	stream.linear.scatter [tilespmem:s26], [sflag:$0x5], $0x2800, $0x38;
	[tilespmem:$0x19200] =	vst v63  }
0x38: {  	_ =	swait.ge [sflag:s28], $0x2800  }
0x39: {  	[sflag:s28] =	ssyncset.done $0x0  }
0x3a: {  	s14 =	rddreg [dreg:$0xc];
	[sflag:s28] =	ssyncadd.s32 $0xFFFFD800  }
0x3b: {  	[spmem:s14] =	stream.linear.scatter [tilespmem:s26], [sflag:$0x5], $0x2800, $0x38;
	[tilespmem:$0x19200] =	vst v63  }
0x3c: {  	_ =	swait.ge [sflag:s28], $0x2800  }
0x3d: {  	[sflag:s28] =	ssyncset.done $0x0  }
0x3e: {  	[sflag:s28] =	ssyncadd.s32 $0xFFFFD800  }
0x3f: {  	[spmem:s18] =	stream.linear.scatter [tilespmem:s26], [sflag:$0x5], $0x2800, $0x38;
	[tilespmem:$0x19200] =	vst v63  }
0x40: {  	_ =	swait.ge [sflag:s28], $0x2800  }
0x41: {  	[sflag:s28] =	ssyncset.done $0x0  }
0x42: {  	[sflag:s28] =	ssyncadd.s32 $0xFFFFD800  }
0x43: {  	[spmem:s19] =	stream.linear.scatter [tilespmem:s26], [sflag:$0x5], $0x2800, $0x38;
	[tilespmem:$0x19200] =	vst v63  }
0x44: {  	_ =	swait.ge [sflag:s28], $0x2800  }
0x45: {  	[sflag:s28] =	ssyncset.done $0x0  }
0x46: {  	[sflag:s28] =	ssyncadd.s32 $0xFFFFD800  }
0x47: {  	[spmem:s20] =	stream.linear.scatter [tilespmem:s26], [sflag:$0x5], $0x2800, $0x38;
	[tilespmem:$0x19200] =	vst v63  }
0x48: {  	_ =	swait.ge [sflag:s28], $0x2800  }
0x49: {  	[sflag:s28] =	ssyncset.done $0x0  }
0x4a: {  	[sflag:s28] =	ssyncadd.s32 $0xFFFFD800  }
0x4b: {  	[bflag:$0x0] =	sbarrier.arrive $0xFFFF  }
0x4c: {  	s13 =	simm.s32 $0x0;
	s14 =	rddreg [dreg:$0x3]  }
0x4d: {  	[tilespmem:s13], [sflag:$0x3] =	stream.linear.gather [hbm4b:s14+s13], $0x50, $0x38;
	[tilespmem:$0x19200] =	vst v63  }
0x4e: {  	s15 =	rddreg [dreg:$0x4]  }
0x4f: {  	[tilespmem:s29], [sflag:$0x3] =	stream.linear.gather [hbm4b:s15+s13], $0x50, $0x38;
	[tilespmem:$0x19200] =	vst v63  }
0x50: {  	s16 =	rddreg [dreg:$0x5]  }
0x51: {  	[tilespmem:s30], [sflag:$0x4] =	stream.linear.gather [hbm4b:s16+s13], $0x50, $0x38;
	[tilespmem:$0x19200] =	vst v63  }
0x52: {  	s17 =	rddreg [dreg:$0x6]  }
0x53: {  	[tilespmem:s31], [sflag:$0x4] =	stream.linear.gather [hbm4b:s17+s13], $0x50, $0x38;
	[tilespmem:$0x19200] =	vst v63  }
0x54: {  	_ =	swait.ge [sflag:s0], $0x50  }
0x55: {  	[sflag:s0] =	ssyncset.done $0x0  }
0x56: {  	[sflag:s0] =	ssyncadd.s32 $0xFFFFFFB0  }
0x57: {  	_ =	swait.ge [sflag:s0], $0x50  }
0x58: {  	[sflag:s0] =	ssyncset.done $0x0  }
0x59: {  	[sflag:s0] =	ssyncadd.s32 $0xFFFFFFB0  }
0x5a: {  	[tilespmem:s26], [sflag:$0x1] =	stream.indirect.gather [hbm4b:s4+s2], $0x80, s13, s2, $0xb8;
	[tilespmem:$0x19200] =	vst v63  }
0x5b: {  	_ =	swait.ge [sflag:s7], $0x50  }
0x5c: {  	[sflag:s7] =	ssyncset.done $0x0  }
0x5d: {  	[sflag:s7] =	ssyncadd.s32 $0xFFFFFFB0  }
0x5e: {  	_ =	swait.ge [sflag:s7], $0x50  }
0x5f: {  	[sflag:s7] =	ssyncset.done $0x0  }
0x60: {  	[sflag:s7] =	ssyncadd.s32 $0xFFFFFFB0  }
0x61: {  	_ =	swait.ge [sflag:s8], $0x2800  }
0x62: {  	[sflag:s8] =	ssyncset.done $0x0  }
0x63: {  	[sflag:s8] =	ssyncadd.s32 $0xFFFFD800  }
0x64: {  	[tilespmem:s9], [sflag:$0x2] =	stream.indirect.gather [hbm4b:s4+s2], $0x80, s30, s2, $0xb8;
	[tilespmem:$0x19200] =	vst v63  }
0x65: {  	_ = 	snop  }
0x66: {  	[spmem:s1] =	stream.indirect.scatter.add.f32 [tilespmem:s26], [sflag:$0x5], $0x80, s29, s2, $0xb8;
	[tilespmem:$0x19200] =	vst v63  }
0x67: {  	_ =	swait.ge [sflag:s28], $0x2800  }
0x68: {  	s15 =	sshrl.u32 s25, $0x3;
	[sflag:s28] =	ssyncset.done $0x0  }
0x69: {  	s16 =	sadd.s32 s5, s15;
	[sflag:s28] =	ssyncadd.s32 $0xFFFFD800  }
0x6a: {  	[tilespmem:s3], [sflag:$0x3] =	stream.linear.gather [hbm4b:s16+s3], $0x50, $0x38;
	[tilespmem:$0x19200] =	vst v63  }
0x6b: {  	s13 =	sadd.s32 s6, s15  }
0x6c: {  	[tilespmem:s29], [sflag:$0x3] =	stream.linear.gather [hbm4b:s13+s3], $0x50, $0x38;
	[tilespmem:$0x19200] =	vst v63  }
0x6d: {  	_ =	swait.ge [sflag:s0], $0x50  }
0x6e: {  	[sflag:s0] =	ssyncset.done $0x0  }
0x6f: {  	[sflag:s0] =	ssyncadd.s32 $0xFFFFFFB0  }
0x70: {  	_ =	swait.ge [sflag:s0], $0x50  }
0x71: {  	[sflag:s0] =	ssyncset.done $0x0  }
0x72: {  	[sflag:s0] =	ssyncadd.s32 $0xFFFFFFB0  }
0x73: {  	_ =	swait.ge [sflag:s10], $0x2800  }
0x74: {  	[sflag:s10] =	ssyncset.done $0x0  }
0x75: {  	[sflag:s10] =	ssyncadd.s32 $0xFFFFD800  }
0x76: {  	[tilespmem:s26], [sflag:$0x1] =	stream.indirect.gather [hbm4b:s4+s2], $0x80, s3, s2, $0xb8;
	[tilespmem:$0x19200] =	vst v63  }
0x77: {  	_ = 	snop  }
0x78: {  	[spmem:s1] =	stream.indirect.scatter.add.f32 [tilespmem:s9], [sflag:$0x5], $0x80, s31, s2, $0xb8;
	[tilespmem:$0x19200] =	vst v63  }
0x79: {  	_ =	swait.ge [sflag:s28], $0x2800  }
0x7a: {  	s14 =	sadd.s32 $0xA0, s25;
	s17 =	sadd.s32 $0x0, s24;
	[sflag:s28] =	ssyncset.done $0x0  }
0x7b: {  	s15 =	sadd.s32 $0x0, s23;
	s13 =	simm.s32 $0x14;
	[sflag:s28] =	ssyncadd.s32 $0xFFFFD800  }
0x7c: {  	[tilespmem:s30], [sflag:$0x4] =	stream.linear.gather [hbm4b:s17+s3], $0x50, $0x38;
	[tilespmem:$0x19200] =	vst v63  }
.LBB2_4:
0x7d: {  	[tilespmem:s31], [sflag:$0x4] =	stream.linear.gather [hbm4b:s15+s3], $0x50, $0x38;
	[tilespmem:$0x19200] =	vst v63  }
0x7e: {  	s15 =	smov.u32 s13  }
0x7f: {  	p0 =	sne.s32 s13, $0x4B0;
	s13 =	sadd.s32 $0x14, s13;
	_ =	swait.ge [sflag:s7], $0x50  }
0x80: {  	[sflag:s7] =	ssyncset.done $0x0  }
0x81: {  	[sflag:s7] =	ssyncadd.s32 $0xFFFFFFB0  }
0x82: {  	_ =	swait.ge [sflag:s7], $0x50  }
0x83: {  	[sflag:s7] =	ssyncset.done $0x0  }
0x84: {  	[sflag:s7] =	ssyncadd.s32 $0xFFFFFFB0  }
0x85: {  	_ =	swait.ge [sflag:s8], $0x2800  }
0x86: {  	[sflag:s8] =	ssyncset.done $0x0  }
0x87: {  	[sflag:s8] =	ssyncadd.s32 $0xFFFFD800  }
0x88: {  	[tilespmem:s9], [sflag:$0x2] =	stream.indirect.gather [hbm4b:s4+s2], $0x80, s30, s2, $0xb8;
	[tilespmem:$0x19200] =	vst v63  }
0x89: {  	_ = 	snop  }
0x8a: {  	[spmem:s1] =	stream.indirect.scatter.add.f32 [tilespmem:s26], [sflag:$0x5], $0x80, s29, s2, $0xb8;
	[tilespmem:$0x19200] =	vst v63  }
0x8b: {  	_ =	swait.ge [sflag:s28], $0x2800  }
0x8c: {  	s16 =	sshrl.u32 s14, $0x3;
	[sflag:s28] =	ssyncset.done $0x0  }
0x8d: {  	s17 =	sadd.s32 s5, s16;
	[sflag:s28] =	ssyncadd.s32 $0xFFFFD800  }
0x8e: {  	[tilespmem:s3], [sflag:$0x3] =	stream.linear.gather [hbm4b:s17+s3], $0x50, $0x38;
	[tilespmem:$0x19200] =	vst v63  }
0x8f: {  	s16 =	sadd.s32 s6, s16  }
0x90: {  	[tilespmem:s29], [sflag:$0x3] =	stream.linear.gather [hbm4b:s16+s3], $0x50, $0x38;
	[tilespmem:$0x19200] =	vst v63  }
0x91: {  	_ =	swait.ge [sflag:s0], $0x50  }
0x92: {  	[sflag:s0] =	ssyncset.done $0x0  }
0x93: {  	[sflag:s0] =	ssyncadd.s32 $0xFFFFFFB0  }
0x94: {  	_ =	swait.ge [sflag:s0], $0x50  }
0x95: {  	[sflag:s0] =	ssyncset.done $0x0  }
0x96: {  	[sflag:s0] =	ssyncadd.s32 $0xFFFFFFB0  }
0x97: {  	_ =	swait.ge [sflag:s10], $0x2800  }
0x98: {  	[sflag:s10] =	ssyncset.done $0x0  }
0x99: {  	[sflag:s10] =	ssyncadd.s32 $0xFFFFD800  }
0x9a: {  	[tilespmem:s26], [sflag:$0x1] =	stream.indirect.gather [hbm4b:s4+s2], $0x80, s3, s2, $0xb8;
	[tilespmem:$0x19200] =	vst v63  }
0x9b: {  	_ = 	snop  }
0x9c: {  	[spmem:s1] =	stream.indirect.scatter.add.f32 [tilespmem:s9], [sflag:$0x5], $0x80, s31, s2, $0xb8;
	[tilespmem:$0x19200] =	vst v63  }
.Ltmp1:
0x9d: {  	_ =	swait.ge [sflag:s28], $0x2800;
	(pc) =	sbr.rel @p0 .LBB2_4-.Ltmp1, $4  }
0x9e: {  	[sflag:s28] =	ssyncset.done $0x0  }
0x9f: {  	s16 =	sadd.s32 s15, s24;
	[sflag:s28] =	ssyncadd.s32 $0xFFFFD800  }
0xa0: {  	[tilespmem:s30], [sflag:$0x4] =	stream.linear.gather [hbm4b:s16+s3], $0x50, $0x38;
	[tilespmem:$0x19200] =	vst v63  }
0xa1: {  	s14 =	sadd.s32 $0xA0, s14;
	s15 =	sadd.s32 s15, s23  }
0xa2: {  	[tilespmem:s31], [sflag:$0x4] =	stream.linear.gather [hbm4b:s15+s3], $0x50, $0x38;
	[tilespmem:$0x19200] =	vst v63  }
0xa3: {  	_ =	swait.ge [sflag:s7], $0x50  }
0xa4: {  	[sflag:s7] =	ssyncset.done $0x0  }
0xa5: {  	[sflag:s7] =	ssyncadd.s32 $0xFFFFFFB0  }
0xa6: {  	_ =	swait.ge [sflag:s7], $0x50  }
0xa7: {  	[sflag:s7] =	ssyncset.done $0x0  }
0xa8: {  	[sflag:s7] =	ssyncadd.s32 $0xFFFFFFB0  }
0xa9: {  	_ =	swait.ge [sflag:s8], $0x2800  }
0xaa: {  	[sflag:s8] =	ssyncset.done $0x0  }
0xab: {  	[sflag:s8] =	ssyncadd.s32 $0xFFFFD800  }
0xac: {  	[tilespmem:s9], [sflag:$0x2] =	stream.indirect.gather [hbm4b:s4+s2], $0x80, s30, s2, $0xb8;
	[tilespmem:$0x19200] =	vst v63  }
0xad: {  	_ = 	snop  }
0xae: {  	[spmem:s1] =	stream.indirect.scatter.add.f32 [tilespmem:s26], [sflag:$0x5], $0x80, s29, s2, $0xb8;
	[tilespmem:$0x19200] =	vst v63  }
0xaf: {  	_ =	swait.ge [sflag:s28], $0x2800  }
0xb0: {  	[sflag:s28] =	ssyncset.done $0x0  }
0xb1: {  	[sflag:s28] =	ssyncadd.s32 $0xFFFFD800  }
0xb2: {  	[tilespmem:s3], [sflag:$0x3] =	stream.linear.gather [hbm4b:s21+s3], $0x50, $0x38;
	[tilespmem:$0x19200] =	vst v63  }
0xb3: {  	_ = 	snop  }
0xb4: {  	[tilespmem:s29], [sflag:$0x3] =	stream.linear.gather [hbm4b:s22+s3], $0x50, $0x38;
	[tilespmem:$0x19200] =	vst v63  }
0xb5: {  	_ =	swait.ge [sflag:s0], $0x50  }
0xb6: {  	[sflag:s0] =	ssyncset.done $0x0  }
0xb7: {  	[sflag:s0] =	ssyncadd.s32 $0xFFFFFFB0  }
0xb8: {  	_ =	swait.ge [sflag:s0], $0x50  }
0xb9: {  	[sflag:s0] =	ssyncset.done $0x0  }
0xba: {  	[sflag:s0] =	ssyncadd.s32 $0xFFFFFFB0  }
0xbb: {  	_ =	swait.ge [sflag:s10], $0x2800  }
0xbc: {  	[sflag:s10] =	ssyncset.done $0x0  }
0xbd: {  	[sflag:s10] =	ssyncadd.s32 $0xFFFFD800  }
0xbe: {  	[tilespmem:s26], [sflag:$0x1] =	stream.indirect.gather [hbm4b:s4+s2], $0x80, s3, s2, $0xb8;
	[tilespmem:$0x19200] =	vst v63  }
0xbf: {  	_ = 	snop  }
0xc0: {  	[spmem:s1] =	stream.indirect.scatter.add.f32 [tilespmem:s9], [sflag:$0x5], $0x80, s31, s2, $0xb8;
	[tilespmem:$0x19200] =	vst v63  }
0xc1: {  	_ =	swait.ge [sflag:s28], $0x2800  }
0xc2: {  	[sflag:s28] =	ssyncset.done $0x0  }
0xc3: {  	[sflag:s28] =	ssyncadd.s32 $0xFFFFD800  }
0xc4: {  	_ =	swait.ge [sflag:s8], $0x2800  }
0xc5: {  	[sflag:s8] =	ssyncset.done $0x0  }
0xc6: {  	[sflag:s8] =	ssyncadd.s32 $0xFFFFD800  }
0xc7: {  	[spmem:s1] =	stream.indirect.scatter.add.f32 [tilespmem:s26], [sflag:$0x5], $0x80, s29, s2, $0xb8;
	[tilespmem:$0x19200] =	vst v63  }
0xc8: {  	_ =	swait.ge [sflag:s28], $0x2800  }
0xc9: {  	[sflag:s28] =	ssyncset.done $0x0  }
0xca: {  	s13 =	stileid.u32;
	[sflag:s28] =	ssyncadd.s32 $0xFFFFD800  }
0xcb: {  	s13 =	sshll.u32 s13, $0x6;
	[bflag:$0x0] =	sbarrier.arrive $0xFFFF  }
0xcc: {  	s14 =	sshrl.u32 s12, $0x3;
	s13 =	sor.u32 $0x1C05, s13;
	s16 =	rddreg [dreg:$0x7]  }
0xcd: {  	[hbm:s16], [sflag:s13] =	dma.local [spmem:s14], $0x2800  }
0xce: {  	_ =	swait.ge [sflag:s28], $0x2800  }
0xcf: {  	s11 =	sadd.s32 $0x1, s11;
	s17 =	rddreg [dreg:$0x8]  }
0xd0: {  	p0 =	sne.s32 s11, s17  }
.Ltmp2:
0xd1: {  	_ = 	snop;
	(pc) =	sbr.rel @p0 .LBB2_1-.Ltmp2, $3  }
0xd2: {  	_ =	sdelay $0x1  }
0xd3: {  	[sflag:s28] =	ssyncset.done $0x0  }
0xd4: {  	[sflag:s28] =	ssyncadd.s32 $0xFFFFD800  }
0xd5: {  	_ =	sfence.sel $0x180000  }
0xd6: {  	[bflag:$0x0] =	sbarrier.arrive $0xFFFF  }
0xd7: {  	_ =	strace $0x9000004D  }
0xd8: {  	s0 =	stileid.u32;
	[bflag:$0x2] =	sbarrier.arrive $0xFFFF  }
0xd9: {  	p0 =	sne.s32 s0, $0x0;
	s0 =	rddreg [dreg:$0x2]  }
0xda: {  	s0 =	sadd.s32 @!p0 $0x100000, s0  }
0xdb: {  	[sflag:s0] =	ssyncadd.tile.s32 @!p0 $0x1;
	_ =	shalt  }
.Lfunc_end2:
_tile_overlayer_lowered:
.L_overlay_start_2:
0xdc: {  	(tag) =	ssettag $0x2  }
0xdd: {  	s0 =	rddreg [dreg:$0x0];
	s2 =	stileid.u32  }
0xde: {  	s1 =	rddreg [dreg:$0x1];
	p0 =	sne.s32 s2, $0x0  }
0xdf: {  	s3 =	rddreg [dreg:$0x2];
	[bflag:$0x3] =	sbarrier.arrive $0xFFFF;
	s2 =	simm.s32 @!p0 $0x1C05  }
0xe0: {  	[timem:s3], [sflag:s2] =	dma.local @!p0 [hbm:s0], s1  }
0xe1: {  	s0 =	simm.s32 @!p0 $0x5  }
0xe2: {  	_ =	swait.ge @!p0 [sflag:s0], s1  }
0xe3: {  	s1 =	ssub.s32 @!p0 $0x0, s1;
	[sflag:s0] =	ssyncset.done @!p0 $0x0  }
0xe4: {  	[sflag:s0] =	ssyncadd.s32 @!p0 s1  }
0xe5: {  	[bflag:$0x3] =	sbarrier.arrive $0xFFFF  }
0xe6: {  	_ =	shalt  }

// kernel: kernel.19.cloned.1.call-start
scs
__scs_entry_jumppad:
0x0: {  	(pc) =	sbr.rel $0x88, $3  }
0x1: {  	(tag) =	ssettag $0x0;
	lr =	simm.s32 $0x1  }
0x2: {  	[smem:$0x3F97] =	sst lr;
	_ =	strace $0xD0000000  }
0x3: {  	_ = 	snop  }
0x4: {  	_ = 	snop  }
0x5: {  	_ = 	snop  }
0x6: {  	_ = 	snop  }
0x7: {  	_ = 	snop  }
__scs_overlays_trampoline_lowered:
0x8: {  	[smem:$0x3FA6] =	sst s0  }
0x9: {  	[smem:$0x3FA7] =	sst s1  }
0xa: {  	[smem:$0x3FA8] =	sst s2  }
0xb: {  	[smem:$0x3FA9] =	sst s3  }
0xc: {  	[smem:$0x3FAA] =	sst s4  }
0xd: {  	[smem:$0x3FAB] =	sst s5  }
0xe: {  	[smem:$0x3FAC] =	sst s6  }
0xf: {  	[smem:$0x3FAD] =	sst s7  }
0x10: {  	[smem:$0x3FAE] =	sst s8  }
0x11: {  	[smem:$0x3FAF] =	sst s9;
	s0 =	simm.s32 @!p0 $0x0  }
0x12: {  	s1 =	sld [smem:$0x3F95];
	s0 =	simm.s32 @p0 $0x1  }
0x13: {  	[smem:$0x3FB0] =	sst s0;
	s0 =	simm.s32 @!p1 $0x0  }
0x14: {  	s2 =	sld [smem:$0x3F94];
	s0 =	simm.s32 @p1 $0x1  }
0x15: {  	[smem:$0x3FB1] =	sst s0;
	s0 =	simm.s32 @!p2 $0x0  }
0x16: {  	s3 =	sld [smem:$0x3FDB];
	s0 =	simm.s32 @p2 $0x1  }
0x17: {  	s4 =	simm.s32 $0x1BF5;
	[smem:$0x3FB3] =	sst s0  }
0x18: {  	s0 =	sld [smem:$0x3F96];
	_ =	swait.ge [sflag:s4], $0x0  }
0x19: {  	s7 =	sld [smem:$0x3F97]  }
0x1a: {  	s8 =	sadd.s32 $0xFFFFE003, lr  }
0x1b: {  	s9 =	sadd.s32 $0xFFFFFEF7, lr;
	s5 =	simm.s32 $0xFFFFFFFF;
	p2 =	slt.u32 s8, $0xFFFFF086  }
0x1c: {  	p1 =	slt.u32 s9, $0xF7A;
	s5 =	simm.s32 @!p2 $0x0  }
0x1d: {  	s5 =	simm.s32 @p1 $0x1;
	p0 =	seq.s32 s7, s2  }
0x1e: {  	s7 =	smul.u32 @!p0 $0xF7A, s2;
	p2 =	seq.s32 @!p0 s5, $0x0  }
0x1f: {  	s9 =	smul.u32 $0xF7A, s1;
	s8 =	simm.s32 @!p0 $0x1BF5;
	p2 =	por !p2, p0  }
0x20: {  	[sflag:s8] =	ssyncset.s32 @!p0 $0xFFFFF086;
	s6 =	sadd.s32 @!p0 s3, s7;
	s7 =	simm.s32 @!p0 $0x108  }
0x21: {  	s3 =	sadd.s32 s3, s9;
	s6 =	sadd.s32 @!p0 $0x88, s6;
	s7 =	simm.s32 @p2 $0x1082  }
0x22: {  	[simem:s7], [sflag:s8] =	dma.local @!p0 [hbm:s6], $0xF7A  }
0x23: {  	s9 =	sor.u32 $0xD0000000, s2;
	s6 =	simm.s32 $0x108;
	_ =	swait.ge @!p0 [sflag:s8], $0x0  }
0x24: {  	s3 =	sadd.s32 $0x88, s3;
	s6 =	simm.s32 @!p1 $0x1082;
	[sflag:s4] =	ssyncset.s32 $0xFFFFF086  }
0x25: {  	[simem:s6], [sflag:s4] =	dma.local [hbm:s3], $0xF7A  }
0x26: {  	[smem:$0x3F97] =	sst s1;
	(tag) =	ssettag s2;
	_ =	strace s9  }
0x27: {  	s1 =	sld [smem:$0x3FA7]  }
0x28: {  	s2 =	sld [smem:$0x3FA8]  }
0x29: {  	s4 =	sld [smem:$0x3FAA]  }
0x2a: {  	p0 =	seq.s32 s5, $0x0;
	s5 =	sld [smem:$0x3FAB]  }
0x2b: {  	s6 =	sld [smem:$0x3FAC]  }
0x2c: {  	s7 =	sld [smem:$0x3FAD]  }
0x2d: {  	s3 =	simm.s32 $0x108;
	s8 =	sld [smem:$0x3FAE]  }
0x2e: {  	s3 =	simm.s32 @!p0 $0x1082;
	s9 =	sld [smem:$0x3FAF]  }
0x2f: {  	lr =	sadd.s32 s0, s3;
	s0 =	sld [smem:$0x3FA6]  }
0x30: {  	s3 =	sld [smem:$0x3FA9]  }
0x31: {  	[smem:$0x3FB2] =	sst s10  }
0x32: {  	s10 =	sld [smem:$0x3FB0];
	_ =	sdelay $0x3  }
0x33: {  	p0 =	seq.s32 s10, $0x1;
	s10 =	sld [smem:$0x3FB2];
	_ =	sdelay $0x3  }
0x34: {  	[smem:$0x3FB2] =	sst s10  }
0x35: {  	s10 =	sld [smem:$0x3FB1];
	_ =	sdelay $0x3  }
0x36: {  	p1 =	seq.s32 s10, $0x1;
	s10 =	sld [smem:$0x3FB2];
	_ =	sdelay $0x3  }
0x37: {  	[smem:$0x3FB2] =	sst s10  }
0x38: {  	s10 =	sld [smem:$0x3FB3]  }
0x39: {  	_ = 	snop;
	(pc) =	sbr.ind lr, $3  }
0x3a: {  	_ = 	snop  }
0x3b: {  	_ = 	snop  }
0x3c: {  	p2 =	seq.s32 s10, $0x1;
	s10 =	sld [smem:$0x3FB2]  }
0x3d: {  	_ =	shalt  }
0x3e: {  	_ =	shalt  }
0x3f: {  	_ =	shalt  }
0x40: {  	_ =	shalt  }
0x41: {  	_ =	shalt  }
0x42: {  	_ =	shalt  }
0x43: {  	_ =	shalt  }
0x44: {  	_ =	shalt  }
0x45: {  	_ =	shalt  }
0x46: {  	_ =	shalt  }
0x47: {  	_ =	shalt  }
0x48: {  	_ =	shalt  }
0x49: {  	_ =	shalt  }
0x4a: {  	_ =	shalt  }
0x4b: {  	_ =	shalt  }
0x4c: {  	_ =	shalt  }
0x4d: {  	_ =	shalt  }
0x4e: {  	_ =	shalt  }
0x4f: {  	_ =	shalt  }
0x50: {  	_ =	shalt  }
0x51: {  	_ =	shalt  }
0x52: {  	_ =	shalt  }
0x53: {  	_ =	shalt  }
0x54: {  	_ =	shalt  }
0x55: {  	_ =	shalt  }
0x56: {  	_ =	shalt  }
0x57: {  	_ =	shalt  }
0x58: {  	_ =	shalt  }
0x59: {  	_ =	shalt  }
0x5a: {  	_ =	shalt  }
0x5b: {  	_ =	shalt  }
0x5c: {  	_ =	shalt  }
0x5d: {  	_ =	shalt  }
0x5e: {  	_ =	shalt  }
0x5f: {  	_ =	shalt  }
0x60: {  	_ =	shalt  }
0x61: {  	_ =	shalt  }
0x62: {  	_ =	shalt  }
0x63: {  	_ =	shalt  }
0x64: {  	_ =	shalt  }
0x65: {  	_ =	shalt  }
0x66: {  	_ =	shalt  }
0x67: {  	_ =	shalt  }
0x68: {  	_ =	shalt  }
0x69: {  	_ =	shalt  }
0x6a: {  	_ =	shalt  }
0x6b: {  	_ =	shalt  }
0x6c: {  	_ =	shalt  }
0x6d: {  	_ =	shalt  }
0x6e: {  	_ =	shalt  }
0x6f: {  	_ =	shalt  }
0x70: {  	_ =	shalt  }
0x71: {  	_ =	shalt  }
0x72: {  	_ =	shalt  }
0x73: {  	_ =	shalt  }
0x74: {  	_ =	shalt  }
0x75: {  	_ =	shalt  }
0x76: {  	_ =	shalt  }
0x77: {  	_ =	shalt  }
0x78: {  	_ =	shalt  }
0x79: {  	_ =	shalt  }
0x7a: {  	_ =	shalt  }
0x7b: {  	_ =	shalt  }
0x7c: {  	_ =	shalt  }
0x7d: {  	_ =	shalt  }
0x7e: {  	_ =	shalt  }
0x7f: {  	_ =	shalt  }
0x80: {  	_ =	shalt  }
0x81: {  	_ =	shalt  }
0x82: {  	_ =	shalt  }
0x83: {  	_ =	shalt  }
0x84: {  	_ =	shalt  }
0x85: {  	_ =	shalt  }
0x86: {  	_ =	shalt  }
0x87: {  	_ =	shalt  }
.Lfunc_end0:
.L_simem_size_0:
called_computation.3_lowered:
.L_overlay_start_0:
0x88: {  	s2 =	sld [smem:$0x3FD9]  }
0x89: {  	s3 =	sld [smem:$0x3FFE];
	_ =	sdelay $0x1  }
0x8a: {  	s1 =	srdreg.scid  }
0x8b: {  	s0 =	sand.u32 $0x1, s1  }
0x8c: {  	s16 =	sshll.u32 s0, $0xA;
	s2 =	sadd.s32 s3, s2  }
0x8d: {  	s2 =	sadd.s32 s2, s16  }
0x8e: {  	[smem:$0x3FBE] =	sst s2  }
0x8f: {  	_ = 	snop  }
0x90: {  	(tm) =	ssettm $0x1  }
0x91: {  	s17 =	sld [smem:$0x3FFB];
	_ =	sdelay $0x3  }
0x92: {  	_ =	strace s17  }
0x93: {  	s2 =	sld [smem:$0x3FFC];
	_ =	sdelay $0x3  }
0x94: {  	_ =	strace s2  }
0x95: {  	s2 =	sld [smem:$0x3FFD];
	_ =	sdelay $0x3  }
0x96: {  	_ =	strace s2  }
0x97: {  	_ =	strace $0x8FFFFFFF  }
0x98: {  	s18 =	sld [smem:$0x3FDB];
	_ =	sdelay $0x1  }
0x99: {  	s19 =	simm.s32 $_scs_section_size  }
0x9a: {  	s4 =	simm.s32 $_size__tile_overlayer_lowered;
	s5 =	simm.s32 $_tile_overlayer_lowered  }
0x9b: {  	s22 =	simm.s32 $0x1BFF;
	s21 =	sshll.u32 s5, $0x1;
	s2 =	sadd.s32 s19, s18  }
0x9c: {  	s6 =	simm.s32 $0x0;
	s20 =	sshll.u32 s4, $0x1;
	s4 =	sadd.s32 s21, s2  }
0x9d: {  	[timem:s6], [sflag:s22] =	dma.local [hbm:s4], s20  }
0x9e: {  	_ =	swait.ge [sflag:s22], s20  }
0x9f: {  	s3 =	ssub.s32 $0x0, s20;
	[sflag:s22] =	ssyncset.done $0x0  }
0xa0: {  	[sflag:s22] =	ssyncadd.s32 s3;
	_ =	sdelay $0x1  }
0xa1: {  	s23 =	simm.s32 $0x1B8B  }
0xa2: {  	_ =	swait.ge [sflag:s23], $0x1  }
0xa3: {  	[sflag:s23] =	ssyncset.done $0x0  }
0xa4: {  	s25 =	simm.s32 $0x1B8E;
	s24 =	sld [smem:$0x3FFE];
	[sflag:s23] =	ssyncadd.s32 $0xFFFFFFFF  }
0xa5: {  	s26 =	simm.s32 $execute0_lowered;
	[smem:$0x3FD2] =	sst s25  }
0xa6: {  	s4 =	sshll.u32 s26, $0x1;
	_ =	strace $0x8000004F;
	[dreg:$0x1] =	wrdreg $0xFFFFFFFF  }
0xa7: {  	s28 =	simm.s32 $_size_execute0_lowered;
	s2 =	sadd.s32 s2, s4;
	[dreg:$0x0] =	wrdreg $0x0  }
0xa8: {  	s4 =	sshll.u32 s28, $0x1;
	[dreg:$0x2] =	wrdreg s2  }
0xa9: {  	[dreg:$0x3] =	wrdreg s4  }
0xaa: {  	[dreg:$0x4] =	wrdreg $0xC0  }
0xab: {  	_ =	task [dreg:s6], $0x5FFFF  }
0xac: {  	[dreg:$0x1] =	wrdreg $0xFFFFFFFF  }
0xad: {  	[dreg:$0x0] =	wrdreg $0x60  }
0xae: {  	[dreg:$0x2] =	wrdreg s24  }
0xaf: {  	[dreg:$0x3] =	wrdreg $0x52000  }
0xb0: {  	[dreg:$0x4] =	wrdreg $0x9  }
0xb1: {  	_ =	task.clear_ibuf [dreg:s6], $0x5FFFF;
	_ =	strace $0x9000004F  }
0xb2: {  	s29 =	simm.s32 $0x9;
	_ =	strace $0x80000051  }
0xb3: {  	_ =	swait.ge [sflag:s29], $0x1  }
0xb4: {  	[sflag:s29] =	ssyncadd.s32 $0xFFFFFFFF  }
0xb5: {  	_ =	strace $0x90000051  }
0xb6: {  	_ =	sfence  }
0xb7: {  	s30 =	sld [smem:$0x0];
	_ =	sdelay $0x2  }
0xb8: {  	s31 =	sshll.u32 s1, $0xD;
	s1 =	sshrl.u32 s1, $0x2  }
0xb9: {  	s3 =	sand.u32 $0x4000, s31;
	s1 =	sadd.s32 s1, s30  }
0xba: {  	s0 =	sor.u32 s3, s0;
	s1 =	sshll.u32 s1, $0x11  }
0xbb: {  	s0 =	sor.u32 s1, s0  }
0xbc: {  	s0 =	sadd.s32 $0x8F2B, s0  }
0xbd: {  	[sflag:s0] =	ssyncadd.remote.s32 $0x1  }
0xbe: {  	_ =	sfence.sel $0xFFFF  }
0xbf: {  	[dreg:$0x0] =	wrdreg $0xFFFFFFFF;
	(pc) =	sbr.abs _section_cstart, $3  }
0xc0: {  	[dreg:$0x1] =	wrdreg $0xFFFFFFFF  }
0xc1: {  	_ =	task.clear_ibuf [dreg:s6], $0x2FFFF;
	_ =	strace $0x9FFFFFFF  }
0xc2: {  	(tm) =	ssettm $0x7FFFFFFF  }
0xc3: {  	_ =	shalt  }
tec
execute0_lowered:
.L_overlay_start_1:
0x0: {  	(tag) =	ssettag $0x1  }
0x1: {  	s0 =	rddreg [dreg:$0x0]  }
0x2: {  	s1 =	rddreg [dreg:$0x1];
	s2 =	srdreg.scid;
	s3 =	simm.s32 $0x0  }
0x3: {  	s11 =	stileid.u32;
	s28 =	simm.s32 $0x5;
	s29 =	simm.s32 $0x80  }
0x4: {  	s30 =	simm.s32 $0x100;
	s31 =	simm.s32 $0x180;
	s7 =	smul.u32 $0x14000, s11  }
0x5: {  	s2 =	sand.u32 $0x1, s2;
	[smem:$0x7FF] =	sst s3;
	s14 =	smul.u32 $0x50000, s11  }
0x6: {  	s4 =	sadd.s32 $0x17000, s0;
	s5 =	sadd.s32 $0xD200, s0;
	s20 =	smul.u32 $0x2710, s11  }
0x7: {  	s6 =	smul.u32 $0x140000, s2;
	_ =	strace $0x80000050;
	s8 =	sshll.u32 s2, $0x4  }
0x8: {  	s9 =	ssub.s32 $0x2, s2;
	s17 =	smul.u32 $0x27100, s2;
	s2 =	simm.s32 $0x50  }
0x9: {  	s10 =	sor.u32 s11, s8;
	s13 =	sshrl.u32 s9, $0x1;
	s11 =	simm.s32 $0x0  }
0xa: {  	s6 =	sadd.s32 s7, s6;
	s7 =	smul.u32 $0x2710, s10;
	s8 =	ssub.s32 s9, s13  }
0xb: {  	s9 =	sshrl.u32 s14, $0x2;
	s12 =	sshrl.u32 s6, $0x3;
	s6 =	sadd.s32 $0x3400, s0  }
0xc: {  	s18 =	smax.u32 s8, $0x1;
	s8 =	simm.s32 $0x1;
	s7 =	sshrl.u32 s7, $0x3  }
0xd: {  	s0 =	sadd.s32 s12, s0;
	[dreg:$0x8] =	wrdreg s18;
	s10 =	sadd.s32 s5, s7  }
0xe: {  	s15 =	sadd.s32 s6, s7;
	s16 =	sadd.s32 $0xA, s7;
	[dreg:$0x3] =	wrdreg s10  }
0xf: {  	s0 =	sadd.s32 $0x3F000, s0;
	s24 =	sadd.s32 $0x4D8, s7;
	[dreg:$0x4] =	wrdreg s15  }
0x10: {  	s7 =	simm.s32 $0x4;
	s12 =	sadd.s32 s5, s16;
	[dreg:$0x7] =	wrdreg s0  }
0x11: {  	s10 =	sadd.s32 s6, s16;
	s0 =	sadd.s32 s20, s17;
	[dreg:$0x5] =	wrdreg s12  }
0x12: {  	[dreg:$0x6] =	wrdreg s10;
	s12 =	sadd.s32 s9, s1;
	s25 =	sadd.s32 $0xF0, s0  }
0x13: {  	s9 =	simm.s32 $0x2A00;
	s10 =	simm.s32 $0x2;
	s19 =	sadd.s32 $0x2800, s12  }
0x14: {  	s21 =	sadd.s32 $0x5000, s12;
	s22 =	sadd.s32 $0x7800, s12;
	[dreg:$0x9] =	wrdreg s19  }
0x15: {  	s23 =	sadd.s32 $0xA000, s12;
	s18 =	sadd.s32 $0xC800, s12;
	[dreg:$0xa] =	wrdreg s21  }
0x16: {  	s20 =	sadd.s32 $0x11800, s12;
	s26 =	sshrl.u32 s25, $0x3;
	[dreg:$0xb] =	wrdreg s22  }
0x17: {  	s25 =	sadd.s32 $0xA0, s0;
	s0 =	simm.s32 $0x3;
	[dreg:$0xc] =	wrdreg s23  }
0x18: {  	s19 =	sadd.s32 $0xF000, s12;
	s21 =	sadd.s32 s5, s24;
	s22 =	sadd.s32 s6, s24  }
0x19: {  	v0 =	vimm.f32 $0.0e+00;
	s23 =	sadd.s32 s26, s6;
	s24 =	sadd.s32 s26, s5;
	s26 =	simm.s32 $0x200  }
.LBB2_1:
0x1a: {  	s13 =	simm.s32 $0x70;
	s14 =	simm.s32 $0x3C0  }
.LBB2_2:
0x1b: {  	p0 =	sne.s32 s14, $0x9FC0;
	[tilespmem:s13+$0x200] =	vst v0  }
0x1c: {  	[tilespmem:s13+$0x190] =	vst v0  }
0x1d: {  	[tilespmem:s13+$0x1A0] =	vst v0  }
.Ltmp0:
0x1e: {  	[tilespmem:s13+$0x1B0] =	vst v0;
	(pc) =	sbr.rel @p0 .LBB2_2-.Ltmp0, $4  }
0x1f: {  	[tilespmem:s13+$0x1C0] =	vst v0  }
0x20: {  	[tilespmem:s13+$0x1D0] =	vst v0  }
0x21: {  	[tilespmem:s13+$0x1E0] =	vst v0  }
0x22: {  	[tilespmem:s13+$0x1F0] =	vst v0;
	s13 =	sshra.s32 s14, $0x2;
	s14 =	sadd.s32 $0x200, s14  }
0x23: {  	[tilespmem:s13+$0x200] =	vst v0  }
0x24: {  	[tilespmem:s13+$0x190] =	vst v0  }
0x25: {  	[tilespmem:s13+$0x1A0] =	vst v0  }
0x26: {  	[tilespmem:s13+$0x1B0] =	vst v0  }
0x27: {  	[tilespmem:s13+$0x1C0] =	vst v0  }
0x28: {  	[tilespmem:s13+$0x1D0] =	vst v0  }
0x29: {  	[tilespmem:s13+$0x1E0] =	vst v0  }
0x2a: {  	[tilespmem:s13+$0x1F0] =	vst v0  }
0x2b: {  	[spmem:s12] =	stream.linear.scatter [tilespmem:s26], [sflag:$0x5], $0x2800, $0x38;
	[tilespmem:$0x19200] =	vst v63  }
0x2c: {  	_ =	swait.ge [sflag:s28], $0x2800  }
0x2d: {  	[sflag:s28] =	ssyncset.done $0x0  }
0x2e: {  	s15 =	rddreg [dreg:$0x9];
	[sflag:s28] =	ssyncadd.s32 $0xFFFFD800  }
0x2f: {  	[spmem:s15] =	stream.linear.scatter [tilespmem:s26], [sflag:$0x5], $0x2800, $0x38;
	[tilespmem:$0x19200] =	vst v63  }
0x30: {  	_ =	swait.ge [sflag:s28], $0x2800  }
0x31: {  	[sflag:s28] =	ssyncset.done $0x0  }
0x32: {  	s16 =	rddreg [dreg:$0xa];
	[sflag:s28] =	ssyncadd.s32 $0xFFFFD800  }
0x33: {  	[spmem:s16] =	stream.linear.scatter [tilespmem:s26], [sflag:$0x5], $0x2800, $0x38;
	[tilespmem:$0x19200] =	vst v63  }
0x34: {  	_ =	swait.ge [sflag:s28], $0x2800  }
0x35: {  	[sflag:s28] =	ssyncset.done $0x0  }
0x36: {  	s17 =	rddreg [dreg:$0xb];
	[sflag:s28] =	ssyncadd.s32 $0xFFFFD800  }
0x37: {  	[spmem:s17] =	stream.linear.scatter [tilespmem:s26], [sflag:$0x5], $0x2800, $0x38;
	[tilespmem:$0x19200] =	vst v63  }
0x38: {  	_ =	swait.ge [sflag:s28], $0x2800  }
0x39: {  	[sflag:s28] =	ssyncset.done $0x0  }
0x3a: {  	s14 =	rddreg [dreg:$0xc];
	[sflag:s28] =	ssyncadd.s32 $0xFFFFD800  }
0x3b: {  	[spmem:s14] =	stream.linear.scatter [tilespmem:s26], [sflag:$0x5], $0x2800, $0x38;
	[tilespmem:$0x19200] =	vst v63  }
0x3c: {  	_ =	swait.ge [sflag:s28], $0x2800  }
0x3d: {  	[sflag:s28] =	ssyncset.done $0x0  }
0x3e: {  	[sflag:s28] =	ssyncadd.s32 $0xFFFFD800  }
0x3f: {  	[spmem:s18] =	stream.linear.scatter [tilespmem:s26], [sflag:$0x5], $0x2800, $0x38;
	[tilespmem:$0x19200] =	vst v63  }
0x40: {  	_ =	swait.ge [sflag:s28], $0x2800  }
0x41: {  	[sflag:s28] =	ssyncset.done $0x0  }
0x42: {  	[sflag:s28] =	ssyncadd.s32 $0xFFFFD800  }
0x43: {  	[spmem:s19] =	stream.linear.scatter [tilespmem:s26], [sflag:$0x5], $0x2800, $0x38;
	[tilespmem:$0x19200] =	vst v63  }
0x44: {  	_ =	swait.ge [sflag:s28], $0x2800  }
0x45: {  	[sflag:s28] =	ssyncset.done $0x0  }
0x46: {  	[sflag:s28] =	ssyncadd.s32 $0xFFFFD800  }
0x47: {  	[spmem:s20] =	stream.linear.scatter [tilespmem:s26], [sflag:$0x5], $0x2800, $0x38;
	[tilespmem:$0x19200] =	vst v63  }
0x48: {  	_ =	swait.ge [sflag:s28], $0x2800  }
0x49: {  	[sflag:s28] =	ssyncset.done $0x0  }
0x4a: {  	[sflag:s28] =	ssyncadd.s32 $0xFFFFD800  }
0x4b: {  	[bflag:$0x0] =	sbarrier.arrive $0xFFFF  }
0x4c: {  	s13 =	simm.s32 $0x0;
	s14 =	rddreg [dreg:$0x3]  }
0x4d: {  	[tilespmem:s13], [sflag:$0x3] =	stream.linear.gather [hbm4b:s14+s13], $0x50, $0x38;
	[tilespmem:$0x19200] =	vst v63  }
0x4e: {  	s15 =	rddreg [dreg:$0x4]  }
0x4f: {  	[tilespmem:s29], [sflag:$0x3] =	stream.linear.gather [hbm4b:s15+s13], $0x50, $0x38;
	[tilespmem:$0x19200] =	vst v63  }
0x50: {  	s16 =	rddreg [dreg:$0x5]  }
0x51: {  	[tilespmem:s30], [sflag:$0x4] =	stream.linear.gather [hbm4b:s16+s13], $0x50, $0x38;
	[tilespmem:$0x19200] =	vst v63  }
0x52: {  	s17 =	rddreg [dreg:$0x6]  }
0x53: {  	[tilespmem:s31], [sflag:$0x4] =	stream.linear.gather [hbm4b:s17+s13], $0x50, $0x38;
	[tilespmem:$0x19200] =	vst v63  }
0x54: {  	_ =	swait.ge [sflag:s0], $0x50  }
0x55: {  	[sflag:s0] =	ssyncset.done $0x0  }
0x56: {  	[sflag:s0] =	ssyncadd.s32 $0xFFFFFFB0  }
0x57: {  	_ =	swait.ge [sflag:s0], $0x50  }
0x58: {  	[sflag:s0] =	ssyncset.done $0x0  }
0x59: {  	[sflag:s0] =	ssyncadd.s32 $0xFFFFFFB0  }
0x5a: {  	[tilespmem:s26], [sflag:$0x1] =	stream.indirect.gather [hbm4b:s4+s2], $0x80, s13, s2, $0xb8;
	[tilespmem:$0x19200] =	vst v63  }
0x5b: {  	_ =	swait.ge [sflag:s7], $0x50  }
0x5c: {  	[sflag:s7] =	ssyncset.done $0x0  }
0x5d: {  	[sflag:s7] =	ssyncadd.s32 $0xFFFFFFB0  }
0x5e: {  	_ =	swait.ge [sflag:s7], $0x50  }
0x5f: {  	[sflag:s7] =	ssyncset.done $0x0  }
0x60: {  	[sflag:s7] =	ssyncadd.s32 $0xFFFFFFB0  }
0x61: {  	_ =	swait.ge [sflag:s8], $0x2800  }
0x62: {  	[sflag:s8] =	ssyncset.done $0x0  }
0x63: {  	[sflag:s8] =	ssyncadd.s32 $0xFFFFD800  }
0x64: {  	[tilespmem:s9], [sflag:$0x2] =	stream.indirect.gather [hbm4b:s4+s2], $0x80, s30, s2, $0xb8;
	[tilespmem:$0x19200] =	vst v63  }
0x65: {  	_ = 	snop  }
0x66: {  	[spmem:s1] =	stream.indirect.scatter.add.f32 [tilespmem:s26], [sflag:$0x5], $0x80, s29, s2, $0xb8;
	[tilespmem:$0x19200] =	vst v63  }
0x67: {  	_ =	swait.ge [sflag:s28], $0x2800  }
0x68: {  	s15 =	sshrl.u32 s25, $0x3;
	[sflag:s28] =	ssyncset.done $0x0  }
0x69: {  	s16 =	sadd.s32 s5, s15;
	[sflag:s28] =	ssyncadd.s32 $0xFFFFD800  }
0x6a: {  	[tilespmem:s3], [sflag:$0x3] =	stream.linear.gather [hbm4b:s16+s3], $0x50, $0x38;
	[tilespmem:$0x19200] =	vst v63  }
0x6b: {  	s13 =	sadd.s32 s6, s15  }
0x6c: {  	[tilespmem:s29], [sflag:$0x3] =	stream.linear.gather [hbm4b:s13+s3], $0x50, $0x38;
	[tilespmem:$0x19200] =	vst v63  }
0x6d: {  	_ =	swait.ge [sflag:s0], $0x50  }
0x6e: {  	[sflag:s0] =	ssyncset.done $0x0  }
0x6f: {  	[sflag:s0] =	ssyncadd.s32 $0xFFFFFFB0  }
0x70: {  	_ =	swait.ge [sflag:s0], $0x50  }
0x71: {  	[sflag:s0] =	ssyncset.done $0x0  }
0x72: {  	[sflag:s0] =	ssyncadd.s32 $0xFFFFFFB0  }
0x73: {  	_ =	swait.ge [sflag:s10], $0x2800  }
0x74: {  	[sflag:s10] =	ssyncset.done $0x0  }
0x75: {  	[sflag:s10] =	ssyncadd.s32 $0xFFFFD800  }
0x76: {  	[tilespmem:s26], [sflag:$0x1] =	stream.indirect.gather [hbm4b:s4+s2], $0x80, s3, s2, $0xb8;
	[tilespmem:$0x19200] =	vst v63  }
0x77: {  	_ = 	snop  }
0x78: {  	[spmem:s1] =	stream.indirect.scatter.add.f32 [tilespmem:s9], [sflag:$0x5], $0x80, s31, s2, $0xb8;
	[tilespmem:$0x19200] =	vst v63  }
0x79: {  	_ =	swait.ge [sflag:s28], $0x2800  }
0x7a: {  	s14 =	sadd.s32 $0xA0, s25;
	s17 =	sadd.s32 $0x0, s24;
	[sflag:s28] =	ssyncset.done $0x0  }
0x7b: {  	s15 =	sadd.s32 $0x0, s23;
	s13 =	simm.s32 $0x14;
	[sflag:s28] =	ssyncadd.s32 $0xFFFFD800  }
0x7c: {  	[tilespmem:s30], [sflag:$0x4] =	stream.linear.gather [hbm4b:s17+s3], $0x50, $0x38;
	[tilespmem:$0x19200] =	vst v63  }
.LBB2_4:
0x7d: {  	[tilespmem:s31], [sflag:$0x4] =	stream.linear.gather [hbm4b:s15+s3], $0x50, $0x38;
	[tilespmem:$0x19200] =	vst v63  }
0x7e: {  	s15 =	smov.u32 s13  }
0x7f: {  	p0 =	sne.s32 s13, $0x4B0;
	s13 =	sadd.s32 $0x14, s13;
	_ =	swait.ge [sflag:s7], $0x50  }
0x80: {  	[sflag:s7] =	ssyncset.done $0x0  }
0x81: {  	[sflag:s7] =	ssyncadd.s32 $0xFFFFFFB0  }
0x82: {  	_ =	swait.ge [sflag:s7], $0x50  }
0x83: {  	[sflag:s7] =	ssyncset.done $0x0  }
0x84: {  	[sflag:s7] =	ssyncadd.s32 $0xFFFFFFB0  }
0x85: {  	_ =	swait.ge [sflag:s8], $0x2800  }
0x86: {  	[sflag:s8] =	ssyncset.done $0x0  }
0x87: {  	[sflag:s8] =	ssyncadd.s32 $0xFFFFD800  }
0x88: {  	[tilespmem:s9], [sflag:$0x2] =	stream.indirect.gather [hbm4b:s4+s2], $0x80, s30, s2, $0xb8;
	[tilespmem:$0x19200] =	vst v63  }
0x89: {  	_ = 	snop  }
0x8a: {  	[spmem:s1] =	stream.indirect.scatter.add.f32 [tilespmem:s26], [sflag:$0x5], $0x80, s29, s2, $0xb8;
	[tilespmem:$0x19200] =	vst v63  }
0x8b: {  	_ =	swait.ge [sflag:s28], $0x2800  }
0x8c: {  	s16 =	sshrl.u32 s14, $0x3;
	[sflag:s28] =	ssyncset.done $0x0  }
0x8d: {  	s17 =	sadd.s32 s5, s16;
	[sflag:s28] =	ssyncadd.s32 $0xFFFFD800  }
0x8e: {  	[tilespmem:s3], [sflag:$0x3] =	stream.linear.gather [hbm4b:s17+s3], $0x50, $0x38;
	[tilespmem:$0x19200] =	vst v63  }
0x8f: {  	s16 =	sadd.s32 s6, s16  }
0x90: {  	[tilespmem:s29], [sflag:$0x3] =	stream.linear.gather [hbm4b:s16+s3], $0x50, $0x38;
	[tilespmem:$0x19200] =	vst v63  }
0x91: {  	_ =	swait.ge [sflag:s0], $0x50  }
0x92: {  	[sflag:s0] =	ssyncset.done $0x0  }
0x93: {  	[sflag:s0] =	ssyncadd.s32 $0xFFFFFFB0  }
0x94: {  	_ =	swait.ge [sflag:s0], $0x50  }
0x95: {  	[sflag:s0] =	ssyncset.done $0x0  }
0x96: {  	[sflag:s0] =	ssyncadd.s32 $0xFFFFFFB0  }
0x97: {  	_ =	swait.ge [sflag:s10], $0x2800  }
0x98: {  	[sflag:s10] =	ssyncset.done $0x0  }
0x99: {  	[sflag:s10] =	ssyncadd.s32 $0xFFFFD800  }
0x9a: {  	[tilespmem:s26], [sflag:$0x1] =	stream.indirect.gather [hbm4b:s4+s2], $0x80, s3, s2, $0xb8;
	[tilespmem:$0x19200] =	vst v63  }
0x9b: {  	_ = 	snop  }
0x9c: {  	[spmem:s1] =	stream.indirect.scatter.add.f32 [tilespmem:s9], [sflag:$0x5], $0x80, s31, s2, $0xb8;
	[tilespmem:$0x19200] =	vst v63  }
.Ltmp1:
0x9d: {  	_ =	swait.ge [sflag:s28], $0x2800;
	(pc) =	sbr.rel @p0 .LBB2_4-.Ltmp1, $4  }
0x9e: {  	[sflag:s28] =	ssyncset.done $0x0  }
0x9f: {  	s16 =	sadd.s32 s15, s24;
	[sflag:s28] =	ssyncadd.s32 $0xFFFFD800  }
0xa0: {  	[tilespmem:s30], [sflag:$0x4] =	stream.linear.gather [hbm4b:s16+s3], $0x50, $0x38;
	[tilespmem:$0x19200] =	vst v63  }
0xa1: {  	s14 =	sadd.s32 $0xA0, s14;
	s15 =	sadd.s32 s15, s23  }
0xa2: {  	[tilespmem:s31], [sflag:$0x4] =	stream.linear.gather [hbm4b:s15+s3], $0x50, $0x38;
	[tilespmem:$0x19200] =	vst v63  }
0xa3: {  	_ =	swait.ge [sflag:s7], $0x50  }
0xa4: {  	[sflag:s7] =	ssyncset.done $0x0  }
0xa5: {  	[sflag:s7] =	ssyncadd.s32 $0xFFFFFFB0  }
0xa6: {  	_ =	swait.ge [sflag:s7], $0x50  }
0xa7: {  	[sflag:s7] =	ssyncset.done $0x0  }
0xa8: {  	[sflag:s7] =	ssyncadd.s32 $0xFFFFFFB0  }
0xa9: {  	_ =	swait.ge [sflag:s8], $0x2800  }
0xaa: {  	[sflag:s8] =	ssyncset.done $0x0  }
0xab: {  	[sflag:s8] =	ssyncadd.s32 $0xFFFFD800  }
0xac: {  	[tilespmem:s9], [sflag:$0x2] =	stream.indirect.gather [hbm4b:s4+s2], $0x80, s30, s2, $0xb8;
	[tilespmem:$0x19200] =	vst v63  }
0xad: {  	_ = 	snop  }
0xae: {  	[spmem:s1] =	stream.indirect.scatter.add.f32 [tilespmem:s26], [sflag:$0x5], $0x80, s29, s2, $0xb8;
	[tilespmem:$0x19200] =	vst v63  }
0xaf: {  	_ =	swait.ge [sflag:s28], $0x2800  }
0xb0: {  	[sflag:s28] =	ssyncset.done $0x0  }
0xb1: {  	[sflag:s28] =	ssyncadd.s32 $0xFFFFD800  }
0xb2: {  	[tilespmem:s3], [sflag:$0x3] =	stream.linear.gather [hbm4b:s21+s3], $0x50, $0x38;
	[tilespmem:$0x19200] =	vst v63  }
0xb3: {  	_ = 	snop  }
0xb4: {  	[tilespmem:s29], [sflag:$0x3] =	stream.linear.gather [hbm4b:s22+s3], $0x50, $0x38;
	[tilespmem:$0x19200] =	vst v63  }
0xb5: {  	_ =	swait.ge [sflag:s0], $0x50  }
0xb6: {  	[sflag:s0] =	ssyncset.done $0x0  }
0xb7: {  	[sflag:s0] =	ssyncadd.s32 $0xFFFFFFB0  }
0xb8: {  	_ =	swait.ge [sflag:s0], $0x50  }
0xb9: {  	[sflag:s0] =	ssyncset.done $0x0  }
0xba: {  	[sflag:s0] =	ssyncadd.s32 $0xFFFFFFB0  }
0xbb: {  	_ =	swait.ge [sflag:s10], $0x2800  }
0xbc: {  	[sflag:s10] =	ssyncset.done $0x0  }
0xbd: {  	[sflag:s10] =	ssyncadd.s32 $0xFFFFD800  }
0xbe: {  	[tilespmem:s26], [sflag:$0x1] =	stream.indirect.gather [hbm4b:s4+s2], $0x80, s3, s2, $0xb8;
	[tilespmem:$0x19200] =	vst v63  }
0xbf: {  	_ = 	snop  }
0xc0: {  	[spmem:s1] =	stream.indirect.scatter.add.f32 [tilespmem:s9], [sflag:$0x5], $0x80, s31, s2, $0xb8;
	[tilespmem:$0x19200] =	vst v63  }
0xc1: {  	_ =	swait.ge [sflag:s28], $0x2800  }
0xc2: {  	[sflag:s28] =	ssyncset.done $0x0  }
0xc3: {  	[sflag:s28] =	ssyncadd.s32 $0xFFFFD800  }
0xc4: {  	_ =	swait.ge [sflag:s8], $0x2800  }
0xc5: {  	[sflag:s8] =	ssyncset.done $0x0  }
0xc6: {  	[sflag:s8] =	ssyncadd.s32 $0xFFFFD800  }
0xc7: {  	[spmem:s1] =	stream.indirect.scatter.add.f32 [tilespmem:s26], [sflag:$0x5], $0x80, s29, s2, $0xb8;
	[tilespmem:$0x19200] =	vst v63  }
0xc8: {  	_ =	swait.ge [sflag:s28], $0x2800  }
0xc9: {  	[sflag:s28] =	ssyncset.done $0x0  }
0xca: {  	s13 =	stileid.u32;
	[sflag:s28] =	ssyncadd.s32 $0xFFFFD800  }
0xcb: {  	s13 =	sshll.u32 s13, $0x6;
	[bflag:$0x0] =	sbarrier.arrive $0xFFFF  }
0xcc: {  	s14 =	sshrl.u32 s12, $0x3;
	s13 =	sor.u32 $0x1C05, s13;
	s16 =	rddreg [dreg:$0x7]  }
0xcd: {  	[hbm:s16], [sflag:s13] =	dma.local [spmem:s14], $0x2800  }
0xce: {  	_ =	swait.ge [sflag:s28], $0x2800  }
0xcf: {  	s11 =	sadd.s32 $0x1, s11;
	s17 =	rddreg [dreg:$0x8]  }
0xd0: {  	p0 =	sne.s32 s11, s17  }
.Ltmp2:
0xd1: {  	_ = 	snop;
	(pc) =	sbr.rel @p0 .LBB2_1-.Ltmp2, $3  }
0xd2: {  	_ =	sdelay $0x1  }
0xd3: {  	[sflag:s28] =	ssyncset.done $0x0  }
0xd4: {  	[sflag:s28] =	ssyncadd.s32 $0xFFFFD800  }
0xd5: {  	_ =	sfence.sel $0x180000  }
0xd6: {  	[bflag:$0x0] =	sbarrier.arrive $0xFFFF  }
0xd7: {  	_ =	strace $0x90000050  }
0xd8: {  	s0 =	stileid.u32;
	[bflag:$0x2] =	sbarrier.arrive $0xFFFF  }
0xd9: {  	p0 =	sne.s32 s0, $0x0;
	s0 =	rddreg [dreg:$0x2]  }
0xda: {  	s0 =	sadd.s32 @!p0 $0x100000, s0  }
0xdb: {  	[sflag:s0] =	ssyncadd.tile.s32 @!p0 $0x1;
	_ =	shalt  }
.Lfunc_end2:
_tile_overlayer_lowered:
.L_overlay_start_2:
0xdc: {  	(tag) =	ssettag $0x2  }
0xdd: {  	s0 =	rddreg [dreg:$0x0];
	s2 =	stileid.u32  }
0xde: {  	s1 =	rddreg [dreg:$0x1];
	p0 =	sne.s32 s2, $0x0  }
0xdf: {  	s3 =	rddreg [dreg:$0x2];
	[bflag:$0x3] =	sbarrier.arrive $0xFFFF;
	s2 =	simm.s32 @!p0 $0x1C05  }
0xe0: {  	[timem:s3], [sflag:s2] =	dma.local @!p0 [hbm:s0], s1  }
0xe1: {  	s0 =	simm.s32 @!p0 $0x5  }
0xe2: {  	_ =	swait.ge @!p0 [sflag:s0], s1  }
0xe3: {  	s1 =	ssub.s32 @!p0 $0x0, s1;
	[sflag:s0] =	ssyncset.done @!p0 $0x0  }
0xe4: {  	[sflag:s0] =	ssyncadd.s32 @!p0 s1  }
0xe5: {  	[bflag:$0x3] =	sbarrier.arrive $0xFFFF  }
0xe6: {  	_ =	shalt  }

</sc_bundles>
